<compile_context>
chip_gen: v7x
topology: tpu7x:2x2x1
jax: 0.10.2.dev20260603
libtpu: 0.0.44.dev20260713+nightly
codegen_flags: <defaults>
</compile_context>

<pallas_src>
import functools

import jax
import jax.numpy as jnp
from jax import lax
from jax.experimental import pallas as pl
from jax.experimental.pallas import tpu as pltpu
from jax.experimental.pallas import tpu_sc as plsc

N_NODES = 10000
N_PAD = 10240
N_EDGES = 320000
D_IN = 128
D_HID = 128
D_OUT = 64

NC = 2
NS = 16
LANES = 16
NW = NC * NS

EDGE_CHUNK = 80




def _sc_aggregate_body(n_nodes, d, chunks_per_worker,
                       h_hbm, src_hbm, dst_hbm, w_hbm, zeros_hbm, out_hbm,
                       src_v, dst_v, w_v, rows_v, acc, sem):
    c = lax.axis_index("c")
    s = lax.axis_index("s")
    wid = c * NS + s
    rows_per_tile = n_nodes // NS

    pltpu.sync_copy(zeros_hbm.at[pl.ds(s * rows_per_tile, rows_per_tile)],
                    acc.at[pl.ds(s * rows_per_tile, rows_per_tile)])
    plsc.subcore_barrier()

    edge0 = wid * (chunks_per_worker * EDGE_CHUNK)

    def chunk_body(k, carry):
        off = edge0 + k * EDGE_CHUNK
        pltpu.sync_copy(src_hbm.at[pl.ds(off, EDGE_CHUNK)], src_v)
        pltpu.sync_copy(dst_hbm.at[pl.ds(off, EDGE_CHUNK)], dst_v)
        pltpu.sync_copy(w_hbm.at[pl.ds(off, EDGE_CHUNK)], w_v)
        pltpu.async_copy(h_hbm.at[src_v], rows_v, sem).wait()

        def group_body(g, carry2):
            wvec = w_v[pl.ds(g * LANES, LANES)]
            for i in range(LANES):
                wsplat = jnp.full((LANES,), wvec[i], dtype=jnp.float32)
                r = g * LANES + i
                for j in range(d // LANES):
                    sl = pl.ds(j * LANES, LANES)
                    rows_v[r, sl] = rows_v[r, sl] * wsplat
            return carry2

        lax.fori_loop(0, EDGE_CHUNK // LANES, group_body, None)

        pltpu.sync_copy(rows_v, acc.at[dst_v], add=True)
        return carry

    lax.fori_loop(0, chunks_per_worker, chunk_body, None)
    plsc.subcore_barrier()

    pltpu.sync_copy(acc.at[pl.ds(s * rows_per_tile, rows_per_tile)],
                    out_hbm.at[c, pl.ds(s * rows_per_tile, rows_per_tile)])


def _sc_aggregate(h, src2d, dst2d, w2d, zeros):
    n_nodes, d = h.shape
    chunks_per_worker = src2d.shape[0] // (NW * EDGE_CHUNK)
    mesh = plsc.VectorSubcoreMesh(core_axis_name="c", subcore_axis_name="s",
                                  num_cores=NC, num_subcores=NS)
    body = functools.partial(_sc_aggregate_body, n_nodes, d, chunks_per_worker)
    return pl.kernel(
        body,
        out_type=jax.ShapeDtypeStruct((NC, n_nodes, d), jnp.float32),
        mesh=mesh,
        scratch_types=[
            pltpu.VMEM((EDGE_CHUNK,), jnp.int32),
            pltpu.VMEM((EDGE_CHUNK,), jnp.int32),
            pltpu.VMEM((EDGE_CHUNK,), jnp.float32),
            pltpu.VMEM((EDGE_CHUNK, d), jnp.float32),
            pltpu.VMEM_SHARED((n_nodes, d), jnp.float32),
            pltpu.SemaphoreType.DMA,
        ],
        compiler_params=pltpu.CompilerParams(use_tc_tiling_on_sc=False),
    )(h, src2d, dst2d, w2d, zeros)



_ROW_BLOCK = 1024


def _mm_body(x_ref, w_ref, o_ref):
    o_ref[...] = jnp.dot(x_ref[...], w_ref[...],
                         preferred_element_type=jnp.float32)


def _tc_matmul(x, w):
    m, k = x.shape
    n = w.shape[1]
    grid = (m // _ROW_BLOCK,)
    return pl.pallas_call(
        _mm_body,
        grid=grid,
        in_specs=[
            pl.BlockSpec((_ROW_BLOCK, k), lambda i: (i, 0)),
            pl.BlockSpec((k, n), lambda i: (0, 0)),
        ],
        out_specs=pl.BlockSpec((_ROW_BLOCK, n), lambda i: (i, 0)),
        out_shape=jax.ShapeDtypeStruct((m, n), jnp.float32),
    )(x, w)


def _relu_mm_body(p_ref, b_ref, w_ref, o_ref):
    h = jnp.maximum(p_ref[0] + p_ref[1] + b_ref[...], 0.0)
    o_ref[...] = jnp.dot(h, w_ref[...], preferred_element_type=jnp.float32)


def _tc_relu_matmul(partials, b, w):
    _, m, k = partials.shape
    n = w.shape[1]
    grid = (m // _ROW_BLOCK,)
    return pl.pallas_call(
        _relu_mm_body,
        grid=grid,
        in_specs=[
            pl.BlockSpec((NC, _ROW_BLOCK, k), lambda i: (0, i, 0)),
            pl.BlockSpec((1, k), lambda i: (0, 0)),
            pl.BlockSpec((k, n), lambda i: (0, 0)),
        ],
        out_specs=pl.BlockSpec((_ROW_BLOCK, n), lambda i: (i, 0)),
        out_shape=jax.ShapeDtypeStruct((m, n), jnp.float32),
    )(partials, b.reshape(1, k), w)


def _logsoftmax_body(p_ref, b_ref, o_ref):
    z = p_ref[0] + p_ref[1] + b_ref[...]
    m = jnp.max(z, axis=1, keepdims=True)
    e = jnp.exp(z - m)
    ssum = jnp.sum(e, axis=1, keepdims=True)
    o_ref[...] = z - m - jnp.log(ssum)


def _tc_logsoftmax(partials, b):
    _, m, n = partials.shape
    grid = (m // _ROW_BLOCK,)
    return pl.pallas_call(
        _logsoftmax_body,
        grid=grid,
        in_specs=[
            pl.BlockSpec((NC, _ROW_BLOCK, n), lambda i: (0, i, 0)),
            pl.BlockSpec((1, n), lambda i: (0, 0)),
        ],
        out_specs=pl.BlockSpec((_ROW_BLOCK, n), lambda i: (i, 0)),
        out_shape=jax.ShapeDtypeStruct((m, n), jnp.float32),
    )(partials, b.reshape(1, n))




def kernel(inputs, edge_index, edge_attr, W1, b1, W2, b2):
    src = edge_index[0].astype(jnp.int32)
    dst = edge_index[1].astype(jnp.int32)
    w2d = edge_attr
    zeros_hid = jnp.zeros((N_PAD, D_HID), jnp.float32)
    zeros_out = jnp.zeros((N_PAD, D_OUT), jnp.float32)
    x_p = jnp.pad(inputs, ((0, N_PAD - N_NODES), (0, 0)))

    h = _tc_matmul(x_p, W1)
    p1 = _sc_aggregate(h, src, dst, w2d, zeros_hid)
    h2 = _tc_relu_matmul(p1, b1, W2)
    p2 = _sc_aggregate(h2, src, dst, w2d, zeros_out)
    return _tc_logsoftmax(p2, b2)[:N_NODES]

# --- scband reference (transcript-rebuilt; emitter-appended) ---
"""Pipeline reference for scband-gcn-28321014350089 (READ-ONLY COPY).

The authoritative reference and input builder live on the scoring server;
editing this copy changes nothing except your own understanding.
"""

import jax, jax.numpy as jnp
import numpy as np

N_NODES = 10000
N_EDGES = 320000
D_IN = 128
D_HID = 128
D_OUT = 64


def setup_inputs(seed: int = 0) -> dict:
    key = jax.random.key(seed)
    k1, k2, k3, k4, k5 = jax.random.split(key, 5)
    inputs = jax.random.normal(k1, (N_NODES, D_IN), dtype=jnp.float32)
    edge_index = jax.random.randint(k2, (2, N_EDGES), 0, N_NODES, dtype=jnp.int64)
    edge_attr = jax.random.uniform(k3, (N_EDGES,), dtype=jnp.float32)
    W1 = jax.random.normal(k4, (D_IN, D_HID), dtype=jnp.float32) * 0.05
    b1 = jnp.zeros((D_HID,), dtype=jnp.float32)
    W2 = jax.random.normal(k5, (D_HID, D_OUT), dtype=jnp.float32) * 0.05
    b2 = jnp.zeros((D_OUT,), dtype=jnp.float32)
    return {"inputs": inputs, "edge_index": edge_index, "edge_attr": edge_attr,
            "W1": W1, "b1": b1, "W2": W2, "b2": b2}


def _gcn_conv(x, src, dst, edge_weight, W, b, num_nodes):
    # GCNConv with normalize=False: out_i = sum_{(j->i)} w_ji * (x_j @ W) + b
    h = x @ W
    msg = h[src] * edge_weight[:, None]
    agg = jax.ops.segment_sum(msg, dst, num_segments=num_nodes)
    return agg + b


def reference(inputs, edge_index, edge_attr, W1, b1, W2, b2):
    src = edge_index[0]
    dst = edge_index[1]
    n = inputs.shape[0]
    h = _gcn_conv(inputs, src, dst, edge_attr, W1, b1, n)
    h = jax.nn.relu(h)
    # dropout is identity in eval mode
    preds = _gcn_conv(h, src, dst, edge_attr, W2, b2, n)
    return jax.nn.log_softmax(preds, axis=1)

if __name__ == "__main__":
    import jax
    _d = setup_inputs()
    print(jax.jit(kernel)(*tuple(_d.values())))

</pallas_src>

<mosaic_0001>
#map = affine_map<(d0, d1) -> (0, 0)>
#map1 = affine_map<(d0, d1) -> (0)>
#map2 = affine_map<(d0, d1) -> (0, 0, 0)>
module attributes {stable_mosaic.version = 14 : i64} {
  func.func @_sc_aggregate_body(%arg0: i32, %arg1: i32, %arg2: memref<10240x64xf32, #tpu.memory_space<hbm>>, %arg3: memref<320000xi32, #tpu.memory_space<hbm>>, %arg4: memref<320000xi32, #tpu.memory_space<hbm>>, %arg5: memref<320000xf32, #tpu.memory_space<hbm>>, %arg6: memref<10240x64xf32, #tpu.memory_space<hbm>>, %arg7: memref<2x10240x64xf32, #tpu.memory_space<hbm>>, %arg8: memref<80xi32, #tpu.memory_space<vmem>>, %arg9: memref<80xi32, #tpu.memory_space<vmem>>, %arg10: memref<80xf32, #tpu.memory_space<vmem>>, %arg11: memref<80x64xf32, #tpu.memory_space<vmem>>, %arg12: memref<10240x64xf32, #tpu.memory_space<vmem_shared>>, %arg13: memref<!tpu.dma_semaphore, #tpu.memory_space<semaphore_mem>>) attributes {dimension_semantics = [#tpu.dimension_semantics<core_parallel>, #tpu.dimension_semantics<subcore_parallel>], iteration_bounds = array<i64: 2, 16>, scalar_prefetch = 0 : i64, scratch_operands = 6 : i64, tpu.core_type = #tpu.core_type<sc_vector_subcore>, window_params = [{transform_indices = #map}, {transform_indices = #map1}, {transform_indices = #map1}, {transform_indices = #map1}, {transform_indices = #map}, {transform_indices = #map2}]} {
    %mul3A = arith.constant 16 : i32
    %mul3A_0 = arith.muli %arg0, %mul3A : i32
    %add3A = arith.addi %mul3A_0, %arg1 : i32
    %mul3A_1 = arith.constant 640 : i32
    %mul3A_2 = arith.muli %arg1, %mul3A_1 : i32
    %mul3A_3 = arith.constant 640 : i32
    %mul3A_4 = arith.muli %arg1, %mul3A_3 : i32
    "tpu.region"() ({
      %run_scoped3A = tpu.sem_alloc : memref<!tpu.dma_semaphore, #tpu.memory_space<semaphore_mem>>
      %dma_start3A = arith.constant 0 : i32
      %dma_start3A_16 = tpu.memref_slice %arg12[%mul3A_4, %dma_start3A] : memref<10240x64xf32, #tpu.memory_space<vmem_shared>> -> memref<640x64xf32, #tpu.memory_space<vmem_shared>>
      %dma_start3A_17 = arith.constant 0 : i32
      %dma_start3A_18 = tpu.memref_slice %arg6[%mul3A_2, %dma_start3A_17] : memref<10240x64xf32, #tpu.memory_space<hbm>> -> memref<640x64xf32, #tpu.memory_space<hbm>>
      tpu.enqueue_dma source(%dma_start3A_18 : memref<640x64xf32, #tpu.memory_space<hbm>>) target(%dma_start3A_16 : memref<640x64xf32, #tpu.memory_space<vmem_shared>>) target_semaphore(%run_scoped3A : memref<!tpu.dma_semaphore, #tpu.memory_space<semaphore_mem>>)
      %dma_wait3A = arith.constant 0 : i32
      %dma_wait3A_19 = tpu.memref_slice %arg12[%mul3A_4, %dma_wait3A] : memref<10240x64xf32, #tpu.memory_space<vmem_shared>> -> memref<640x64xf32, #tpu.memory_space<vmem_shared>>
      %dma_wait3A_20 = arith.constant 0 : i32
      %dma_wait3A_21 = tpu.memref_slice %arg6[%mul3A_2, %dma_wait3A_20] : memref<10240x64xf32, #tpu.memory_space<hbm>> -> memref<640x64xf32, #tpu.memory_space<hbm>>
      tpu.wait_dma2 semaphore(%run_scoped3A : memref<!tpu.dma_semaphore, #tpu.memory_space<semaphore_mem>>) src(%dma_wait3A_21 : memref<640x64xf32, #tpu.memory_space<hbm>>) dst(%dma_wait3A_19 : memref<640x64xf32, #tpu.memory_space<vmem_shared>>)
      tpu.yield
    }) : () -> ()
    %barrier3A = arith.constant 0 : index
    tpu.barrier barrier_id(%barrier3A)
    %mul3A_5 = arith.constant 10000 : i32
    %mul3A_6 = arith.muli %add3A, %mul3A_5 : i32
    %scan3A = arith.constant 0 : i32
    %scan3A_7 = arith.constant 125 : i32
    %scan3A_8 = arith.addi %scan3A, %scan3A_7 : i32
    %scan3A_9 = arith.constant 1 : i32
    scf.for %scan3A_16 = %scan3A to %scan3A_8 step %scan3A_9  : i32 {
      %mul3A_17 = arith.constant 80 : i32
      %mul3A_18 = arith.muli %scan3A_16, %mul3A_17 : i32
      %add3A_19 = arith.addi %mul3A_6, %mul3A_18 : i32
      "tpu.region"() ({
        %run_scoped3A = tpu.sem_alloc : memref<!tpu.dma_semaphore, #tpu.memory_space<semaphore_mem>>
        %dma_start3A_29 = tpu.memref_slice %arg3[%add3A_19] : memref<320000xi32, #tpu.memory_space<hbm>> -> memref<80xi32, #tpu.memory_space<hbm>>
        %dma_start3A_30 = tpu.memref_slice %arg3[%add3A_19] : memref<320000xi32, #tpu.memory_space<hbm>> -> memref<80xi32, #tpu.memory_space<hbm>>
        tpu.enqueue_dma source(%dma_start3A_30 : memref<80xi32, #tpu.memory_space<hbm>>) target(%arg8 : memref<80xi32, #tpu.memory_space<vmem>>) target_semaphore(%run_scoped3A : memref<!tpu.dma_semaphore, #tpu.memory_space<semaphore_mem>>)
        %dma_wait3A_31 = tpu.memref_slice %arg3[%add3A_19] : memref<320000xi32, #tpu.memory_space<hbm>> -> memref<80xi32, #tpu.memory_space<hbm>>
        %dma_wait3A_32 = tpu.memref_slice %arg3[%add3A_19] : memref<320000xi32, #tpu.memory_space<hbm>> -> memref<80xi32, #tpu.memory_space<hbm>>
        tpu.wait_dma2 semaphore(%run_scoped3A : memref<!tpu.dma_semaphore, #tpu.memory_space<semaphore_mem>>) src(%dma_wait3A_32 : memref<80xi32, #tpu.memory_space<hbm>>) dst(%arg8 : memref<80xi32, #tpu.memory_space<vmem>>)
        tpu.yield
      }) : () -> ()
      "tpu.region"() ({
        %run_scoped3A = tpu.sem_alloc : memref<!tpu.dma_semaphore, #tpu.memory_space<semaphore_mem>>
        %dma_start3A_29 = tpu.memref_slice %arg4[%add3A_19] : memref<320000xi32, #tpu.memory_space<hbm>> -> memref<80xi32, #tpu.memory_space<hbm>>
        %dma_start3A_30 = tpu.memref_slice %arg4[%add3A_19] : memref<320000xi32, #tpu.memory_space<hbm>> -> memref<80xi32, #tpu.memory_space<hbm>>
        tpu.enqueue_dma source(%dma_start3A_30 : memref<80xi32, #tpu.memory_space<hbm>>) target(%arg9 : memref<80xi32, #tpu.memory_space<vmem>>) target_semaphore(%run_scoped3A : memref<!tpu.dma_semaphore, #tpu.memory_space<semaphore_mem>>)
        %dma_wait3A_31 = tpu.memref_slice %arg4[%add3A_19] : memref<320000xi32, #tpu.memory_space<hbm>> -> memref<80xi32, #tpu.memory_space<hbm>>
        %dma_wait3A_32 = tpu.memref_slice %arg4[%add3A_19] : memref<320000xi32, #tpu.memory_space<hbm>> -> memref<80xi32, #tpu.memory_space<hbm>>
        tpu.wait_dma2 semaphore(%run_scoped3A : memref<!tpu.dma_semaphore, #tpu.memory_space<semaphore_mem>>) src(%dma_wait3A_32 : memref<80xi32, #tpu.memory_space<hbm>>) dst(%arg9 : memref<80xi32, #tpu.memory_space<vmem>>)
        tpu.yield
      }) : () -> ()
      "tpu.region"() ({
        %run_scoped3A = tpu.sem_alloc : memref<!tpu.dma_semaphore, #tpu.memory_space<semaphore_mem>>
        %dma_start3A_29 = tpu.memref_slice %arg5[%add3A_19] : memref<320000xf32, #tpu.memory_space<hbm>> -> memref<80xf32, #tpu.memory_space<hbm>>
        %dma_start3A_30 = tpu.memref_slice %arg5[%add3A_19] : memref<320000xf32, #tpu.memory_space<hbm>> -> memref<80xf32, #tpu.memory_space<hbm>>
        tpu.enqueue_dma source(%dma_start3A_30 : memref<80xf32, #tpu.memory_space<hbm>>) target(%arg10 : memref<80xf32, #tpu.memory_space<vmem>>) target_semaphore(%run_scoped3A : memref<!tpu.dma_semaphore, #tpu.memory_space<semaphore_mem>>)
        %dma_wait3A_31 = tpu.memref_slice %arg5[%add3A_19] : memref<320000xf32, #tpu.memory_space<hbm>> -> memref<80xf32, #tpu.memory_space<hbm>>
        %dma_wait3A_32 = tpu.memref_slice %arg5[%add3A_19] : memref<320000xf32, #tpu.memory_space<hbm>> -> memref<80xf32, #tpu.memory_space<hbm>>
        tpu.wait_dma2 semaphore(%run_scoped3A : memref<!tpu.dma_semaphore, #tpu.memory_space<semaphore_mem>>) src(%dma_wait3A_32 : memref<80xf32, #tpu.memory_space<hbm>>) dst(%arg10 : memref<80xf32, #tpu.memory_space<vmem>>)
        tpu.yield
      }) : () -> ()
      %dma_start3A = arith.constant 0 : i32
      %dma_start3A_20 = arith.constant 0 : i32
      %dma_start3A_21 = tpu.memref_slice %arg2[%dma_start3A, %dma_start3A_20] : memref<10240x64xf32, #tpu.memory_space<hbm>> -> memref<10240x64xf32, #tpu.memory_space<hbm>>
      tpu.enqueue_indirect_dma source(%dma_start3A_21 : memref<10240x64xf32, #tpu.memory_space<hbm>>) target(%arg11 : memref<80x64xf32, #tpu.memory_space<vmem>>) offsets(%arg8 : memref<80xi32, #tpu.memory_space<vmem>>) semaphore(%arg13 : memref<!tpu.dma_semaphore, #tpu.memory_space<semaphore_mem>>)
      %dma_wait3A = arith.constant 0 : i32
      %dma_wait3A_22 = arith.constant 0 : i32
      %dma_wait3A_23 = tpu.memref_slice %arg2[%dma_wait3A, %dma_wait3A_22] : memref<10240x64xf32, #tpu.memory_space<hbm>> -> memref<10240x64xf32, #tpu.memory_space<hbm>>
      tpu.wait_indirect_dma semaphore(%arg13 : memref<!tpu.dma_semaphore, #tpu.memory_space<semaphore_mem>>) src(%dma_wait3A_23 : memref<10240x64xf32, #tpu.memory_space<hbm>>) dst(%arg11 : memref<80x64xf32, #tpu.memory_space<vmem>>)
      %scan3A_24 = arith.constant 0 : i32
      %scan3A_25 = arith.constant 5 : i32
      %scan3A_26 = arith.addi %scan3A_24, %scan3A_25 : i32
      %scan3A_27 = arith.constant 1 : i32
      scf.for %scan3A_29 = %scan3A_24 to %scan3A_26 step %scan3A_27  : i32 {
        %mul3A_30 = arith.constant 16 : i32
        %mul3A_31 = arith.muli %scan3A_29, %mul3A_30 : i32
        %get3A = arith.index_cast %mul3A_31 : i32 to index
        %get3A_32 = tpu.vector_load %arg10[%get3A] {strides = array<i32>} : memref<80xf32, #tpu.memory_space<vmem>>, vector<16xf32>,
        %get3A_33 = vector.shape_cast %get3A_32 : vector<16xf32> to vector<16xf32>
        %slice3A = vector.extract_strided_slice %get3A_33 {offsets = [0], sizes = [1], strides = [1]} : vector<16xf32> to vector<1xf32>
        %squeeze3A = vector.extract %slice3A[0] : f32 from vector<1xf32>
        %broadcast_in_dim3A = vector.broadcast %squeeze3A : f32 to vector<16xf32>
        %mul3A_34 = arith.constant 16 : i32
        %mul3A_35 = arith.muli %scan3A_29, %mul3A_34 : i32
        %add3A_36 = arith.constant 0 : i32
        %add3A_37 = arith.addi %mul3A_35, %add3A_36 : i32
        %get3A_38 = arith.index_cast %add3A_37 : i32 to index
        %get3A_39 = arith.constant 0 : index
        %get3A_40 = tpu.vector_load %arg11[%get3A_38, %get3A_39] {strides = array<i32>} : memref<80x64xf32, #tpu.memory_space<vmem>>, vector<1x16xf32>,
        %get3A_41 = vector.shape_cast %get3A_40 : vector<1x16xf32> to vector<16xf32>
        %mul3A_42 = arith.mulf %get3A_41, %broadcast_in_dim3A : vector<16xf32>
        %swap3A = arith.index_cast %add3A_37 : i32 to index
        %swap3A_43 = arith.constant 0 : index
        %swap3A_44 = tpu.vector_load %arg11[%swap3A, %swap3A_43] {strides = array<i32>} : memref<80x64xf32, #tpu.memory_space<vmem>>, vector<1x16xf32>,
        %swap3A_45 = vector.shape_cast %swap3A_44 : vector<1x16xf32> to vector<16xf32>
        %swap3A_46 = vector.shape_cast %mul3A_42 : vector<16xf32> to vector<1x16xf32>
        tpu.vector_store %arg11[%swap3A, %swap3A_43], %swap3A_46 {strides = array<i32>} : memref<80x64xf32, #tpu.memory_space<vmem>>, vector<1x16xf32>,
        %get3A_47 = arith.index_cast %add3A_37 : i32 to index
        %get3A_48 = arith.constant 16 : index
        %get3A_49 = tpu.vector_load %arg11[%get3A_47, %get3A_48] {strides = array<i32>} : memref<80x64xf32, #tpu.memory_space<vmem>>, vector<1x16xf32>,
        %get3A_50 = vector.shape_cast %get3A_49 : vector<1x16xf32> to vector<16xf32>
        %mul3A_51 = arith.mulf %get3A_50, %broadcast_in_dim3A : vector<16xf32>
        %swap3A_52 = arith.index_cast %add3A_37 : i32 to index
        %swap3A_53 = arith.constant 16 : index
        %swap3A_54 = tpu.vector_load %arg11[%swap3A_52, %swap3A_53] {strides = array<i32>} : memref<80x64xf32, #tpu.memory_space<vmem>>, vector<1x16xf32>,
        %swap3A_55 = vector.shape_cast %swap3A_54 : vector<1x16xf32> to vector<16xf32>
        %swap3A_56 = vector.shape_cast %mul3A_51 : vector<16xf32> to vector<1x16xf32>
        tpu.vector_store %arg11[%swap3A_52, %swap3A_53], %swap3A_56 {strides = array<i32>} : memref<80x64xf32, #tpu.memory_space<vmem>>, vector<1x16xf32>,
        %get3A_57 = arith.index_cast %add3A_37 : i32 to index
        %get3A_58 = arith.constant 32 : index
        %get3A_59 = tpu.vector_load %arg11[%get3A_57, %get3A_58] {strides = array<i32>} : memref<80x64xf32, #tpu.memory_space<vmem>>, vector<1x16xf32>,
        %get3A_60 = vector.shape_cast %get3A_59 : vector<1x16xf32> to vector<16xf32>
        %mul3A_61 = arith.mulf %get3A_60, %broadcast_in_dim3A : vector<16xf32>
        %swap3A_62 = arith.index_cast %add3A_37 : i32 to index
        %swap3A_63 = arith.constant 32 : index
        %swap3A_64 = tpu.vector_load %arg11[%swap3A_62, %swap3A_63] {strides = array<i32>} : memref<80x64xf32, #tpu.memory_space<vmem>>, vector<1x16xf32>,
        %swap3A_65 = vector.shape_cast %swap3A_64 : vector<1x16xf32> to vector<16xf32>
        %swap3A_66 = vector.shape_cast %mul3A_61 : vector<16xf32> to vector<1x16xf32>
        tpu.vector_store %arg11[%swap3A_62, %swap3A_63], %swap3A_66 {strides = array<i32>} : memref<80x64xf32, #tpu.memory_space<vmem>>, vector<1x16xf32>,
        %get3A_67 = arith.index_cast %add3A_37 : i32 to index
        %get3A_68 = arith.constant 48 : index
        %get3A_69 = tpu.vector_load %arg11[%get3A_67, %get3A_68] {strides = array<i32>} : memref<80x64xf32, #tpu.memory_space<vmem>>, vector<1x16xf32>,
        %get3A_70 = vector.shape_cast %get3A_69 : vector<1x16xf32> to vector<16xf32>
        %mul3A_71 = arith.mulf %get3A_70, %broadcast_in_dim3A : vector<16xf32>
        %swap3A_72 = arith.index_cast %add3A_37 : i32 to index
        %swap3A_73 = arith.constant 48 : index
        %swap3A_74 = tpu.vector_load %arg11[%swap3A_72, %swap3A_73] {strides = array<i32>} : memref<80x64xf32, #tpu.memory_space<vmem>>, vector<1x16xf32>,
        %swap3A_75 = vector.shape_cast %swap3A_74 : vector<1x16xf32> to vector<16xf32>
        %swap3A_76 = vector.shape_cast %mul3A_71 : vector<16xf32> to vector<1x16xf32>
        tpu.vector_store %arg11[%swap3A_72, %swap3A_73], %swap3A_76 {strides = array<i32>} : memref<80x64xf32, #tpu.memory_space<vmem>>, vector<1x16xf32>,
        %slice3A_77 = vector.extract_strided_slice %get3A_33 {offsets = [1], sizes = [1], strides = [1]} : vector<16xf32> to vector<1xf32>
        %squeeze3A_78 = vector.extract %slice3A_77[0] : f32 from vector<1xf32>
        %broadcast_in_dim3A_79 = vector.broadcast %squeeze3A_78 : f32 to vector<16xf32>
        %mul3A_80 = arith.constant 16 : i32
        %mul3A_81 = arith.muli %scan3A_29, %mul3A_80 : i32
        %add3A_82 = arith.constant 1 : i32
        %add3A_83 = arith.addi %mul3A_81, %add3A_82 : i32
        %get3A_84 = arith.index_cast %add3A_83 : i32 to index
        %get3A_85 = arith.constant 0 : index
        %get3A_86 = tpu.vector_load %arg11[%get3A_84, %get3A_85] {strides = array<i32>} : memref<80x64xf32, #tpu.memory_space<vmem>>, vector<1x16xf32>,
        %get3A_87 = vector.shape_cast %get3A_86 : vector<1x16xf32> to vector<16xf32>
        %mul3A_88 = arith.mulf %get3A_87, %broadcast_in_dim3A_79 : vector<16xf32>
        %swap3A_89 = arith.index_cast %add3A_83 : i32 to index
        %swap3A_90 = arith.constant 0 : index
        %swap3A_91 = tpu.vector_load %arg11[%swap3A_89, %swap3A_90] {strides = array<i32>} : memref<80x64xf32, #tpu.memory_space<vmem>>, vector<1x16xf32>,
        %swap3A_92 = vector.shape_cast %swap3A_91 : vector<1x16xf32> to vector<16xf32>
        %swap3A_93 = vector.shape_cast %mul3A_88 : vector<16xf32> to vector<1x16xf32>
        tpu.vector_store %arg11[%swap3A_89, %swap3A_90], %swap3A_93 {strides = array<i32>} : memref<80x64xf32, #tpu.memory_space<vmem>>, vector<1x16xf32>,
        %get3A_94 = arith.index_cast %add3A_83 : i32 to index
        %get3A_95 = arith.constant 16 : index
        %get3A_96 = tpu.vector_load %arg11[%get3A_94, %get3A_95] {strides = array<i32>} : memref<80x64xf32, #tpu.memory_space<vmem>>, vector<1x16xf32>,
        %get3A_97 = vector.shape_cast %get3A_96 : vector<1x16xf32> to vector<16xf32>
        %mul3A_98 = arith.mulf %get3A_97, %broadcast_in_dim3A_79 : vector<16xf32>
        %swap3A_99 = arith.index_cast %add3A_83 : i32 to index
        %swap3A_100 = arith.constant 16 : index
        %swap3A_101 = tpu.vector_load %arg11[%swap3A_99, %swap3A_100] {strides = array<i32>} : memref<80x64xf32, #tpu.memory_space<vmem>>, vector<1x16xf32>,
        %swap3A_102 = vector.shape_cast %swap3A_101 : vector<1x16xf32> to vector<16xf32>
        %swap3A_103 = vector.shape_cast %mul3A_98 : vector<16xf32> to vector<1x16xf32>
        tpu.vector_store %arg11[%swap3A_99, %swap3A_100], %swap3A_103 {strides = array<i32>} : memref<80x64xf32, #tpu.memory_space<vmem>>, vector<1x16xf32>,
        %get3A_104 = arith.index_cast %add3A_83 : i32 to index
        %get3A_105 = arith.constant 32 : index
        %get3A_106 = tpu.vector_load %arg11[%get3A_104, %get3A_105] {strides = array<i32>} : memref<80x64xf32, #tpu.memory_space<vmem>>, vector<1x16xf32>,
        %get3A_107 = vector.shape_cast %get3A_106 : vector<1x16xf32> to vector<16xf32>
        %mul3A_108 = arith.mulf %get3A_107, %broadcast_in_dim3A_79 : vector<16xf32>
        %swap3A_109 = arith.index_cast %add3A_83 : i32 to index
        %swap3A_110 = arith.constant 32 : index
        %swap3A_111 = tpu.vector_load %arg11[%swap3A_109, %swap3A_110] {strides = array<i32>} : memref<80x64xf32, #tpu.memory_space<vmem>>, vector<1x16xf32>,
        %swap3A_112 = vector.shape_cast %swap3A_111 : vector<1x16xf32> to vector<16xf32>
        %swap3A_113 = vector.shape_cast %mul3A_108 : vector<16xf32> to vector<1x16xf32>
        tpu.vector_store %arg11[%swap3A_109, %swap3A_110], %swap3A_113 {strides = array<i32>} : memref<80x64xf32, #tpu.memory_space<vmem>>, vector<1x16xf32>,
        %get3A_114 = arith.index_cast %add3A_83 : i32 to index
        %get3A_115 = arith.constant 48 : index
        %get3A_116 = tpu.vector_load %arg11[%get3A_114, %get3A_115] {strides = array<i32>} : memref<80x64xf32, #tpu.memory_space<vmem>>, vector<1x16xf32>,
        %get3A_117 = vector.shape_cast %get3A_116 : vector<1x16xf32> to vector<16xf32>
        %mul3A_118 = arith.mulf %get3A_117, %broadcast_in_dim3A_79 : vector<16xf32>
        %swap3A_119 = arith.index_cast %add3A_83 : i32 to index
        %swap3A_120 = arith.constant 48 : index
        %swap3A_121 = tpu.vector_load %arg11[%swap3A_119, %swap3A_120] {strides = array<i32>} : memref<80x64xf32, #tpu.memory_space<vmem>>, vector<1x16xf32>,
        %swap3A_122 = vector.shape_cast %swap3A_121 : vector<1x16xf32> to vector<16xf32>
        %swap3A_123 = vector.shape_cast %mul3A_118 : vector<16xf32> to vector<1x16xf32>
        tpu.vector_store %arg11[%swap3A_119, %swap3A_120], %swap3A_123 {strides = array<i32>} : memref<80x64xf32, #tpu.memory_space<vmem>>, vector<1x16xf32>,
        %slice3A_124 = vector.extract_strided_slice %get3A_33 {offsets = [2], sizes = [1], strides = [1]} : vector<16xf32> to vector<1xf32>
        %squeeze3A_125 = vector.extract %slice3A_124[0] : f32 from vector<1xf32>
        %broadcast_in_dim3A_126 = vector.broadcast %squeeze3A_125 : f32 to vector<16xf32>
        %mul3A_127 = arith.constant 16 : i32
        %mul3A_128 = arith.muli %scan3A_29, %mul3A_127 : i32
        %add3A_129 = arith.constant 2 : i32
        %add3A_130 = arith.addi %mul3A_128, %add3A_129 : i32
        %get3A_131 = arith.index_cast %add3A_130 : i32 to index
        %get3A_132 = arith.constant 0 : index
        %get3A_133 = tpu.vector_load %arg11[%get3A_131, %get3A_132] {strides = array<i32>} : memref<80x64xf32, #tpu.memory_space<vmem>>, vector<1x16xf32>,
        %get3A_134 = vector.shape_cast %get3A_133 : vector<1x16xf32> to vector<16xf32>
        %mul3A_135 = arith.mulf %get3A_134, %broadcast_in_dim3A_126 : vector<16xf32>
        %swap3A_136 = arith.index_cast %add3A_130 : i32 to index
        %swap3A_137 = arith.constant 0 : index
        %swap3A_138 = tpu.vector_load %arg11[%swap3A_136, %swap3A_137] {strides = array<i32>} : memref<80x64xf32, #tpu.memory_space<vmem>>, vector<1x16xf32>,
        %swap3A_139 = vector.shape_cast %swap3A_138 : vector<1x16xf32> to vector<16xf32>
        %swap3A_140 = vector.shape_cast %mul3A_135 : vector<16xf32> to vector<1x16xf32>
        tpu.vector_store %arg11[%swap3A_136, %swap3A_137], %swap3A_140 {strides = array<i32>} : memref<80x64xf32, #tpu.memory_space<vmem>>, vector<1x16xf32>,
        %get3A_141 = arith.index_cast %add3A_130 : i32 to index
        %get3A_142 = arith.constant 16 : index
        %get3A_143 = tpu.vector_load %arg11[%get3A_141, %get3A_142] {strides = array<i32>} : memref<80x64xf32, #tpu.memory_space<vmem>>, vector<1x16xf32>,
        %get3A_144 = vector.shape_cast %get3A_143 : vector<1x16xf32> to vector<16xf32>
        %mul3A_145 = arith.mulf %get3A_144, %broadcast_in_dim3A_126 : vector<16xf32>
        %swap3A_146 = arith.index_cast %add3A_130 : i32 to index
        %swap3A_147 = arith.constant 16 : index
        %swap3A_148 = tpu.vector_load %arg11[%swap3A_146, %swap3A_147] {strides = array<i32>} : memref<80x64xf32, #tpu.memory_space<vmem>>, vector<1x16xf32>,
        %swap3A_149 = vector.shape_cast %swap3A_148 : vector<1x16xf32> to vector<16xf32>
        %swap3A_150 = vector.shape_cast %mul3A_145 : vector<16xf32> to vector<1x16xf32>
        tpu.vector_store %arg11[%swap3A_146, %swap3A_147], %swap3A_150 {strides = array<i32>} : memref<80x64xf32, #tpu.memory_space<vmem>>, vector<1x16xf32>,
        %get3A_151 = arith.index_cast %add3A_130 : i32 to index
        %get3A_152 = arith.constant 32 : index
        %get3A_153 = tpu.vector_load %arg11[%get3A_151, %get3A_152] {strides = array<i32>} : memref<80x64xf32, #tpu.memory_space<vmem>>, vector<1x16xf32>,
        %get3A_154 = vector.shape_cast %get3A_153 : vector<1x16xf32> to vector<16xf32>
        %mul3A_155 = arith.mulf %get3A_154, %broadcast_in_dim3A_126 : vector<16xf32>
        %swap3A_156 = arith.index_cast %add3A_130 : i32 to index
        %swap3A_157 = arith.constant 32 : index
        %swap3A_158 = tpu.vector_load %arg11[%swap3A_156, %swap3A_157] {strides = array<i32>} : memref<80x64xf32, #tpu.memory_space<vmem>>, vector<1x16xf32>,
        %swap3A_159 = vector.shape_cast %swap3A_158 : vector<1x16xf32> to vector<16xf32>
        %swap3A_160 = vector.shape_cast %mul3A_155 : vector<16xf32> to vector<1x16xf32>
        tpu.vector_store %arg11[%swap3A_156, %swap3A_157], %swap3A_160 {strides = array<i32>} : memref<80x64xf32, #tpu.memory_space<vmem>>, vector<1x16xf32>,
        %get3A_161 = arith.index_cast %add3A_130 : i32 to index
        %get3A_162 = arith.constant 48 : index
        %get3A_163 = tpu.vector_load %arg11[%get3A_161, %get3A_162] {strides = array<i32>} : memref<80x64xf32, #tpu.memory_space<vmem>>, vector<1x16xf32>,
        %get3A_164 = vector.shape_cast %get3A_163 : vector<1x16xf32> to vector<16xf32>
        %mul3A_165 = arith.mulf %get3A_164, %broadcast_in_dim3A_126 : vector<16xf32>
        %swap3A_166 = arith.index_cast %add3A_130 : i32 to index
        %swap3A_167 = arith.constant 48 : index
        %swap3A_168 = tpu.vector_load %arg11[%swap3A_166, %swap3A_167] {strides = array<i32>} : memref<80x64xf32, #tpu.memory_space<vmem>>, vector<1x16xf32>,
        %swap3A_169 = vector.shape_cast %swap3A_168 : vector<1x16xf32> to vector<16xf32>
        %swap3A_170 = vector.shape_cast %mul3A_165 : vector<16xf32> to vector<1x16xf32>
        tpu.vector_store %arg11[%swap3A_166, %swap3A_167], %swap3A_170 {strides = array<i32>} : memref<80x64xf32, #tpu.memory_space<vmem>>, vector<1x16xf32>,
        %slice3A_171 = vector.extract_strided_slice %get3A_33 {offsets = [3], sizes = [1], strides = [1]} : vector<16xf32> to vector<1xf32>
        %squeeze3A_172 = vector.extract %slice3A_171[0] : f32 from vector<1xf32>
        %broadcast_in_dim3A_173 = vector.broadcast %squeeze3A_172 : f32 to vector<16xf32>
        %mul3A_174 = arith.constant 16 : i32
        %mul3A_175 = arith.muli %scan3A_29, %mul3A_174 : i32
        %add3A_176 = arith.constant 3 : i32
        %add3A_177 = arith.addi %mul3A_175, %add3A_176 : i32
        %get3A_178 = arith.index_cast %add3A_177 : i32 to index
        %get3A_179 = arith.constant 0 : index
        %get3A_180 = tpu.vector_load %arg11[%get3A_178, %get3A_179] {strides = array<i32>} : memref<80x64xf32, #tpu.memory_space<vmem>>, vector<1x16xf32>,
        %get3A_181 = vector.shape_cast %get3A_180 : vector<1x16xf32> to vector<16xf32>
        %mul3A_182 = arith.mulf %get3A_181, %broadcast_in_dim3A_173 : vector<16xf32>
        %swap3A_183 = arith.index_cast %add3A_177 : i32 to index
        %swap3A_184 = arith.constant 0 : index
        %swap3A_185 = tpu.vector_load %arg11[%swap3A_183, %swap3A_184] {strides = array<i32>} : memref<80x64xf32, #tpu.memory_space<vmem>>, vector<1x16xf32>,
        %swap3A_186 = vector.shape_cast %swap3A_185 : vector<1x16xf32> to vector<16xf32>
        %swap3A_187 = vector.shape_cast %mul3A_182 : vector<16xf32> to vector<1x16xf32>
        tpu.vector_store %arg11[%swap3A_183, %swap3A_184], %swap3A_187 {strides = array<i32>} : memref<80x64xf32, #tpu.memory_space<vmem>>, vector<1x16xf32>,
        %get3A_188 = arith.index_cast %add3A_177 : i32 to index
        %get3A_189 = arith.constant 16 : index
        %get3A_190 = tpu.vector_load %arg11[%get3A_188, %get3A_189] {strides = array<i32>} : memref<80x64xf32, #tpu.memory_space<vmem>>, vector<1x16xf32>,
        %get3A_191 = vector.shape_cast %get3A_190 : vector<1x16xf32> to vector<16xf32>
        %mul3A_192 = arith.mulf %get3A_191, %broadcast_in_dim3A_173 : vector<16xf32>
        %swap3A_193 = arith.index_cast %add3A_177 : i32 to index
        %swap3A_194 = arith.constant 16 : index
        %swap3A_195 = tpu.vector_load %arg11[%swap3A_193, %swap3A_194] {strides = array<i32>} : memref<80x64xf32, #tpu.memory_space<vmem>>, vector<1x16xf32>,
        %swap3A_196 = vector.shape_cast %swap3A_195 : vector<1x16xf32> to vector<16xf32>
        %swap3A_197 = vector.shape_cast %mul3A_192 : vector<16xf32> to vector<1x16xf32>
        tpu.vector_store %arg11[%swap3A_193, %swap3A_194], %swap3A_197 {strides = array<i32>} : memref<80x64xf32, #tpu.memory_space<vmem>>, vector<1x16xf32>,
        %get3A_198 = arith.index_cast %add3A_177 : i32 to index
        %get3A_199 = arith.constant 32 : index
        %get3A_200 = tpu.vector_load %arg11[%get3A_198, %get3A_199] {strides = array<i32>} : memref<80x64xf32, #tpu.memory_space<vmem>>, vector<1x16xf32>,
        %get3A_201 = vector.shape_cast %get3A_200 : vector<1x16xf32> to vector<16xf32>
        %mul3A_202 = arith.mulf %get3A_201, %broadcast_in_dim3A_173 : vector<16xf32>
        %swap3A_203 = arith.index_cast %add3A_177 : i32 to index
        %swap3A_204 = arith.constant 32 : index
        %swap3A_205 = tpu.vector_load %arg11[%swap3A_203, %swap3A_204] {strides = array<i32>} : memref<80x64xf32, #tpu.memory_space<vmem>>, vector<1x16xf32>,
        %swap3A_206 = vector.shape_cast %swap3A_205 : vector<1x16xf32> to vector<16xf32>
        %swap3A_207 = vector.shape_cast %mul3A_202 : vector<16xf32> to vector<1x16xf32>
        tpu.vector_store %arg11[%swap3A_203, %swap3A_204], %swap3A_207 {strides = array<i32>} : memref<80x64xf32, #tpu.memory_space<vmem>>, vector<1x16xf32>,
        %get3A_208 = arith.index_cast %add3A_177 : i32 to index
        %get3A_209 = arith.constant 48 : index
        %get3A_210 = tpu.vector_load %arg11[%get3A_208, %get3A_209] {strides = array<i32>} : memref<80x64xf32, #tpu.memory_space<vmem>>, vector<1x16xf32>,
        %get3A_211 = vector.shape_cast %get3A_210 : vector<1x16xf32> to vector<16xf32>
        %mul3A_212 = arith.mulf %get3A_211, %broadcast_in_dim3A_173 : vector<16xf32>
        %swap3A_213 = arith.index_cast %add3A_177 : i32 to index
        %swap3A_214 = arith.constant 48 : index
        %swap3A_215 = tpu.vector_load %arg11[%swap3A_213, %swap3A_214] {strides = array<i32>} : memref<80x64xf32, #tpu.memory_space<vmem>>, vector<1x16xf32>,
        %swap3A_216 = vector.shape_cast %swap3A_215 : vector<1x16xf32> to vector<16xf32>
        %swap3A_217 = vector.shape_cast %mul3A_212 : vector<16xf32> to vector<1x16xf32>
        tpu.vector_store %arg11[%swap3A_213, %swap3A_214], %swap3A_217 {strides = array<i32>} : memref<80x64xf32, #tpu.memory_space<vmem>>, vector<1x16xf32>,
        %slice3A_218 = vector.extract_strided_slice %get3A_33 {offsets = [4], sizes = [1], strides = [1]} : vector<16xf32> to vector<1xf32>
        %squeeze3A_219 = vector.extract %slice3A_218[0] : f32 from vector<1xf32>
        %broadcast_in_dim3A_220 = vector.broadcast %squeeze3A_219 : f32 to vector<16xf32>
        %mul3A_221 = arith.constant 16 : i32
        %mul3A_222 = arith.muli %scan3A_29, %mul3A_221 : i32
        %add3A_223 = arith.constant 4 : i32
        %add3A_224 = arith.addi %mul3A_222, %add3A_223 : i32
        %get3A_225 = arith.index_cast %add3A_224 : i32 to index
        %get3A_226 = arith.constant 0 : index
        %get3A_227 = tpu.vector_load %arg11[%get3A_225, %get3A_226] {strides = array<i32>} : memref<80x64xf32, #tpu.memory_space<vmem>>, vector<1x16xf32>,
        %get3A_228 = vector.shape_cast %get3A_227 : vector<1x16xf32> to vector<16xf32>
        %mul3A_229 = arith.mulf %get3A_228, %broadcast_in_dim3A_220 : vector<16xf32>
        %swap3A_230 = arith.index_cast %add3A_224 : i32 to index
        %swap3A_231 = arith.constant 0 : index
        %swap3A_232 = tpu.vector_load %arg11[%swap3A_230, %swap3A_231] {strides = array<i32>} : memref<80x64xf32, #tpu.memory_space<vmem>>, vector<1x16xf32>,
        %swap3A_233 = vector.shape_cast %swap3A_232 : vector<1x16xf32> to vector<16xf32>
        %swap3A_234 = vector.shape_cast %mul3A_229 : vector<16xf32> to vector<1x16xf32>
        tpu.vector_store %arg11[%swap3A_230, %swap3A_231], %swap3A_234 {strides = array<i32>} : memref<80x64xf32, #tpu.memory_space<vmem>>, vector<1x16xf32>,
        %get3A_235 = arith.index_cast %add3A_224 : i32 to index
        %get3A_236 = arith.constant 16 : index
        %get3A_237 = tpu.vector_load %arg11[%get3A_235, %get3A_236] {strides = array<i32>} : memref<80x64xf32, #tpu.memory_space<vmem>>, vector<1x16xf32>,
        %get3A_238 = vector.shape_cast %get3A_237 : vector<1x16xf32> to vector<16xf32>
        %mul3A_239 = arith.mulf %get3A_238, %broadcast_in_dim3A_220 : vector<16xf32>
        %swap3A_240 = arith.index_cast %add3A_224 : i32 to index
        %swap3A_241 = arith.constant 16 : index
        %swap3A_242 = tpu.vector_load %arg11[%swap3A_240, %swap3A_241] {strides = array<i32>} : memref<80x64xf32, #tpu.memory_space<vmem>>, vector<1x16xf32>,
        %swap3A_243 = vector.shape_cast %swap3A_242 : vector<1x16xf32> to vector<16xf32>
        %swap3A_244 = vector.shape_cast %mul3A_239 : vector<16xf32> to vector<1x16xf32>
        tpu.vector_store %arg11[%swap3A_240, %swap3A_241], %swap3A_244 {strides = array<i32>} : memref<80x64xf32, #tpu.memory_space<vmem>>, vector<1x16xf32>,
        %get3A_245 = arith.index_cast %add3A_224 : i32 to index
        %get3A_246 = arith.constant 32 : index
        %get3A_247 = tpu.vector_load %arg11[%get3A_245, %get3A_246] {strides = array<i32>} : memref<80x64xf32, #tpu.memory_space<vmem>>, vector<1x16xf32>,
        %get3A_248 = vector.shape_cast %get3A_247 : vector<1x16xf32> to vector<16xf32>
        %mul3A_249 = arith.mulf %get3A_248, %broadcast_in_dim3A_220 : vector<16xf32>
        %swap3A_250 = arith.index_cast %add3A_224 : i32 to index
        %swap3A_251 = arith.constant 32 : index
        %swap3A_252 = tpu.vector_load %arg11[%swap3A_250, %swap3A_251] {strides = array<i32>} : memref<80x64xf32, #tpu.memory_space<vmem>>, vector<1x16xf32>,
        %swap3A_253 = vector.shape_cast %swap3A_252 : vector<1x16xf32> to vector<16xf32>
        %swap3A_254 = vector.shape_cast %mul3A_249 : vector<16xf32> to vector<1x16xf32>
        tpu.vector_store %arg11[%swap3A_250, %swap3A_251], %swap3A_254 {strides = array<i32>} : memref<80x64xf32, #tpu.memory_space<vmem>>, vector<1x16xf32>,
        %get3A_255 = arith.index_cast %add3A_224 : i32 to index
        %get3A_256 = arith.constant 48 : index
        %get3A_257 = tpu.vector_load %arg11[%get3A_255, %get3A_256] {strides = array<i32>} : memref<80x64xf32, #tpu.memory_space<vmem>>, vector<1x16xf32>,
        %get3A_258 = vector.shape_cast %get3A_257 : vector<1x16xf32> to vector<16xf32>
        %mul3A_259 = arith.mulf %get3A_258, %broadcast_in_dim3A_220 : vector<16xf32>
        %swap3A_260 = arith.index_cast %add3A_224 : i32 to index
        %swap3A_261 = arith.constant 48 : index
        %swap3A_262 = tpu.vector_load %arg11[%swap3A_260, %swap3A_261] {strides = array<i32>} : memref<80x64xf32, #tpu.memory_space<vmem>>, vector<1x16xf32>,
        %swap3A_263 = vector.shape_cast %swap3A_262 : vector<1x16xf32> to vector<16xf32>
        %swap3A_264 = vector.shape_cast %mul3A_259 : vector<16xf32> to vector<1x16xf32>
        tpu.vector_store %arg11[%swap3A_260, %swap3A_261], %swap3A_264 {strides = array<i32>} : memref<80x64xf32, #tpu.memory_space<vmem>>, vector<1x16xf32>,
        %slice3A_265 = vector.extract_strided_slice %get3A_33 {offsets = [5], sizes = [1], strides = [1]} : vector<16xf32> to vector<1xf32>
        %squeeze3A_266 = vector.extract %slice3A_265[0] : f32 from vector<1xf32>
        %broadcast_in_dim3A_267 = vector.broadcast %squeeze3A_266 : f32 to vector<16xf32>
        %mul3A_268 = arith.constant 16 : i32
        %mul3A_269 = arith.muli %scan3A_29, %mul3A_268 : i32
        %add3A_270 = arith.constant 5 : i32
        %add3A_271 = arith.addi %mul3A_269, %add3A_270 : i32
        %get3A_272 = arith.index_cast %add3A_271 : i32 to index
        %get3A_273 = arith.constant 0 : index
        %get3A_274 = tpu.vector_load %arg11[%get3A_272, %get3A_273] {strides = array<i32>} : memref<80x64xf32, #tpu.memory_space<vmem>>, vector<1x16xf32>,
        %get3A_275 = vector.shape_cast %get3A_274 : vector<1x16xf32> to vector<16xf32>
        %mul3A_276 = arith.mulf %get3A_275, %broadcast_in_dim3A_267 : vector<16xf32>
        %swap3A_277 = arith.index_cast %add3A_271 : i32 to index
        %swap3A_278 = arith.constant 0 : index
        %swap3A_279 = tpu.vector_load %arg11[%swap3A_277, %swap3A_278] {strides = array<i32>} : memref<80x64xf32, #tpu.memory_space<vmem>>, vector<1x16xf32>,
        %swap3A_280 = vector.shape_cast %swap3A_279 : vector<1x16xf32> to vector<16xf32>
        %swap3A_281 = vector.shape_cast %mul3A_276 : vector<16xf32> to vector<1x16xf32>
        tpu.vector_store %arg11[%swap3A_277, %swap3A_278], %swap3A_281 {strides = array<i32>} : memref<80x64xf32, #tpu.memory_space<vmem>>, vector<1x16xf32>,
        %get3A_282 = arith.index_cast %add3A_271 : i32 to index
        %get3A_283 = arith.constant 16 : index
        %get3A_284 = tpu.vector_load %arg11[%get3A_282, %get3A_283] {strides = array<i32>} : memref<80x64xf32, #tpu.memory_space<vmem>>, vector<1x16xf32>,
        %get3A_285 = vector.shape_cast %get3A_284 : vector<1x16xf32> to vector<16xf32>
        %mul3A_286 = arith.mulf %get3A_285, %broadcast_in_dim3A_267 : vector<16xf32>
        %swap3A_287 = arith.index_cast %add3A_271 : i32 to index
        %swap3A_288 = arith.constant 16 : index
        %swap3A_289 = tpu.vector_load %arg11[%swap3A_287, %swap3A_288] {strides = array<i32>} : memref<80x64xf32, #tpu.memory_space<vmem>>, vector<1x16xf32>,
        %swap3A_290 = vector.shape_cast %swap3A_289 : vector<1x16xf32> to vector<16xf32>
        %swap3A_291 = vector.shape_cast %mul3A_286 : vector<16xf32> to vector<1x16xf32>
        tpu.vector_store %arg11[%swap3A_287, %swap3A_288], %swap3A_291 {strides = array<i32>} : memref<80x64xf32, #tpu.memory_space<vmem>>, vector<1x16xf32>,
        %get3A_292 = arith.index_cast %add3A_271 : i32 to index
        %get3A_293 = arith.constant 32 : index
        %get3A_294 = tpu.vector_load %arg11[%get3A_292, %get3A_293] {strides = array<i32>} : memref<80x64xf32, #tpu.memory_space<vmem>>, vector<1x16xf32>,
        %get3A_295 = vector.shape_cast %get3A_294 : vector<1x16xf32> to vector<16xf32>
        %mul3A_296 = arith.mulf %get3A_295, %broadcast_in_dim3A_267 : vector<16xf32>
        %swap3A_297 = arith.index_cast %add3A_271 : i32 to index
        %swap3A_298 = arith.constant 32 : index
        %swap3A_299 = tpu.vector_load %arg11[%swap3A_297, %swap3A_298] {strides = array<i32>} : memref<80x64xf32, #tpu.memory_space<vmem>>, vector<1x16xf32>,
        %swap3A_300 = vector.shape_cast %swap3A_299 : vector<1x16xf32> to vector<16xf32>
        %swap3A_301 = vector.shape_cast %mul3A_296 : vector<16xf32> to vector<1x16xf32>
        tpu.vector_store %arg11[%swap3A_297, %swap3A_298], %swap3A_301 {strides = array<i32>} : memref<80x64xf32, #tpu.memory_space<vmem>>, vector<1x16xf32>,
        %get3A_302 = arith.index_cast %add3A_271 : i32 to index
        %get3A_303 = arith.constant 48 : index
        %get3A_304 = tpu.vector_load %arg11[%get3A_302, %get3A_303] {strides = array<i32>} : memref<80x64xf32, #tpu.memory_space<vmem>>, vector<1x16xf32>,
        %get3A_305 = vector.shape_cast %get3A_304 : vector<1x16xf32> to vector<16xf32>
        %mul3A_306 = arith.mulf %get3A_305, %broadcast_in_dim3A_267 : vector<16xf32>
        %swap3A_307 = arith.index_cast %add3A_271 : i32 to index
        %swap3A_308 = arith.constant 48 : index
        %swap3A_309 = tpu.vector_load %arg11[%swap3A_307, %swap3A_308] {strides = array<i32>} : memref<80x64xf32, #tpu.memory_space<vmem>>, vector<1x16xf32>,
        %swap3A_310 = vector.shape_cast %swap3A_309 : vector<1x16xf32> to vector<16xf32>
        %swap3A_311 = vector.shape_cast %mul3A_306 : vector<16xf32> to vector<1x16xf32>
        tpu.vector_store %arg11[%swap3A_307, %swap3A_308], %swap3A_311 {strides = array<i32>} : memref<80x64xf32, #tpu.memory_space<vmem>>, vector<1x16xf32>,
        %slice3A_312 = vector.extract_strided_slice %get3A_33 {offsets = [6], sizes = [1], strides = [1]} : vector<16xf32> to vector<1xf32>
        %squeeze3A_313 = vector.extract %slice3A_312[0] : f32 from vector<1xf32>
        %broadcast_in_dim3A_314 = vector.broadcast %squeeze3A_313 : f32 to vector<16xf32>
        %mul3A_315 = arith.constant 16 : i32
        %mul3A_316 = arith.muli %scan3A_29, %mul3A_315 : i32
        %add3A_317 = arith.constant 6 : i32
        %add3A_318 = arith.addi %mul3A_316, %add3A_317 : i32
        %get3A_319 = arith.index_cast %add3A_318 : i32 to index
        %get3A_320 = arith.constant 0 : index
        %get3A_321 = tpu.vector_load %arg11[%get3A_319, %get3A_320] {strides = array<i32>} : memref<80x64xf32, #tpu.memory_space<vmem>>, vector<1x16xf32>,
        %get3A_322 = vector.shape_cast %get3A_321 : vector<1x16xf32> to vector<16xf32>
        %mul3A_323 = arith.mulf %get3A_322, %broadcast_in_dim3A_314 : vector<16xf32>
        %swap3A_324 = arith.index_cast %add3A_318 : i32 to index
        %swap3A_325 = arith.constant 0 : index
        %swap3A_326 = tpu.vector_load %arg11[%swap3A_324, %swap3A_325] {strides = array<i32>} : memref<80x64xf32, #tpu.memory_space<vmem>>, vector<1x16xf32>,
        %swap3A_327 = vector.shape_cast %swap3A_326 : vector<1x16xf32> to vector<16xf32>
        %swap3A_328 = vector.shape_cast %mul3A_323 : vector<16xf32> to vector<1x16xf32>
        tpu.vector_store %arg11[%swap3A_324, %swap3A_325], %swap3A_328 {strides = array<i32>} : memref<80x64xf32, #tpu.memory_space<vmem>>, vector<1x16xf32>,
        %get3A_329 = arith.index_cast %add3A_318 : i32 to index
        %get3A_330 = arith.constant 16 : index
        %get3A_331 = tpu.vector_load %arg11[%get3A_329, %get3A_330] {strides = array<i32>} : memref<80x64xf32, #tpu.memory_space<vmem>>, vector<1x16xf32>,
        %get3A_332 = vector.shape_cast %get3A_331 : vector<1x16xf32> to vector<16xf32>
        %mul3A_333 = arith.mulf %get3A_332, %broadcast_in_dim3A_314 : vector<16xf32>
        %swap3A_334 = arith.index_cast %add3A_318 : i32 to index
        %swap3A_335 = arith.constant 16 : index
        %swap3A_336 = tpu.vector_load %arg11[%swap3A_334, %swap3A_335] {strides = array<i32>} : memref<80x64xf32, #tpu.memory_space<vmem>>, vector<1x16xf32>,
        %swap3A_337 = vector.shape_cast %swap3A_336 : vector<1x16xf32> to vector<16xf32>
        %swap3A_338 = vector.shape_cast %mul3A_333 : vector<16xf32> to vector<1x16xf32>
        tpu.vector_store %arg11[%swap3A_334, %swap3A_335], %swap3A_338 {strides = array<i32>} : memref<80x64xf32, #tpu.memory_space<vmem>>, vector<1x16xf32>,
        %get3A_339 = arith.index_cast %add3A_318 : i32 to index
        %get3A_340 = arith.constant 32 : index
        %get3A_341 = tpu.vector_load %arg11[%get3A_339, %get3A_340] {strides = array<i32>} : memref<80x64xf32, #tpu.memory_space<vmem>>, vector<1x16xf32>,
        %get3A_342 = vector.shape_cast %get3A_341 : vector<1x16xf32> to vector<16xf32>
        %mul3A_343 = arith.mulf %get3A_342, %broadcast_in_dim3A_314 : vector<16xf32>
        %swap3A_344 = arith.index_cast %add3A_318 : i32 to index
        %swap3A_345 = arith.constant 32 : index
        %swap3A_346 = tpu.vector_load %arg11[%swap3A_344, %swap3A_345] {strides = array<i32>} : memref<80x64xf32, #tpu.memory_space<vmem>>, vector<1x16xf32>,
        %swap3A_347 = vector.shape_cast %swap3A_346 : vector<1x16xf32> to vector<16xf32>
        %swap3A_348 = vector.shape_cast %mul3A_343 : vector<16xf32> to vector<1x16xf32>
        tpu.vector_store %arg11[%swap3A_344, %swap3A_345], %swap3A_348 {strides = array<i32>} : memref<80x64xf32, #tpu.memory_space<vmem>>, vector<1x16xf32>,
        %get3A_349 = arith.index_cast %add3A_318 : i32 to index
        %get3A_350 = arith.constant 48 : index
        %get3A_351 = tpu.vector_load %arg11[%get3A_349, %get3A_350] {strides = array<i32>} : memref<80x64xf32, #tpu.memory_space<vmem>>, vector<1x16xf32>,
        %get3A_352 = vector.shape_cast %get3A_351 : vector<1x16xf32> to vector<16xf32>
        %mul3A_353 = arith.mulf %get3A_352, %broadcast_in_dim3A_314 : vector<16xf32>
        %swap3A_354 = arith.index_cast %add3A_318 : i32 to index
        %swap3A_355 = arith.constant 48 : index
        %swap3A_356 = tpu.vector_load %arg11[%swap3A_354, %swap3A_355] {strides = array<i32>} : memref<80x64xf32, #tpu.memory_space<vmem>>, vector<1x16xf32>,
        %swap3A_357 = vector.shape_cast %swap3A_356 : vector<1x16xf32> to vector<16xf32>
        %swap3A_358 = vector.shape_cast %mul3A_353 : vector<16xf32> to vector<1x16xf32>
        tpu.vector_store %arg11[%swap3A_354, %swap3A_355], %swap3A_358 {strides = array<i32>} : memref<80x64xf32, #tpu.memory_space<vmem>>, vector<1x16xf32>,
        %slice3A_359 = vector.extract_strided_slice %get3A_33 {offsets = [7], sizes = [1], strides = [1]} : vector<16xf32> to vector<1xf32>
        %squeeze3A_360 = vector.extract %slice3A_359[0] : f32 from vector<1xf32>
        %broadcast_in_dim3A_361 = vector.broadcast %squeeze3A_360 : f32 to vector<16xf32>
        %mul3A_362 = arith.constant 16 : i32
        %mul3A_363 = arith.muli %scan3A_29, %mul3A_362 : i32
        %add3A_364 = arith.constant 7 : i32
        %add3A_365 = arith.addi %mul3A_363, %add3A_364 : i32
        %get3A_366 = arith.index_cast %add3A_365 : i32 to index
        %get3A_367 = arith.constant 0 : index
        %get3A_368 = tpu.vector_load %arg11[%get3A_366, %get3A_367] {strides = array<i32>} : memref<80x64xf32, #tpu.memory_space<vmem>>, vector<1x16xf32>,
        %get3A_369 = vector.shape_cast %get3A_368 : vector<1x16xf32> to vector<16xf32>
        %mul3A_370 = arith.mulf %get3A_369, %broadcast_in_dim3A_361 : vector<16xf32>
        %swap3A_371 = arith.index_cast %add3A_365 : i32 to index
        %swap3A_372 = arith.constant 0 : index
        %swap3A_373 = tpu.vector_load %arg11[%swap3A_371, %swap3A_372] {strides = array<i32>} : memref<80x64xf32, #tpu.memory_space<vmem>>, vector<1x16xf32>,
        %swap3A_374 = vector.shape_cast %swap3A_373 : vector<1x16xf32> to vector<16xf32>
        %swap3A_375 = vector.shape_cast %mul3A_370 : vector<16xf32> to vector<1x16xf32>
        tpu.vector_store %arg11[%swap3A_371, %swap3A_372], %swap3A_375 {strides = array<i32>} : memref<80x64xf32, #tpu.memory_space<vmem>>, vector<1x16xf32>,
        %get3A_376 = arith.index_cast %add3A_365 : i32 to index
        %get3A_377 = arith.constant 16 : index
        %get3A_378 = tpu.vector_load %arg11[%get3A_376, %get3A_377] {strides = array<i32>} : memref<80x64xf32, #tpu.memory_space<vmem>>, vector<1x16xf32>,
        %get3A_379 = vector.shape_cast %get3A_378 : vector<1x16xf32> to vector<16xf32>
        %mul3A_380 = arith.mulf %get3A_379, %broadcast_in_dim3A_361 : vector<16xf32>
        %swap3A_381 = arith.index_cast %add3A_365 : i32 to index
        %swap3A_382 = arith.constant 16 : index
        %swap3A_383 = tpu.vector_load %arg11[%swap3A_381, %swap3A_382] {strides = array<i32>} : memref<80x64xf32, #tpu.memory_space<vmem>>, vector<1x16xf32>,
        %swap3A_384 = vector.shape_cast %swap3A_383 : vector<1x16xf32> to vector<16xf32>
        %swap3A_385 = vector.shape_cast %mul3A_380 : vector<16xf32> to vector<1x16xf32>
        tpu.vector_store %arg11[%swap3A_381, %swap3A_382], %swap3A_385 {strides = array<i32>} : memref<80x64xf32, #tpu.memory_space<vmem>>, vector<1x16xf32>,
        %get3A_386 = arith.index_cast %add3A_365 : i32 to index
        %get3A_387 = arith.constant 32 : index
        %get3A_388 = tpu.vector_load %arg11[%get3A_386, %get3A_387] {strides = array<i32>} : memref<80x64xf32, #tpu.memory_space<vmem>>, vector<1x16xf32>,
        %get3A_389 = vector.shape_cast %get3A_388 : vector<1x16xf32> to vector<16xf32>
        %mul3A_390 = arith.mulf %get3A_389, %broadcast_in_dim3A_361 : vector<16xf32>
        %swap3A_391 = arith.index_cast %add3A_365 : i32 to index
        %swap3A_392 = arith.constant 32 : index
        %swap3A_393 = tpu.vector_load %arg11[%swap3A_391, %swap3A_392] {strides = array<i32>} : memref<80x64xf32, #tpu.memory_space<vmem>>, vector<1x16xf32>,
        %swap3A_394 = vector.shape_cast %swap3A_393 : vector<1x16xf32> to vector<16xf32>
        %swap3A_395 = vector.shape_cast %mul3A_390 : vector<16xf32> to vector<1x16xf32>
        tpu.vector_store %arg11[%swap3A_391, %swap3A_392], %swap3A_395 {strides = array<i32>} : memref<80x64xf32, #tpu.memory_space<vmem>>, vector<1x16xf32>,
        %get3A_396 = arith.index_cast %add3A_365 : i32 to index
        %get3A_397 = arith.constant 48 : index
        %get3A_398 = tpu.vector_load %arg11[%get3A_396, %get3A_397] {strides = array<i32>} : memref<80x64xf32, #tpu.memory_space<vmem>>, vector<1x16xf32>,
        %get3A_399 = vector.shape_cast %get3A_398 : vector<1x16xf32> to vector<16xf32>
        %mul3A_400 = arith.mulf %get3A_399, %broadcast_in_dim3A_361 : vector<16xf32>
        %swap3A_401 = arith.index_cast %add3A_365 : i32 to index
        %swap3A_402 = arith.constant 48 : index
        %swap3A_403 = tpu.vector_load %arg11[%swap3A_401, %swap3A_402] {strides = array<i32>} : memref<80x64xf32, #tpu.memory_space<vmem>>, vector<1x16xf32>,
        %swap3A_404 = vector.shape_cast %swap3A_403 : vector<1x16xf32> to vector<16xf32>
        %swap3A_405 = vector.shape_cast %mul3A_400 : vector<16xf32> to vector<1x16xf32>
        tpu.vector_store %arg11[%swap3A_401, %swap3A_402], %swap3A_405 {strides = array<i32>} : memref<80x64xf32, #tpu.memory_space<vmem>>, vector<1x16xf32>,
        %slice3A_406 = vector.extract_strided_slice %get3A_33 {offsets = [8], sizes = [1], strides = [1]} : vector<16xf32> to vector<1xf32>
        %squeeze3A_407 = vector.extract %slice3A_406[0] : f32 from vector<1xf32>
        %broadcast_in_dim3A_408 = vector.broadcast %squeeze3A_407 : f32 to vector<16xf32>
        %mul3A_409 = arith.constant 16 : i32
        %mul3A_410 = arith.muli %scan3A_29, %mul3A_409 : i32
        %add3A_411 = arith.constant 8 : i32
        %add3A_412 = arith.addi %mul3A_410, %add3A_411 : i32
        %get3A_413 = arith.index_cast %add3A_412 : i32 to index
        %get3A_414 = arith.constant 0 : index
        %get3A_415 = tpu.vector_load %arg11[%get3A_413, %get3A_414] {strides = array<i32>} : memref<80x64xf32, #tpu.memory_space<vmem>>, vector<1x16xf32>,
        %get3A_416 = vector.shape_cast %get3A_415 : vector<1x16xf32> to vector<16xf32>
        %mul3A_417 = arith.mulf %get3A_416, %broadcast_in_dim3A_408 : vector<16xf32>
        %swap3A_418 = arith.index_cast %add3A_412 : i32 to index
        %swap3A_419 = arith.constant 0 : index
        %swap3A_420 = tpu.vector_load %arg11[%swap3A_418, %swap3A_419] {strides = array<i32>} : memref<80x64xf32, #tpu.memory_space<vmem>>, vector<1x16xf32>,
        %swap3A_421 = vector.shape_cast %swap3A_420 : vector<1x16xf32> to vector<16xf32>
        %swap3A_422 = vector.shape_cast %mul3A_417 : vector<16xf32> to vector<1x16xf32>
        tpu.vector_store %arg11[%swap3A_418, %swap3A_419], %swap3A_422 {strides = array<i32>} : memref<80x64xf32, #tpu.memory_space<vmem>>, vector<1x16xf32>,
        %get3A_423 = arith.index_cast %add3A_412 : i32 to index
        %get3A_424 = arith.constant 16 : index
        %get3A_425 = tpu.vector_load %arg11[%get3A_423, %get3A_424] {strides = array<i32>} : memref<80x64xf32, #tpu.memory_space<vmem>>, vector<1x16xf32>,
        %get3A_426 = vector.shape_cast %get3A_425 : vector<1x16xf32> to vector<16xf32>
        %mul3A_427 = arith.mulf %get3A_426, %broadcast_in_dim3A_408 : vector<16xf32>
        %swap3A_428 = arith.index_cast %add3A_412 : i32 to index
        %swap3A_429 = arith.constant 16 : index
        %swap3A_430 = tpu.vector_load %arg11[%swap3A_428, %swap3A_429] {strides = array<i32>} : memref<80x64xf32, #tpu.memory_space<vmem>>, vector<1x16xf32>,
        %swap3A_431 = vector.shape_cast %swap3A_430 : vector<1x16xf32> to vector<16xf32>
        %swap3A_432 = vector.shape_cast %mul3A_427 : vector<16xf32> to vector<1x16xf32>
        tpu.vector_store %arg11[%swap3A_428, %swap3A_429], %swap3A_432 {strides = array<i32>} : memref<80x64xf32, #tpu.memory_space<vmem>>, vector<1x16xf32>,
        %get3A_433 = arith.index_cast %add3A_412 : i32 to index
        %get3A_434 = arith.constant 32 : index
        %get3A_435 = tpu.vector_load %arg11[%get3A_433, %get3A_434] {strides = array<i32>} : memref<80x64xf32, #tpu.memory_space<vmem>>, vector<1x16xf32>,
        %get3A_436 = vector.shape_cast %get3A_435 : vector<1x16xf32> to vector<16xf32>
        %mul3A_437 = arith.mulf %get3A_436, %broadcast_in_dim3A_408 : vector<16xf32>
        %swap3A_438 = arith.index_cast %add3A_412 : i32 to index
        %swap3A_439 = arith.constant 32 : index
        %swap3A_440 = tpu.vector_load %arg11[%swap3A_438, %swap3A_439] {strides = array<i32>} : memref<80x64xf32, #tpu.memory_space<vmem>>, vector<1x16xf32>,
        %swap3A_441 = vector.shape_cast %swap3A_440 : vector<1x16xf32> to vector<16xf32>
        %swap3A_442 = vector.shape_cast %mul3A_437 : vector<16xf32> to vector<1x16xf32>
        tpu.vector_store %arg11[%swap3A_438, %swap3A_439], %swap3A_442 {strides = array<i32>} : memref<80x64xf32, #tpu.memory_space<vmem>>, vector<1x16xf32>,
        %get3A_443 = arith.index_cast %add3A_412 : i32 to index
        %get3A_444 = arith.constant 48 : index
        %get3A_445 = tpu.vector_load %arg11[%get3A_443, %get3A_444] {strides = array<i32>} : memref<80x64xf32, #tpu.memory_space<vmem>>, vector<1x16xf32>,
        %get3A_446 = vector.shape_cast %get3A_445 : vector<1x16xf32> to vector<16xf32>
        %mul3A_447 = arith.mulf %get3A_446, %broadcast_in_dim3A_408 : vector<16xf32>
        %swap3A_448 = arith.index_cast %add3A_412 : i32 to index
        %swap3A_449 = arith.constant 48 : index
        %swap3A_450 = tpu.vector_load %arg11[%swap3A_448, %swap3A_449] {strides = array<i32>} : memref<80x64xf32, #tpu.memory_space<vmem>>, vector<1x16xf32>,
        %swap3A_451 = vector.shape_cast %swap3A_450 : vector<1x16xf32> to vector<16xf32>
        %swap3A_452 = vector.shape_cast %mul3A_447 : vector<16xf32> to vector<1x16xf32>
        tpu.vector_store %arg11[%swap3A_448, %swap3A_449], %swap3A_452 {strides = array<i32>} : memref<80x64xf32, #tpu.memory_space<vmem>>, vector<1x16xf32>,
        %slice3A_453 = vector.extract_strided_slice %get3A_33 {offsets = [9], sizes = [1], strides = [1]} : vector<16xf32> to vector<1xf32>
        %squeeze3A_454 = vector.extract %slice3A_453[0] : f32 from vector<1xf32>
        %broadcast_in_dim3A_455 = vector.broadcast %squeeze3A_454 : f32 to vector<16xf32>
        %mul3A_456 = arith.constant 16 : i32
        %mul3A_457 = arith.muli %scan3A_29, %mul3A_456 : i32
        %add3A_458 = arith.constant 9 : i32
        %add3A_459 = arith.addi %mul3A_457, %add3A_458 : i32
        %get3A_460 = arith.index_cast %add3A_459 : i32 to index
        %get3A_461 = arith.constant 0 : index
        %get3A_462 = tpu.vector_load %arg11[%get3A_460, %get3A_461] {strides = array<i32>} : memref<80x64xf32, #tpu.memory_space<vmem>>, vector<1x16xf32>,
        %get3A_463 = vector.shape_cast %get3A_462 : vector<1x16xf32> to vector<16xf32>
        %mul3A_464 = arith.mulf %get3A_463, %broadcast_in_dim3A_455 : vector<16xf32>
        %swap3A_465 = arith.index_cast %add3A_459 : i32 to index
        %swap3A_466 = arith.constant 0 : index
        %swap3A_467 = tpu.vector_load %arg11[%swap3A_465, %swap3A_466] {strides = array<i32>} : memref<80x64xf32, #tpu.memory_space<vmem>>, vector<1x16xf32>,
        %swap3A_468 = vector.shape_cast %swap3A_467 : vector<1x16xf32> to vector<16xf32>
        %swap3A_469 = vector.shape_cast %mul3A_464 : vector<16xf32> to vector<1x16xf32>
        tpu.vector_store %arg11[%swap3A_465, %swap3A_466], %swap3A_469 {strides = array<i32>} : memref<80x64xf32, #tpu.memory_space<vmem>>, vector<1x16xf32>,
        %get3A_470 = arith.index_cast %add3A_459 : i32 to index
        %get3A_471 = arith.constant 16 : index
        %get3A_472 = tpu.vector_load %arg11[%get3A_470, %get3A_471] {strides = array<i32>} : memref<80x64xf32, #tpu.memory_space<vmem>>, vector<1x16xf32>,
        %get3A_473 = vector.shape_cast %get3A_472 : vector<1x16xf32> to vector<16xf32>
        %mul3A_474 = arith.mulf %get3A_473, %broadcast_in_dim3A_455 : vector<16xf32>
        %swap3A_475 = arith.index_cast %add3A_459 : i32 to index
        %swap3A_476 = arith.constant 16 : index
        %swap3A_477 = tpu.vector_load %arg11[%swap3A_475, %swap3A_476] {strides = array<i32>} : memref<80x64xf32, #tpu.memory_space<vmem>>, vector<1x16xf32>,
        %swap3A_478 = vector.shape_cast %swap3A_477 : vector<1x16xf32> to vector<16xf32>
        %swap3A_479 = vector.shape_cast %mul3A_474 : vector<16xf32> to vector<1x16xf32>
        tpu.vector_store %arg11[%swap3A_475, %swap3A_476], %swap3A_479 {strides = array<i32>} : memref<80x64xf32, #tpu.memory_space<vmem>>, vector<1x16xf32>,
        %get3A_480 = arith.index_cast %add3A_459 : i32 to index
        %get3A_481 = arith.constant 32 : index
        %get3A_482 = tpu.vector_load %arg11[%get3A_480, %get3A_481] {strides = array<i32>} : memref<80x64xf32, #tpu.memory_space<vmem>>, vector<1x16xf32>,
        %get3A_483 = vector.shape_cast %get3A_482 : vector<1x16xf32> to vector<16xf32>
        %mul3A_484 = arith.mulf %get3A_483, %broadcast_in_dim3A_455 : vector<16xf32>
        %swap3A_485 = arith.index_cast %add3A_459 : i32 to index
        %swap3A_486 = arith.constant 32 : index
        %swap3A_487 = tpu.vector_load %arg11[%swap3A_485, %swap3A_486] {strides = array<i32>} : memref<80x64xf32, #tpu.memory_space<vmem>>, vector<1x16xf32>,
        %swap3A_488 = vector.shape_cast %swap3A_487 : vector<1x16xf32> to vector<16xf32>
        %swap3A_489 = vector.shape_cast %mul3A_484 : vector<16xf32> to vector<1x16xf32>
        tpu.vector_store %arg11[%swap3A_485, %swap3A_486], %swap3A_489 {strides = array<i32>} : memref<80x64xf32, #tpu.memory_space<vmem>>, vector<1x16xf32>,
        %get3A_490 = arith.index_cast %add3A_459 : i32 to index
        %get3A_491 = arith.constant 48 : index
        %get3A_492 = tpu.vector_load %arg11[%get3A_490, %get3A_491] {strides = array<i32>} : memref<80x64xf32, #tpu.memory_space<vmem>>, vector<1x16xf32>,
        %get3A_493 = vector.shape_cast %get3A_492 : vector<1x16xf32> to vector<16xf32>
        %mul3A_494 = arith.mulf %get3A_493, %broadcast_in_dim3A_455 : vector<16xf32>
        %swap3A_495 = arith.index_cast %add3A_459 : i32 to index
        %swap3A_496 = arith.constant 48 : index
        %swap3A_497 = tpu.vector_load %arg11[%swap3A_495, %swap3A_496] {strides = array<i32>} : memref<80x64xf32, #tpu.memory_space<vmem>>, vector<1x16xf32>,
        %swap3A_498 = vector.shape_cast %swap3A_497 : vector<1x16xf32> to vector<16xf32>
        %swap3A_499 = vector.shape_cast %mul3A_494 : vector<16xf32> to vector<1x16xf32>
        tpu.vector_store %arg11[%swap3A_495, %swap3A_496], %swap3A_499 {strides = array<i32>} : memref<80x64xf32, #tpu.memory_space<vmem>>, vector<1x16xf32>,
        %slice3A_500 = vector.extract_strided_slice %get3A_33 {offsets = [10], sizes = [1], strides = [1]} : vector<16xf32> to vector<1xf32>
        %squeeze3A_501 = vector.extract %slice3A_500[0] : f32 from vector<1xf32>
        %broadcast_in_dim3A_502 = vector.broadcast %squeeze3A_501 : f32 to vector<16xf32>
        %mul3A_503 = arith.constant 16 : i32
        %mul3A_504 = arith.muli %scan3A_29, %mul3A_503 : i32
        %add3A_505 = arith.constant 10 : i32
        %add3A_506 = arith.addi %mul3A_504, %add3A_505 : i32
        %get3A_507 = arith.index_cast %add3A_506 : i32 to index
        %get3A_508 = arith.constant 0 : index
        %get3A_509 = tpu.vector_load %arg11[%get3A_507, %get3A_508] {strides = array<i32>} : memref<80x64xf32, #tpu.memory_space<vmem>>, vector<1x16xf32>,
        %get3A_510 = vector.shape_cast %get3A_509 : vector<1x16xf32> to vector<16xf32>
        %mul3A_511 = arith.mulf %get3A_510, %broadcast_in_dim3A_502 : vector<16xf32>
        %swap3A_512 = arith.index_cast %add3A_506 : i32 to index
        %swap3A_513 = arith.constant 0 : index
        %swap3A_514 = tpu.vector_load %arg11[%swap3A_512, %swap3A_513] {strides = array<i32>} : memref<80x64xf32, #tpu.memory_space<vmem>>, vector<1x16xf32>,
        %swap3A_515 = vector.shape_cast %swap3A_514 : vector<1x16xf32> to vector<16xf32>
        %swap3A_516 = vector.shape_cast %mul3A_511 : vector<16xf32> to vector<1x16xf32>
        tpu.vector_store %arg11[%swap3A_512, %swap3A_513], %swap3A_516 {strides = array<i32>} : memref<80x64xf32, #tpu.memory_space<vmem>>, vector<1x16xf32>,
        %get3A_517 = arith.index_cast %add3A_506 : i32 to index
        %get3A_518 = arith.constant 16 : index
        %get3A_519 = tpu.vector_load %arg11[%get3A_517, %get3A_518] {strides = array<i32>} : memref<80x64xf32, #tpu.memory_space<vmem>>, vector<1x16xf32>,
        %get3A_520 = vector.shape_cast %get3A_519 : vector<1x16xf32> to vector<16xf32>
        %mul3A_521 = arith.mulf %get3A_520, %broadcast_in_dim3A_502 : vector<16xf32>
        %swap3A_522 = arith.index_cast %add3A_506 : i32 to index
        %swap3A_523 = arith.constant 16 : index
        %swap3A_524 = tpu.vector_load %arg11[%swap3A_522, %swap3A_523] {strides = array<i32>} : memref<80x64xf32, #tpu.memory_space<vmem>>, vector<1x16xf32>,
        %swap3A_525 = vector.shape_cast %swap3A_524 : vector<1x16xf32> to vector<16xf32>
        %swap3A_526 = vector.shape_cast %mul3A_521 : vector<16xf32> to vector<1x16xf32>
        tpu.vector_store %arg11[%swap3A_522, %swap3A_523], %swap3A_526 {strides = array<i32>} : memref<80x64xf32, #tpu.memory_space<vmem>>, vector<1x16xf32>,
        %get3A_527 = arith.index_cast %add3A_506 : i32 to index
        %get3A_528 = arith.constant 32 : index
        %get3A_529 = tpu.vector_load %arg11[%get3A_527, %get3A_528] {strides = array<i32>} : memref<80x64xf32, #tpu.memory_space<vmem>>, vector<1x16xf32>,
        %get3A_530 = vector.shape_cast %get3A_529 : vector<1x16xf32> to vector<16xf32>
        %mul3A_531 = arith.mulf %get3A_530, %broadcast_in_dim3A_502 : vector<16xf32>
        %swap3A_532 = arith.index_cast %add3A_506 : i32 to index
        %swap3A_533 = arith.constant 32 : index
        %swap3A_534 = tpu.vector_load %arg11[%swap3A_532, %swap3A_533] {strides = array<i32>} : memref<80x64xf32, #tpu.memory_space<vmem>>, vector<1x16xf32>,
        %swap3A_535 = vector.shape_cast %swap3A_534 : vector<1x16xf32> to vector<16xf32>
        %swap3A_536 = vector.shape_cast %mul3A_531 : vector<16xf32> to vector<1x16xf32>
        tpu.vector_store %arg11[%swap3A_532, %swap3A_533], %swap3A_536 {strides = array<i32>} : memref<80x64xf32, #tpu.memory_space<vmem>>, vector<1x16xf32>,
        %get3A_537 = arith.index_cast %add3A_506 : i32 to index
        %get3A_538 = arith.constant 48 : index
        %get3A_539 = tpu.vector_load %arg11[%get3A_537, %get3A_538] {strides = array<i32>} : memref<80x64xf32, #tpu.memory_space<vmem>>, vector<1x16xf32>,
        %get3A_540 = vector.shape_cast %get3A_539 : vector<1x16xf32> to vector<16xf32>
        %mul3A_541 = arith.mulf %get3A_540, %broadcast_in_dim3A_502 : vector<16xf32>
        %swap3A_542 = arith.index_cast %add3A_506 : i32 to index
        %swap3A_543 = arith.constant 48 : index
        %swap3A_544 = tpu.vector_load %arg11[%swap3A_542, %swap3A_543] {strides = array<i32>} : memref<80x64xf32, #tpu.memory_space<vmem>>, vector<1x16xf32>,
        %swap3A_545 = vector.shape_cast %swap3A_544 : vector<1x16xf32> to vector<16xf32>
        %swap3A_546 = vector.shape_cast %mul3A_541 : vector<16xf32> to vector<1x16xf32>
        tpu.vector_store %arg11[%swap3A_542, %swap3A_543], %swap3A_546 {strides = array<i32>} : memref<80x64xf32, #tpu.memory_space<vmem>>, vector<1x16xf32>,
        %slice3A_547 = vector.extract_strided_slice %get3A_33 {offsets = [11], sizes = [1], strides = [1]} : vector<16xf32> to vector<1xf32>
        %squeeze3A_548 = vector.extract %slice3A_547[0] : f32 from vector<1xf32>
        %broadcast_in_dim3A_549 = vector.broadcast %squeeze3A_548 : f32 to vector<16xf32>
        %mul3A_550 = arith.constant 16 : i32
        %mul3A_551 = arith.muli %scan3A_29, %mul3A_550 : i32
        %add3A_552 = arith.constant 11 : i32
        %add3A_553 = arith.addi %mul3A_551, %add3A_552 : i32
        %get3A_554 = arith.index_cast %add3A_553 : i32 to index
        %get3A_555 = arith.constant 0 : index
        %get3A_556 = tpu.vector_load %arg11[%get3A_554, %get3A_555] {strides = array<i32>} : memref<80x64xf32, #tpu.memory_space<vmem>>, vector<1x16xf32>,
        %get3A_557 = vector.shape_cast %get3A_556 : vector<1x16xf32> to vector<16xf32>
        %mul3A_558 = arith.mulf %get3A_557, %broadcast_in_dim3A_549 : vector<16xf32>
        %swap3A_559 = arith.index_cast %add3A_553 : i32 to index
        %swap3A_560 = arith.constant 0 : index
        %swap3A_561 = tpu.vector_load %arg11[%swap3A_559, %swap3A_560] {strides = array<i32>} : memref<80x64xf32, #tpu.memory_space<vmem>>, vector<1x16xf32>,
        %swap3A_562 = vector.shape_cast %swap3A_561 : vector<1x16xf32> to vector<16xf32>
        %swap3A_563 = vector.shape_cast %mul3A_558 : vector<16xf32> to vector<1x16xf32>
        tpu.vector_store %arg11[%swap3A_559, %swap3A_560], %swap3A_563 {strides = array<i32>} : memref<80x64xf32, #tpu.memory_space<vmem>>, vector<1x16xf32>,
        %get3A_564 = arith.index_cast %add3A_553 : i32 to index
        %get3A_565 = arith.constant 16 : index
        %get3A_566 = tpu.vector_load %arg11[%get3A_564, %get3A_565] {strides = array<i32>} : memref<80x64xf32, #tpu.memory_space<vmem>>, vector<1x16xf32>,
        %get3A_567 = vector.shape_cast %get3A_566 : vector<1x16xf32> to vector<16xf32>
        %mul3A_568 = arith.mulf %get3A_567, %broadcast_in_dim3A_549 : vector<16xf32>
        %swap3A_569 = arith.index_cast %add3A_553 : i32 to index
        %swap3A_570 = arith.constant 16 : index
        %swap3A_571 = tpu.vector_load %arg11[%swap3A_569, %swap3A_570] {strides = array<i32>} : memref<80x64xf32, #tpu.memory_space<vmem>>, vector<1x16xf32>,
        %swap3A_572 = vector.shape_cast %swap3A_571 : vector<1x16xf32> to vector<16xf32>
        %swap3A_573 = vector.shape_cast %mul3A_568 : vector<16xf32> to vector<1x16xf32>
        tpu.vector_store %arg11[%swap3A_569, %swap3A_570], %swap3A_573 {strides = array<i32>} : memref<80x64xf32, #tpu.memory_space<vmem>>, vector<1x16xf32>,
        %get3A_574 = arith.index_cast %add3A_553 : i32 to index
        %get3A_575 = arith.constant 32 : index
        %get3A_576 = tpu.vector_load %arg11[%get3A_574, %get3A_575] {strides = array<i32>} : memref<80x64xf32, #tpu.memory_space<vmem>>, vector<1x16xf32>,
        %get3A_577 = vector.shape_cast %get3A_576 : vector<1x16xf32> to vector<16xf32>
        %mul3A_578 = arith.mulf %get3A_577, %broadcast_in_dim3A_549 : vector<16xf32>
        %swap3A_579 = arith.index_cast %add3A_553 : i32 to index
        %swap3A_580 = arith.constant 32 : index
        %swap3A_581 = tpu.vector_load %arg11[%swap3A_579, %swap3A_580] {strides = array<i32>} : memref<80x64xf32, #tpu.memory_space<vmem>>, vector<1x16xf32>,
        %swap3A_582 = vector.shape_cast %swap3A_581 : vector<1x16xf32> to vector<16xf32>
        %swap3A_583 = vector.shape_cast %mul3A_578 : vector<16xf32> to vector<1x16xf32>
        tpu.vector_store %arg11[%swap3A_579, %swap3A_580], %swap3A_583 {strides = array<i32>} : memref<80x64xf32, #tpu.memory_space<vmem>>, vector<1x16xf32>,
        %get3A_584 = arith.index_cast %add3A_553 : i32 to index
        %get3A_585 = arith.constant 48 : index
        %get3A_586 = tpu.vector_load %arg11[%get3A_584, %get3A_585] {strides = array<i32>} : memref<80x64xf32, #tpu.memory_space<vmem>>, vector<1x16xf32>,
        %get3A_587 = vector.shape_cast %get3A_586 : vector<1x16xf32> to vector<16xf32>
        %mul3A_588 = arith.mulf %get3A_587, %broadcast_in_dim3A_549 : vector<16xf32>
        %swap3A_589 = arith.index_cast %add3A_553 : i32 to index
        %swap3A_590 = arith.constant 48 : index
        %swap3A_591 = tpu.vector_load %arg11[%swap3A_589, %swap3A_590] {strides = array<i32>} : memref<80x64xf32, #tpu.memory_space<vmem>>, vector<1x16xf32>,
        %swap3A_592 = vector.shape_cast %swap3A_591 : vector<1x16xf32> to vector<16xf32>
        %swap3A_593 = vector.shape_cast %mul3A_588 : vector<16xf32> to vector<1x16xf32>
        tpu.vector_store %arg11[%swap3A_589, %swap3A_590], %swap3A_593 {strides = array<i32>} : memref<80x64xf32, #tpu.memory_space<vmem>>, vector<1x16xf32>,
        %slice3A_594 = vector.extract_strided_slice %get3A_33 {offsets = [12], sizes = [1], strides = [1]} : vector<16xf32> to vector<1xf32>
        %squeeze3A_595 = vector.extract %slice3A_594[0] : f32 from vector<1xf32>
        %broadcast_in_dim3A_596 = vector.broadcast %squeeze3A_595 : f32 to vector<16xf32>
        %mul3A_597 = arith.constant 16 : i32
        %mul3A_598 = arith.muli %scan3A_29, %mul3A_597 : i32
        %add3A_599 = arith.constant 12 : i32
        %add3A_600 = arith.addi %mul3A_598, %add3A_599 : i32
        %get3A_601 = arith.index_cast %add3A_600 : i32 to index
        %get3A_602 = arith.constant 0 : index
        %get3A_603 = tpu.vector_load %arg11[%get3A_601, %get3A_602] {strides = array<i32>} : memref<80x64xf32, #tpu.memory_space<vmem>>, vector<1x16xf32>,
        %get3A_604 = vector.shape_cast %get3A_603 : vector<1x16xf32> to vector<16xf32>
        %mul3A_605 = arith.mulf %get3A_604, %broadcast_in_dim3A_596 : vector<16xf32>
        %swap3A_606 = arith.index_cast %add3A_600 : i32 to index
        %swap3A_607 = arith.constant 0 : index
        %swap3A_608 = tpu.vector_load %arg11[%swap3A_606, %swap3A_607] {strides = array<i32>} : memref<80x64xf32, #tpu.memory_space<vmem>>, vector<1x16xf32>,
        %swap3A_609 = vector.shape_cast %swap3A_608 : vector<1x16xf32> to vector<16xf32>
        %swap3A_610 = vector.shape_cast %mul3A_605 : vector<16xf32> to vector<1x16xf32>
        tpu.vector_store %arg11[%swap3A_606, %swap3A_607], %swap3A_610 {strides = array<i32>} : memref<80x64xf32, #tpu.memory_space<vmem>>, vector<1x16xf32>,
        %get3A_611 = arith.index_cast %add3A_600 : i32 to index
        %get3A_612 = arith.constant 16 : index
        %get3A_613 = tpu.vector_load %arg11[%get3A_611, %get3A_612] {strides = array<i32>} : memref<80x64xf32, #tpu.memory_space<vmem>>, vector<1x16xf32>,
        %get3A_614 = vector.shape_cast %get3A_613 : vector<1x16xf32> to vector<16xf32>
        %mul3A_615 = arith.mulf %get3A_614, %broadcast_in_dim3A_596 : vector<16xf32>
        %swap3A_616 = arith.index_cast %add3A_600 : i32 to index
        %swap3A_617 = arith.constant 16 : index
        %swap3A_618 = tpu.vector_load %arg11[%swap3A_616, %swap3A_617] {strides = array<i32>} : memref<80x64xf32, #tpu.memory_space<vmem>>, vector<1x16xf32>,
        %swap3A_619 = vector.shape_cast %swap3A_618 : vector<1x16xf32> to vector<16xf32>
        %swap3A_620 = vector.shape_cast %mul3A_615 : vector<16xf32> to vector<1x16xf32>
        tpu.vector_store %arg11[%swap3A_616, %swap3A_617], %swap3A_620 {strides = array<i32>} : memref<80x64xf32, #tpu.memory_space<vmem>>, vector<1x16xf32>,
        %get3A_621 = arith.index_cast %add3A_600 : i32 to index
        %get3A_622 = arith.constant 32 : index
        %get3A_623 = tpu.vector_load %arg11[%get3A_621, %get3A_622] {strides = array<i32>} : memref<80x64xf32, #tpu.memory_space<vmem>>, vector<1x16xf32>,
        %get3A_624 = vector.shape_cast %get3A_623 : vector<1x16xf32> to vector<16xf32>
        %mul3A_625 = arith.mulf %get3A_624, %broadcast_in_dim3A_596 : vector<16xf32>
        %swap3A_626 = arith.index_cast %add3A_600 : i32 to index
        %swap3A_627 = arith.constant 32 : index
        %swap3A_628 = tpu.vector_load %arg11[%swap3A_626, %swap3A_627] {strides = array<i32>} : memref<80x64xf32, #tpu.memory_space<vmem>>, vector<1x16xf32>,
        %swap3A_629 = vector.shape_cast %swap3A_628 : vector<1x16xf32> to vector<16xf32>
        %swap3A_630 = vector.shape_cast %mul3A_625 : vector<16xf32> to vector<1x16xf32>
        tpu.vector_store %arg11[%swap3A_626, %swap3A_627], %swap3A_630 {strides = array<i32>} : memref<80x64xf32, #tpu.memory_space<vmem>>, vector<1x16xf32>,
        %get3A_631 = arith.index_cast %add3A_600 : i32 to index
        %get3A_632 = arith.constant 48 : index
        %get3A_633 = tpu.vector_load %arg11[%get3A_631, %get3A_632] {strides = array<i32>} : memref<80x64xf32, #tpu.memory_space<vmem>>, vector<1x16xf32>,
        %get3A_634 = vector.shape_cast %get3A_633 : vector<1x16xf32> to vector<16xf32>
        %mul3A_635 = arith.mulf %get3A_634, %broadcast_in_dim3A_596 : vector<16xf32>
        %swap3A_636 = arith.index_cast %add3A_600 : i32 to index
        %swap3A_637 = arith.constant 48 : index
        %swap3A_638 = tpu.vector_load %arg11[%swap3A_636, %swap3A_637] {strides = array<i32>} : memref<80x64xf32, #tpu.memory_space<vmem>>, vector<1x16xf32>,
        %swap3A_639 = vector.shape_cast %swap3A_638 : vector<1x16xf32> to vector<16xf32>
        %swap3A_640 = vector.shape_cast %mul3A_635 : vector<16xf32> to vector<1x16xf32>
        tpu.vector_store %arg11[%swap3A_636, %swap3A_637], %swap3A_640 {strides = array<i32>} : memref<80x64xf32, #tpu.memory_space<vmem>>, vector<1x16xf32>,
        %slice3A_641 = vector.extract_strided_slice %get3A_33 {offsets = [13], sizes = [1], strides = [1]} : vector<16xf32> to vector<1xf32>
        %squeeze3A_642 = vector.extract %slice3A_641[0] : f32 from vector<1xf32>
        %broadcast_in_dim3A_643 = vector.broadcast %squeeze3A_642 : f32 to vector<16xf32>
        %mul3A_644 = arith.constant 16 : i32
        %mul3A_645 = arith.muli %scan3A_29, %mul3A_644 : i32
        %add3A_646 = arith.constant 13 : i32
        %add3A_647 = arith.addi %mul3A_645, %add3A_646 : i32
        %get3A_648 = arith.index_cast %add3A_647 : i32 to index
        %get3A_649 = arith.constant 0 : index
        %get3A_650 = tpu.vector_load %arg11[%get3A_648, %get3A_649] {strides = array<i32>} : memref<80x64xf32, #tpu.memory_space<vmem>>, vector<1x16xf32>,
        %get3A_651 = vector.shape_cast %get3A_650 : vector<1x16xf32> to vector<16xf32>
        %mul3A_652 = arith.mulf %get3A_651, %broadcast_in_dim3A_643 : vector<16xf32>
        %swap3A_653 = arith.index_cast %add3A_647 : i32 to index
        %swap3A_654 = arith.constant 0 : index
        %swap3A_655 = tpu.vector_load %arg11[%swap3A_653, %swap3A_654] {strides = array<i32>} : memref<80x64xf32, #tpu.memory_space<vmem>>, vector<1x16xf32>,
        %swap3A_656 = vector.shape_cast %swap3A_655 : vector<1x16xf32> to vector<16xf32>
        %swap3A_657 = vector.shape_cast %mul3A_652 : vector<16xf32> to vector<1x16xf32>
        tpu.vector_store %arg11[%swap3A_653, %swap3A_654], %swap3A_657 {strides = array<i32>} : memref<80x64xf32, #tpu.memory_space<vmem>>, vector<1x16xf32>,
        %get3A_658 = arith.index_cast %add3A_647 : i32 to index
        %get3A_659 = arith.constant 16 : index
        %get3A_660 = tpu.vector_load %arg11[%get3A_658, %get3A_659] {strides = array<i32>} : memref<80x64xf32, #tpu.memory_space<vmem>>, vector<1x16xf32>,
        %get3A_661 = vector.shape_cast %get3A_660 : vector<1x16xf32> to vector<16xf32>
        %mul3A_662 = arith.mulf %get3A_661, %broadcast_in_dim3A_643 : vector<16xf32>
        %swap3A_663 = arith.index_cast %add3A_647 : i32 to index
        %swap3A_664 = arith.constant 16 : index
        %swap3A_665 = tpu.vector_load %arg11[%swap3A_663, %swap3A_664] {strides = array<i32>} : memref<80x64xf32, #tpu.memory_space<vmem>>, vector<1x16xf32>,
        %swap3A_666 = vector.shape_cast %swap3A_665 : vector<1x16xf32> to vector<16xf32>
        %swap3A_667 = vector.shape_cast %mul3A_662 : vector<16xf32> to vector<1x16xf32>
        tpu.vector_store %arg11[%swap3A_663, %swap3A_664], %swap3A_667 {strides = array<i32>} : memref<80x64xf32, #tpu.memory_space<vmem>>, vector<1x16xf32>,
        %get3A_668 = arith.index_cast %add3A_647 : i32 to index
        %get3A_669 = arith.constant 32 : index
        %get3A_670 = tpu.vector_load %arg11[%get3A_668, %get3A_669] {strides = array<i32>} : memref<80x64xf32, #tpu.memory_space<vmem>>, vector<1x16xf32>,
        %get3A_671 = vector.shape_cast %get3A_670 : vector<1x16xf32> to vector<16xf32>
        %mul3A_672 = arith.mulf %get3A_671, %broadcast_in_dim3A_643 : vector<16xf32>
        %swap3A_673 = arith.index_cast %add3A_647 : i32 to index
        %swap3A_674 = arith.constant 32 : index
        %swap3A_675 = tpu.vector_load %arg11[%swap3A_673, %swap3A_674] {strides = array<i32>} : memref<80x64xf32, #tpu.memory_space<vmem>>, vector<1x16xf32>,
        %swap3A_676 = vector.shape_cast %swap3A_675 : vector<1x16xf32> to vector<16xf32>
        %swap3A_677 = vector.shape_cast %mul3A_672 : vector<16xf32> to vector<1x16xf32>
        tpu.vector_store %arg11[%swap3A_673, %swap3A_674], %swap3A_677 {strides = array<i32>} : memref<80x64xf32, #tpu.memory_space<vmem>>, vector<1x16xf32>,
        %get3A_678 = arith.index_cast %add3A_647 : i32 to index
        %get3A_679 = arith.constant 48 : index
        %get3A_680 = tpu.vector_load %arg11[%get3A_678, %get3A_679] {strides = array<i32>} : memref<80x64xf32, #tpu.memory_space<vmem>>, vector<1x16xf32>,
        %get3A_681 = vector.shape_cast %get3A_680 : vector<1x16xf32> to vector<16xf32>
        %mul3A_682 = arith.mulf %get3A_681, %broadcast_in_dim3A_643 : vector<16xf32>
        %swap3A_683 = arith.index_cast %add3A_647 : i32 to index
        %swap3A_684 = arith.constant 48 : index
        %swap3A_685 = tpu.vector_load %arg11[%swap3A_683, %swap3A_684] {strides = array<i32>} : memref<80x64xf32, #tpu.memory_space<vmem>>, vector<1x16xf32>,
        %swap3A_686 = vector.shape_cast %swap3A_685 : vector<1x16xf32> to vector<16xf32>
        %swap3A_687 = vector.shape_cast %mul3A_682 : vector<16xf32> to vector<1x16xf32>
        tpu.vector_store %arg11[%swap3A_683, %swap3A_684], %swap3A_687 {strides = array<i32>} : memref<80x64xf32, #tpu.memory_space<vmem>>, vector<1x16xf32>,
        %slice3A_688 = vector.extract_strided_slice %get3A_33 {offsets = [14], sizes = [1], strides = [1]} : vector<16xf32> to vector<1xf32>
        %squeeze3A_689 = vector.extract %slice3A_688[0] : f32 from vector<1xf32>
        %broadcast_in_dim3A_690 = vector.broadcast %squeeze3A_689 : f32 to vector<16xf32>
        %mul3A_691 = arith.constant 16 : i32
        %mul3A_692 = arith.muli %scan3A_29, %mul3A_691 : i32
        %add3A_693 = arith.constant 14 : i32
        %add3A_694 = arith.addi %mul3A_692, %add3A_693 : i32
        %get3A_695 = arith.index_cast %add3A_694 : i32 to index
        %get3A_696 = arith.constant 0 : index
        %get3A_697 = tpu.vector_load %arg11[%get3A_695, %get3A_696] {strides = array<i32>} : memref<80x64xf32, #tpu.memory_space<vmem>>, vector<1x16xf32>,
        %get3A_698 = vector.shape_cast %get3A_697 : vector<1x16xf32> to vector<16xf32>
        %mul3A_699 = arith.mulf %get3A_698, %broadcast_in_dim3A_690 : vector<16xf32>
        %swap3A_700 = arith.index_cast %add3A_694 : i32 to index
        %swap3A_701 = arith.constant 0 : index
        %swap3A_702 = tpu.vector_load %arg11[%swap3A_700, %swap3A_701] {strides = array<i32>} : memref<80x64xf32, #tpu.memory_space<vmem>>, vector<1x16xf32>,
        %swap3A_703 = vector.shape_cast %swap3A_702 : vector<1x16xf32> to vector<16xf32>
        %swap3A_704 = vector.shape_cast %mul3A_699 : vector<16xf32> to vector<1x16xf32>
        tpu.vector_store %arg11[%swap3A_700, %swap3A_701], %swap3A_704 {strides = array<i32>} : memref<80x64xf32, #tpu.memory_space<vmem>>, vector<1x16xf32>,
        %get3A_705 = arith.index_cast %add3A_694 : i32 to index
        %get3A_706 = arith.constant 16 : index
        %get3A_707 = tpu.vector_load %arg11[%get3A_705, %get3A_706] {strides = array<i32>} : memref<80x64xf32, #tpu.memory_space<vmem>>, vector<1x16xf32>,
        %get3A_708 = vector.shape_cast %get3A_707 : vector<1x16xf32> to vector<16xf32>
        %mul3A_709 = arith.mulf %get3A_708, %broadcast_in_dim3A_690 : vector<16xf32>
        %swap3A_710 = arith.index_cast %add3A_694 : i32 to index
        %swap3A_711 = arith.constant 16 : index
        %swap3A_712 = tpu.vector_load %arg11[%swap3A_710, %swap3A_711] {strides = array<i32>} : memref<80x64xf32, #tpu.memory_space<vmem>>, vector<1x16xf32>,
        %swap3A_713 = vector.shape_cast %swap3A_712 : vector<1x16xf32> to vector<16xf32>
        %swap3A_714 = vector.shape_cast %mul3A_709 : vector<16xf32> to vector<1x16xf32>
        tpu.vector_store %arg11[%swap3A_710, %swap3A_711], %swap3A_714 {strides = array<i32>} : memref<80x64xf32, #tpu.memory_space<vmem>>, vector<1x16xf32>,
        %get3A_715 = arith.index_cast %add3A_694 : i32 to index
        %get3A_716 = arith.constant 32 : index
        %get3A_717 = tpu.vector_load %arg11[%get3A_715, %get3A_716] {strides = array<i32>} : memref<80x64xf32, #tpu.memory_space<vmem>>, vector<1x16xf32>,
        %get3A_718 = vector.shape_cast %get3A_717 : vector<1x16xf32> to vector<16xf32>
        %mul3A_719 = arith.mulf %get3A_718, %broadcast_in_dim3A_690 : vector<16xf32>
        %swap3A_720 = arith.index_cast %add3A_694 : i32 to index
        %swap3A_721 = arith.constant 32 : index
        %swap3A_722 = tpu.vector_load %arg11[%swap3A_720, %swap3A_721] {strides = array<i32>} : memref<80x64xf32, #tpu.memory_space<vmem>>, vector<1x16xf32>,
        %swap3A_723 = vector.shape_cast %swap3A_722 : vector<1x16xf32> to vector<16xf32>
        %swap3A_724 = vector.shape_cast %mul3A_719 : vector<16xf32> to vector<1x16xf32>
        tpu.vector_store %arg11[%swap3A_720, %swap3A_721], %swap3A_724 {strides = array<i32>} : memref<80x64xf32, #tpu.memory_space<vmem>>, vector<1x16xf32>,
        %get3A_725 = arith.index_cast %add3A_694 : i32 to index
        %get3A_726 = arith.constant 48 : index
        %get3A_727 = tpu.vector_load %arg11[%get3A_725, %get3A_726] {strides = array<i32>} : memref<80x64xf32, #tpu.memory_space<vmem>>, vector<1x16xf32>,
        %get3A_728 = vector.shape_cast %get3A_727 : vector<1x16xf32> to vector<16xf32>
        %mul3A_729 = arith.mulf %get3A_728, %broadcast_in_dim3A_690 : vector<16xf32>
        %swap3A_730 = arith.index_cast %add3A_694 : i32 to index
        %swap3A_731 = arith.constant 48 : index
        %swap3A_732 = tpu.vector_load %arg11[%swap3A_730, %swap3A_731] {strides = array<i32>} : memref<80x64xf32, #tpu.memory_space<vmem>>, vector<1x16xf32>,
        %swap3A_733 = vector.shape_cast %swap3A_732 : vector<1x16xf32> to vector<16xf32>
        %swap3A_734 = vector.shape_cast %mul3A_729 : vector<16xf32> to vector<1x16xf32>
        tpu.vector_store %arg11[%swap3A_730, %swap3A_731], %swap3A_734 {strides = array<i32>} : memref<80x64xf32, #tpu.memory_space<vmem>>, vector<1x16xf32>,
        %slice3A_735 = vector.extract_strided_slice %get3A_33 {offsets = [15], sizes = [1], strides = [1]} : vector<16xf32> to vector<1xf32>
        %squeeze3A_736 = vector.extract %slice3A_735[0] : f32 from vector<1xf32>
        %broadcast_in_dim3A_737 = vector.broadcast %squeeze3A_736 : f32 to vector<16xf32>
        %mul3A_738 = arith.constant 16 : i32
        %mul3A_739 = arith.muli %scan3A_29, %mul3A_738 : i32
        %add3A_740 = arith.constant 15 : i32
        %add3A_741 = arith.addi %mul3A_739, %add3A_740 : i32
        %get3A_742 = arith.index_cast %add3A_741 : i32 to index
        %get3A_743 = arith.constant 0 : index
        %get3A_744 = tpu.vector_load %arg11[%get3A_742, %get3A_743] {strides = array<i32>} : memref<80x64xf32, #tpu.memory_space<vmem>>, vector<1x16xf32>,
        %get3A_745 = vector.shape_cast %get3A_744 : vector<1x16xf32> to vector<16xf32>
        %mul3A_746 = arith.mulf %get3A_745, %broadcast_in_dim3A_737 : vector<16xf32>
        %swap3A_747 = arith.index_cast %add3A_741 : i32 to index
        %swap3A_748 = arith.constant 0 : index
        %swap3A_749 = tpu.vector_load %arg11[%swap3A_747, %swap3A_748] {strides = array<i32>} : memref<80x64xf32, #tpu.memory_space<vmem>>, vector<1x16xf32>,
        %swap3A_750 = vector.shape_cast %swap3A_749 : vector<1x16xf32> to vector<16xf32>
        %swap3A_751 = vector.shape_cast %mul3A_746 : vector<16xf32> to vector<1x16xf32>
        tpu.vector_store %arg11[%swap3A_747, %swap3A_748], %swap3A_751 {strides = array<i32>} : memref<80x64xf32, #tpu.memory_space<vmem>>, vector<1x16xf32>,
        %get3A_752 = arith.index_cast %add3A_741 : i32 to index
        %get3A_753 = arith.constant 16 : index
        %get3A_754 = tpu.vector_load %arg11[%get3A_752, %get3A_753] {strides = array<i32>} : memref<80x64xf32, #tpu.memory_space<vmem>>, vector<1x16xf32>,
        %get3A_755 = vector.shape_cast %get3A_754 : vector<1x16xf32> to vector<16xf32>
        %mul3A_756 = arith.mulf %get3A_755, %broadcast_in_dim3A_737 : vector<16xf32>
        %swap3A_757 = arith.index_cast %add3A_741 : i32 to index
        %swap3A_758 = arith.constant 16 : index
        %swap3A_759 = tpu.vector_load %arg11[%swap3A_757, %swap3A_758] {strides = array<i32>} : memref<80x64xf32, #tpu.memory_space<vmem>>, vector<1x16xf32>,
        %swap3A_760 = vector.shape_cast %swap3A_759 : vector<1x16xf32> to vector<16xf32>
        %swap3A_761 = vector.shape_cast %mul3A_756 : vector<16xf32> to vector<1x16xf32>
        tpu.vector_store %arg11[%swap3A_757, %swap3A_758], %swap3A_761 {strides = array<i32>} : memref<80x64xf32, #tpu.memory_space<vmem>>, vector<1x16xf32>,
        %get3A_762 = arith.index_cast %add3A_741 : i32 to index
        %get3A_763 = arith.constant 32 : index
        %get3A_764 = tpu.vector_load %arg11[%get3A_762, %get3A_763] {strides = array<i32>} : memref<80x64xf32, #tpu.memory_space<vmem>>, vector<1x16xf32>,
        %get3A_765 = vector.shape_cast %get3A_764 : vector<1x16xf32> to vector<16xf32>
        %mul3A_766 = arith.mulf %get3A_765, %broadcast_in_dim3A_737 : vector<16xf32>
        %swap3A_767 = arith.index_cast %add3A_741 : i32 to index
        %swap3A_768 = arith.constant 32 : index
        %swap3A_769 = tpu.vector_load %arg11[%swap3A_767, %swap3A_768] {strides = array<i32>} : memref<80x64xf32, #tpu.memory_space<vmem>>, vector<1x16xf32>,
        %swap3A_770 = vector.shape_cast %swap3A_769 : vector<1x16xf32> to vector<16xf32>
        %swap3A_771 = vector.shape_cast %mul3A_766 : vector<16xf32> to vector<1x16xf32>
        tpu.vector_store %arg11[%swap3A_767, %swap3A_768], %swap3A_771 {strides = array<i32>} : memref<80x64xf32, #tpu.memory_space<vmem>>, vector<1x16xf32>,
        %get3A_772 = arith.index_cast %add3A_741 : i32 to index
        %get3A_773 = arith.constant 48 : index
        %get3A_774 = tpu.vector_load %arg11[%get3A_772, %get3A_773] {strides = array<i32>} : memref<80x64xf32, #tpu.memory_space<vmem>>, vector<1x16xf32>,
        %get3A_775 = vector.shape_cast %get3A_774 : vector<1x16xf32> to vector<16xf32>
        %mul3A_776 = arith.mulf %get3A_775, %broadcast_in_dim3A_737 : vector<16xf32>
        %swap3A_777 = arith.index_cast %add3A_741 : i32 to index
        %swap3A_778 = arith.constant 48 : index
        %swap3A_779 = tpu.vector_load %arg11[%swap3A_777, %swap3A_778] {strides = array<i32>} : memref<80x64xf32, #tpu.memory_space<vmem>>, vector<1x16xf32>,
        %swap3A_780 = vector.shape_cast %swap3A_779 : vector<1x16xf32> to vector<16xf32>
        %swap3A_781 = vector.shape_cast %mul3A_776 : vector<16xf32> to vector<1x16xf32>
        tpu.vector_store %arg11[%swap3A_777, %swap3A_778], %swap3A_781 {strides = array<i32>} : memref<80x64xf32, #tpu.memory_space<vmem>>, vector<1x16xf32>,
      }
      %scan3A_28 = arith.constant 5 : i32
      "tpu.region"() ({
        %run_scoped3A = tpu.sem_alloc : memref<!tpu.dma_semaphore, #tpu.memory_space<semaphore_mem>>
        %dma_start3A_29 = arith.constant 0 : i32
        %dma_start3A_30 = arith.constant 0 : i32
        %dma_start3A_31 = tpu.memref_slice %arg12[%dma_start3A_29, %dma_start3A_30] : memref<10240x64xf32, #tpu.memory_space<vmem_shared>> -> memref<10240x64xf32, #tpu.memory_space<vmem_shared>>
        tpu.enqueue_indirect_dma source(%arg11 : memref<80x64xf32, #tpu.memory_space<vmem>>) target(%dma_start3A_31 : memref<10240x64xf32, #tpu.memory_space<vmem_shared>>) offsets(%arg9 : memref<80xi32, #tpu.memory_space<vmem>>) semaphore(%run_scoped3A : memref<!tpu.dma_semaphore, #tpu.memory_space<semaphore_mem>>) {add = true}
        %dma_wait3A_32 = arith.constant 0 : i32
        %dma_wait3A_33 = arith.constant 0 : i32
        %dma_wait3A_34 = tpu.memref_slice %arg12[%dma_wait3A_32, %dma_wait3A_33] : memref<10240x64xf32, #tpu.memory_space<vmem_shared>> -> memref<10240x64xf32, #tpu.memory_space<vmem_shared>>
        tpu.wait_indirect_dma semaphore(%run_scoped3A : memref<!tpu.dma_semaphore, #tpu.memory_space<semaphore_mem>>) src(%arg11 : memref<80x64xf32, #tpu.memory_space<vmem>>) dst(%dma_wait3A_34 : memref<10240x64xf32, #tpu.memory_space<vmem_shared>>)
        tpu.yield
      }) : () -> ()
    }
    %scan3A_10 = arith.constant 125 : i32
    %barrier3A_11 = arith.constant 0 : index
    tpu.barrier barrier_id(%barrier3A_11)
    %mul3A_12 = arith.constant 640 : i32
    %mul3A_13 = arith.muli %arg1, %mul3A_12 : i32
    %mul3A_14 = arith.constant 640 : i32
    %mul3A_15 = arith.muli %arg1, %mul3A_14 : i32
    "tpu.region"() ({
      %run_scoped3A = tpu.sem_alloc : memref<!tpu.dma_semaphore, #tpu.memory_space<semaphore_mem>>
      %dma_start3A = arith.constant 0 : i32
      %dma_start3A_16 = tpu.memref_slice %arg7[%arg0, %mul3A_15, %dma_start3A] : memref<2x10240x64xf32, #tpu.memory_space<hbm>> -> memref<1x640x64xf32, #tpu.memory_space<hbm>>
      %dma_start3A_17 = tpu.memref_squeeze %dma_start3A_16 : memref<1x640x64xf32, #tpu.memory_space<hbm>> -> memref<640x64xf32, #tpu.memory_space<hbm>>
      %dma_start3A_18 = arith.constant 0 : i32
      %dma_start3A_19 = tpu.memref_slice %arg12[%mul3A_13, %dma_start3A_18] : memref<10240x64xf32, #tpu.memory_space<vmem_shared>> -> memref<640x64xf32, #tpu.memory_space<vmem_shared>>
      tpu.enqueue_dma source(%dma_start3A_19 : memref<640x64xf32, #tpu.memory_space<vmem_shared>>) target(%dma_start3A_17 : memref<640x64xf32, #tpu.memory_space<hbm>>) target_semaphore(%run_scoped3A : memref<!tpu.dma_semaphore, #tpu.memory_space<semaphore_mem>>)
      %dma_wait3A = arith.constant 0 : i32
      %dma_wait3A_20 = tpu.memref_slice %arg7[%arg0, %mul3A_15, %dma_wait3A] : memref<2x10240x64xf32, #tpu.memory_space<hbm>> -> memref<1x640x64xf32, #tpu.memory_space<hbm>>
      %dma_wait3A_21 = tpu.memref_squeeze %dma_wait3A_20 : memref<1x640x64xf32, #tpu.memory_space<hbm>> -> memref<640x64xf32, #tpu.memory_space<hbm>>
      %dma_wait3A_22 = arith.constant 0 : i32
      %dma_wait3A_23 = tpu.memref_slice %arg12[%mul3A_13, %dma_wait3A_22] : memref<10240x64xf32, #tpu.memory_space<vmem_shared>> -> memref<640x64xf32, #tpu.memory_space<vmem_shared>>
      tpu.wait_dma2 semaphore(%run_scoped3A : memref<!tpu.dma_semaphore, #tpu.memory_space<semaphore_mem>>) src(%dma_wait3A_23 : memref<640x64xf32, #tpu.memory_space<vmem_shared>>) dst(%dma_wait3A_21 : memref<640x64xf32, #tpu.memory_space<hbm>>)
      tpu.yield
    }) : () -> ()
    return
  }
}

#map = affine_map<(d0, d1) -> (0, 0)>
#map1 = affine_map<(d0, d1) -> (0)>
#map2 = affine_map<(d0, d1) -> (0, 0, 0)>
module attributes {stable_mosaic.version = 14 : i64} {
  func.func @_sc_aggregate_body(%arg0: i32, %arg1: i32, %arg2: memref<10240x128xf32, #tpu.memory_space<hbm>>, %arg3: memref<320000xi32, #tpu.memory_space<hbm>>, %arg4: memref<320000xi32, #tpu.memory_space<hbm>>, %arg5: memref<320000xf32, #tpu.memory_space<hbm>>, %arg6: memref<10240x128xf32, #tpu.memory_space<hbm>>, %arg7: memref<2x10240x128xf32, #tpu.memory_space<hbm>>, %arg8: memref<80xi32, #tpu.memory_space<vmem>>, %arg9: memref<80xi32, #tpu.memory_space<vmem>>, %arg10: memref<80xf32, #tpu.memory_space<vmem>>, %arg11: memref<80x128xf32, #tpu.memory_space<vmem>>, %arg12: memref<10240x128xf32, #tpu.memory_space<vmem_shared>>, %arg13: memref<!tpu.dma_semaphore, #tpu.memory_space<semaphore_mem>>) attributes {dimension_semantics = [#tpu.dimension_semantics<core_parallel>, #tpu.dimension_semantics<subcore_parallel>], iteration_bounds = array<i64: 2, 16>, scalar_prefetch = 0 : i64, scratch_operands = 6 : i64, tpu.core_type = #tpu.core_type<sc_vector_subcore>, window_params = [{transform_indices = #map}, {transform_indices = #map1}, {transform_indices = #map1}, {transform_indices = #map1}, {transform_indices = #map}, {transform_indices = #map2}]} {
    %mul3A = arith.constant 16 : i32
    %mul3A_0 = arith.muli %arg0, %mul3A : i32
    %add3A = arith.addi %mul3A_0, %arg1 : i32
    %mul3A_1 = arith.constant 640 : i32
    %mul3A_2 = arith.muli %arg1, %mul3A_1 : i32
    %mul3A_3 = arith.constant 640 : i32
    %mul3A_4 = arith.muli %arg1, %mul3A_3 : i32
    "tpu.region"() ({
      %run_scoped3A = tpu.sem_alloc : memref<!tpu.dma_semaphore, #tpu.memory_space<semaphore_mem>>
      %dma_start3A = arith.constant 0 : i32
      %dma_start3A_16 = tpu.memref_slice %arg12[%mul3A_4, %dma_start3A] : memref<10240x128xf32, #tpu.memory_space<vmem_shared>> -> memref<640x128xf32, #tpu.memory_space<vmem_shared>>
      %dma_start3A_17 = arith.constant 0 : i32
      %dma_start3A_18 = tpu.memref_slice %arg6[%mul3A_2, %dma_start3A_17] : memref<10240x128xf32, #tpu.memory_space<hbm>> -> memref<640x128xf32, #tpu.memory_space<hbm>>
      tpu.enqueue_dma source(%dma_start3A_18 : memref<640x128xf32, #tpu.memory_space<hbm>>) target(%dma_start3A_16 : memref<640x128xf32, #tpu.memory_space<vmem_shared>>) target_semaphore(%run_scoped3A : memref<!tpu.dma_semaphore, #tpu.memory_space<semaphore_mem>>)
      %dma_wait3A = arith.constant 0 : i32
      %dma_wait3A_19 = tpu.memref_slice %arg12[%mul3A_4, %dma_wait3A] : memref<10240x128xf32, #tpu.memory_space<vmem_shared>> -> memref<640x128xf32, #tpu.memory_space<vmem_shared>>
      %dma_wait3A_20 = arith.constant 0 : i32
      %dma_wait3A_21 = tpu.memref_slice %arg6[%mul3A_2, %dma_wait3A_20] : memref<10240x128xf32, #tpu.memory_space<hbm>> -> memref<640x128xf32, #tpu.memory_space<hbm>>
      tpu.wait_dma2 semaphore(%run_scoped3A : memref<!tpu.dma_semaphore, #tpu.memory_space<semaphore_mem>>) src(%dma_wait3A_21 : memref<640x128xf32, #tpu.memory_space<hbm>>) dst(%dma_wait3A_19 : memref<640x128xf32, #tpu.memory_space<vmem_shared>>)
      tpu.yield
    }) : () -> ()
    %barrier3A = arith.constant 0 : index
    tpu.barrier barrier_id(%barrier3A)
    %mul3A_5 = arith.constant 10000 : i32
    %mul3A_6 = arith.muli %add3A, %mul3A_5 : i32
    %scan3A = arith.constant 0 : i32
    %scan3A_7 = arith.constant 125 : i32
    %scan3A_8 = arith.addi %scan3A, %scan3A_7 : i32
    %scan3A_9 = arith.constant 1 : i32
    scf.for %scan3A_16 = %scan3A to %scan3A_8 step %scan3A_9  : i32 {
      %mul3A_17 = arith.constant 80 : i32
      %mul3A_18 = arith.muli %scan3A_16, %mul3A_17 : i32
      %add3A_19 = arith.addi %mul3A_6, %mul3A_18 : i32
      "tpu.region"() ({
        %run_scoped3A = tpu.sem_alloc : memref<!tpu.dma_semaphore, #tpu.memory_space<semaphore_mem>>
        %dma_start3A_29 = tpu.memref_slice %arg3[%add3A_19] : memref<320000xi32, #tpu.memory_space<hbm>> -> memref<80xi32, #tpu.memory_space<hbm>>
        %dma_start3A_30 = tpu.memref_slice %arg3[%add3A_19] : memref<320000xi32, #tpu.memory_space<hbm>> -> memref<80xi32, #tpu.memory_space<hbm>>
        tpu.enqueue_dma source(%dma_start3A_30 : memref<80xi32, #tpu.memory_space<hbm>>) target(%arg8 : memref<80xi32, #tpu.memory_space<vmem>>) target_semaphore(%run_scoped3A : memref<!tpu.dma_semaphore, #tpu.memory_space<semaphore_mem>>)
        %dma_wait3A_31 = tpu.memref_slice %arg3[%add3A_19] : memref<320000xi32, #tpu.memory_space<hbm>> -> memref<80xi32, #tpu.memory_space<hbm>>
        %dma_wait3A_32 = tpu.memref_slice %arg3[%add3A_19] : memref<320000xi32, #tpu.memory_space<hbm>> -> memref<80xi32, #tpu.memory_space<hbm>>
        tpu.wait_dma2 semaphore(%run_scoped3A : memref<!tpu.dma_semaphore, #tpu.memory_space<semaphore_mem>>) src(%dma_wait3A_32 : memref<80xi32, #tpu.memory_space<hbm>>) dst(%arg8 : memref<80xi32, #tpu.memory_space<vmem>>)
        tpu.yield
      }) : () -> ()
      "tpu.region"() ({
        %run_scoped3A = tpu.sem_alloc : memref<!tpu.dma_semaphore, #tpu.memory_space<semaphore_mem>>
        %dma_start3A_29 = tpu.memref_slice %arg4[%add3A_19] : memref<320000xi32, #tpu.memory_space<hbm>> -> memref<80xi32, #tpu.memory_space<hbm>>
        %dma_start3A_30 = tpu.memref_slice %arg4[%add3A_19] : memref<320000xi32, #tpu.memory_space<hbm>> -> memref<80xi32, #tpu.memory_space<hbm>>
        tpu.enqueue_dma source(%dma_start3A_30 : memref<80xi32, #tpu.memory_space<hbm>>) target(%arg9 : memref<80xi32, #tpu.memory_space<vmem>>) target_semaphore(%run_scoped3A : memref<!tpu.dma_semaphore, #tpu.memory_space<semaphore_mem>>)
        %dma_wait3A_31 = tpu.memref_slice %arg4[%add3A_19] : memref<320000xi32, #tpu.memory_space<hbm>> -> memref<80xi32, #tpu.memory_space<hbm>>
        %dma_wait3A_32 = tpu.memref_slice %arg4[%add3A_19] : memref<320000xi32, #tpu.memory_space<hbm>> -> memref<80xi32, #tpu.memory_space<hbm>>
        tpu.wait_dma2 semaphore(%run_scoped3A : memref<!tpu.dma_semaphore, #tpu.memory_space<semaphore_mem>>) src(%dma_wait3A_32 : memref<80xi32, #tpu.memory_space<hbm>>) dst(%arg9 : memref<80xi32, #tpu.memory_space<vmem>>)
        tpu.yield
      }) : () -> ()
      "tpu.region"() ({
        %run_scoped3A = tpu.sem_alloc : memref<!tpu.dma_semaphore, #tpu.memory_space<semaphore_mem>>
        %dma_start3A_29 = tpu.memref_slice %arg5[%add3A_19] : memref<320000xf32, #tpu.memory_space<hbm>> -> memref<80xf32, #tpu.memory_space<hbm>>
        %dma_start3A_30 = tpu.memref_slice %arg5[%add3A_19] : memref<320000xf32, #tpu.memory_space<hbm>> -> memref<80xf32, #tpu.memory_space<hbm>>
        tpu.enqueue_dma source(%dma_start3A_30 : memref<80xf32, #tpu.memory_space<hbm>>) target(%arg10 : memref<80xf32, #tpu.memory_space<vmem>>) target_semaphore(%run_scoped3A : memref<!tpu.dma_semaphore, #tpu.memory_space<semaphore_mem>>)
        %dma_wait3A_31 = tpu.memref_slice %arg5[%add3A_19] : memref<320000xf32, #tpu.memory_space<hbm>> -> memref<80xf32, #tpu.memory_space<hbm>>
        %dma_wait3A_32 = tpu.memref_slice %arg5[%add3A_19] : memref<320000xf32, #tpu.memory_space<hbm>> -> memref<80xf32, #tpu.memory_space<hbm>>
        tpu.wait_dma2 semaphore(%run_scoped3A : memref<!tpu.dma_semaphore, #tpu.memory_space<semaphore_mem>>) src(%dma_wait3A_32 : memref<80xf32, #tpu.memory_space<hbm>>) dst(%arg10 : memref<80xf32, #tpu.memory_space<vmem>>)
        tpu.yield
      }) : () -> ()
      %dma_start3A = arith.constant 0 : i32
      %dma_start3A_20 = arith.constant 0 : i32
      %dma_start3A_21 = tpu.memref_slice %arg2[%dma_start3A, %dma_start3A_20] : memref<10240x128xf32, #tpu.memory_space<hbm>> -> memref<10240x128xf32, #tpu.memory_space<hbm>>
      tpu.enqueue_indirect_dma source(%dma_start3A_21 : memref<10240x128xf32, #tpu.memory_space<hbm>>) target(%arg11 : memref<80x128xf32, #tpu.memory_space<vmem>>) offsets(%arg8 : memref<80xi32, #tpu.memory_space<vmem>>) semaphore(%arg13 : memref<!tpu.dma_semaphore, #tpu.memory_space<semaphore_mem>>)
      %dma_wait3A = arith.constant 0 : i32
      %dma_wait3A_22 = arith.constant 0 : i32
      %dma_wait3A_23 = tpu.memref_slice %arg2[%dma_wait3A, %dma_wait3A_22] : memref<10240x128xf32, #tpu.memory_space<hbm>> -> memref<10240x128xf32, #tpu.memory_space<hbm>>
      tpu.wait_indirect_dma semaphore(%arg13 : memref<!tpu.dma_semaphore, #tpu.memory_space<semaphore_mem>>) src(%dma_wait3A_23 : memref<10240x128xf32, #tpu.memory_space<hbm>>) dst(%arg11 : memref<80x128xf32, #tpu.memory_space<vmem>>)
      %scan3A_24 = arith.constant 0 : i32
      %scan3A_25 = arith.constant 5 : i32
      %scan3A_26 = arith.addi %scan3A_24, %scan3A_25 : i32
      %scan3A_27 = arith.constant 1 : i32
      scf.for %scan3A_29 = %scan3A_24 to %scan3A_26 step %scan3A_27  : i32 {
        %mul3A_30 = arith.constant 16 : i32
        %mul3A_31 = arith.muli %scan3A_29, %mul3A_30 : i32
        %get3A = arith.index_cast %mul3A_31 : i32 to index
        %get3A_32 = tpu.vector_load %arg10[%get3A] {strides = array<i32>} : memref<80xf32, #tpu.memory_space<vmem>>, vector<16xf32>,
        %get3A_33 = vector.shape_cast %get3A_32 : vector<16xf32> to vector<16xf32>
        %slice3A = vector.extract_strided_slice %get3A_33 {offsets = [0], sizes = [1], strides = [1]} : vector<16xf32> to vector<1xf32>
        %squeeze3A = vector.extract %slice3A[0] : f32 from vector<1xf32>
        %broadcast_in_dim3A = vector.broadcast %squeeze3A : f32 to vector<16xf32>
        %mul3A_34 = arith.constant 16 : i32
        %mul3A_35 = arith.muli %scan3A_29, %mul3A_34 : i32
        %add3A_36 = arith.constant 0 : i32
        %add3A_37 = arith.addi %mul3A_35, %add3A_36 : i32
        %get3A_38 = arith.index_cast %add3A_37 : i32 to index
        %get3A_39 = arith.constant 0 : index
        %get3A_40 = tpu.vector_load %arg11[%get3A_38, %get3A_39] {strides = array<i32>} : memref<80x128xf32, #tpu.memory_space<vmem>>, vector<1x16xf32>,
        %get3A_41 = vector.shape_cast %get3A_40 : vector<1x16xf32> to vector<16xf32>
        %mul3A_42 = arith.mulf %get3A_41, %broadcast_in_dim3A : vector<16xf32>
        %swap3A = arith.index_cast %add3A_37 : i32 to index
        %swap3A_43 = arith.constant 0 : index
        %swap3A_44 = tpu.vector_load %arg11[%swap3A, %swap3A_43] {strides = array<i32>} : memref<80x128xf32, #tpu.memory_space<vmem>>, vector<1x16xf32>,
        %swap3A_45 = vector.shape_cast %swap3A_44 : vector<1x16xf32> to vector<16xf32>
        %swap3A_46 = vector.shape_cast %mul3A_42 : vector<16xf32> to vector<1x16xf32>
        tpu.vector_store %arg11[%swap3A, %swap3A_43], %swap3A_46 {strides = array<i32>} : memref<80x128xf32, #tpu.memory_space<vmem>>, vector<1x16xf32>,
        %get3A_47 = arith.index_cast %add3A_37 : i32 to index
        %get3A_48 = arith.constant 16 : index
        %get3A_49 = tpu.vector_load %arg11[%get3A_47, %get3A_48] {strides = array<i32>} : memref<80x128xf32, #tpu.memory_space<vmem>>, vector<1x16xf32>,
        %get3A_50 = vector.shape_cast %get3A_49 : vector<1x16xf32> to vector<16xf32>
        %mul3A_51 = arith.mulf %get3A_50, %broadcast_in_dim3A : vector<16xf32>
        %swap3A_52 = arith.index_cast %add3A_37 : i32 to index
        %swap3A_53 = arith.constant 16 : index
        %swap3A_54 = tpu.vector_load %arg11[%swap3A_52, %swap3A_53] {strides = array<i32>} : memref<80x128xf32, #tpu.memory_space<vmem>>, vector<1x16xf32>,
        %swap3A_55 = vector.shape_cast %swap3A_54 : vector<1x16xf32> to vector<16xf32>
        %swap3A_56 = vector.shape_cast %mul3A_51 : vector<16xf32> to vector<1x16xf32>
        tpu.vector_store %arg11[%swap3A_52, %swap3A_53], %swap3A_56 {strides = array<i32>} : memref<80x128xf32, #tpu.memory_space<vmem>>, vector<1x16xf32>,
        %get3A_57 = arith.index_cast %add3A_37 : i32 to index
        %get3A_58 = arith.constant 32 : index
        %get3A_59 = tpu.vector_load %arg11[%get3A_57, %get3A_58] {strides = array<i32>} : memref<80x128xf32, #tpu.memory_space<vmem>>, vector<1x16xf32>,
        %get3A_60 = vector.shape_cast %get3A_59 : vector<1x16xf32> to vector<16xf32>
        %mul3A_61 = arith.mulf %get3A_60, %broadcast_in_dim3A : vector<16xf32>
        %swap3A_62 = arith.index_cast %add3A_37 : i32 to index
        %swap3A_63 = arith.constant 32 : index
        %swap3A_64 = tpu.vector_load %arg11[%swap3A_62, %swap3A_63] {strides = array<i32>} : memref<80x128xf32, #tpu.memory_space<vmem>>, vector<1x16xf32>,
        %swap3A_65 = vector.shape_cast %swap3A_64 : vector<1x16xf32> to vector<16xf32>
        %swap3A_66 = vector.shape_cast %mul3A_61 : vector<16xf32> to vector<1x16xf32>
        tpu.vector_store %arg11[%swap3A_62, %swap3A_63], %swap3A_66 {strides = array<i32>} : memref<80x128xf32, #tpu.memory_space<vmem>>, vector<1x16xf32>,
        %get3A_67 = arith.index_cast %add3A_37 : i32 to index
        %get3A_68 = arith.constant 48 : index
        %get3A_69 = tpu.vector_load %arg11[%get3A_67, %get3A_68] {strides = array<i32>} : memref<80x128xf32, #tpu.memory_space<vmem>>, vector<1x16xf32>,
        %get3A_70 = vector.shape_cast %get3A_69 : vector<1x16xf32> to vector<16xf32>
        %mul3A_71 = arith.mulf %get3A_70, %broadcast_in_dim3A : vector<16xf32>
        %swap3A_72 = arith.index_cast %add3A_37 : i32 to index
        %swap3A_73 = arith.constant 48 : index
        %swap3A_74 = tpu.vector_load %arg11[%swap3A_72, %swap3A_73] {strides = array<i32>} : memref<80x128xf32, #tpu.memory_space<vmem>>, vector<1x16xf32>,
        %swap3A_75 = vector.shape_cast %swap3A_74 : vector<1x16xf32> to vector<16xf32>
        %swap3A_76 = vector.shape_cast %mul3A_71 : vector<16xf32> to vector<1x16xf32>
        tpu.vector_store %arg11[%swap3A_72, %swap3A_73], %swap3A_76 {strides = array<i32>} : memref<80x128xf32, #tpu.memory_space<vmem>>, vector<1x16xf32>,
        %get3A_77 = arith.index_cast %add3A_37 : i32 to index
        %get3A_78 = arith.constant 64 : index
        %get3A_79 = tpu.vector_load %arg11[%get3A_77, %get3A_78] {strides = array<i32>} : memref<80x128xf32, #tpu.memory_space<vmem>>, vector<1x16xf32>,
        %get3A_80 = vector.shape_cast %get3A_79 : vector<1x16xf32> to vector<16xf32>
        %mul3A_81 = arith.mulf %get3A_80, %broadcast_in_dim3A : vector<16xf32>
        %swap3A_82 = arith.index_cast %add3A_37 : i32 to index
        %swap3A_83 = arith.constant 64 : index
        %swap3A_84 = tpu.vector_load %arg11[%swap3A_82, %swap3A_83] {strides = array<i32>} : memref<80x128xf32, #tpu.memory_space<vmem>>, vector<1x16xf32>,
        %swap3A_85 = vector.shape_cast %swap3A_84 : vector<1x16xf32> to vector<16xf32>
        %swap3A_86 = vector.shape_cast %mul3A_81 : vector<16xf32> to vector<1x16xf32>
        tpu.vector_store %arg11[%swap3A_82, %swap3A_83], %swap3A_86 {strides = array<i32>} : memref<80x128xf32, #tpu.memory_space<vmem>>, vector<1x16xf32>,
        %get3A_87 = arith.index_cast %add3A_37 : i32 to index
        %get3A_88 = arith.constant 80 : index
        %get3A_89 = tpu.vector_load %arg11[%get3A_87, %get3A_88] {strides = array<i32>} : memref<80x128xf32, #tpu.memory_space<vmem>>, vector<1x16xf32>,
        %get3A_90 = vector.shape_cast %get3A_89 : vector<1x16xf32> to vector<16xf32>
        %mul3A_91 = arith.mulf %get3A_90, %broadcast_in_dim3A : vector<16xf32>
        %swap3A_92 = arith.index_cast %add3A_37 : i32 to index
        %swap3A_93 = arith.constant 80 : index
        %swap3A_94 = tpu.vector_load %arg11[%swap3A_92, %swap3A_93] {strides = array<i32>} : memref<80x128xf32, #tpu.memory_space<vmem>>, vector<1x16xf32>,
        %swap3A_95 = vector.shape_cast %swap3A_94 : vector<1x16xf32> to vector<16xf32>
        %swap3A_96 = vector.shape_cast %mul3A_91 : vector<16xf32> to vector<1x16xf32>
        tpu.vector_store %arg11[%swap3A_92, %swap3A_93], %swap3A_96 {strides = array<i32>} : memref<80x128xf32, #tpu.memory_space<vmem>>, vector<1x16xf32>,
        %get3A_97 = arith.index_cast %add3A_37 : i32 to index
        %get3A_98 = arith.constant 96 : index
        %get3A_99 = tpu.vector_load %arg11[%get3A_97, %get3A_98] {strides = array<i32>} : memref<80x128xf32, #tpu.memory_space<vmem>>, vector<1x16xf32>,
        %get3A_100 = vector.shape_cast %get3A_99 : vector<1x16xf32> to vector<16xf32>
        %mul3A_101 = arith.mulf %get3A_100, %broadcast_in_dim3A : vector<16xf32>
        %swap3A_102 = arith.index_cast %add3A_37 : i32 to index
        %swap3A_103 = arith.constant 96 : index
        %swap3A_104 = tpu.vector_load %arg11[%swap3A_102, %swap3A_103] {strides = array<i32>} : memref<80x128xf32, #tpu.memory_space<vmem>>, vector<1x16xf32>,
        %swap3A_105 = vector.shape_cast %swap3A_104 : vector<1x16xf32> to vector<16xf32>
        %swap3A_106 = vector.shape_cast %mul3A_101 : vector<16xf32> to vector<1x16xf32>
        tpu.vector_store %arg11[%swap3A_102, %swap3A_103], %swap3A_106 {strides = array<i32>} : memref<80x128xf32, #tpu.memory_space<vmem>>, vector<1x16xf32>,
        %get3A_107 = arith.index_cast %add3A_37 : i32 to index
        %get3A_108 = arith.constant 112 : index
        %get3A_109 = tpu.vector_load %arg11[%get3A_107, %get3A_108] {strides = array<i32>} : memref<80x128xf32, #tpu.memory_space<vmem>>, vector<1x16xf32>,
        %get3A_110 = vector.shape_cast %get3A_109 : vector<1x16xf32> to vector<16xf32>
        %mul3A_111 = arith.mulf %get3A_110, %broadcast_in_dim3A : vector<16xf32>
        %swap3A_112 = arith.index_cast %add3A_37 : i32 to index
        %swap3A_113 = arith.constant 112 : index
        %swap3A_114 = tpu.vector_load %arg11[%swap3A_112, %swap3A_113] {strides = array<i32>} : memref<80x128xf32, #tpu.memory_space<vmem>>, vector<1x16xf32>,
        %swap3A_115 = vector.shape_cast %swap3A_114 : vector<1x16xf32> to vector<16xf32>
        %swap3A_116 = vector.shape_cast %mul3A_111 : vector<16xf32> to vector<1x16xf32>
        tpu.vector_store %arg11[%swap3A_112, %swap3A_113], %swap3A_116 {strides = array<i32>} : memref<80x128xf32, #tpu.memory_space<vmem>>, vector<1x16xf32>,
        %slice3A_117 = vector.extract_strided_slice %get3A_33 {offsets = [1], sizes = [1], strides = [1]} : vector<16xf32> to vector<1xf32>
        %squeeze3A_118 = vector.extract %slice3A_117[0] : f32 from vector<1xf32>
        %broadcast_in_dim3A_119 = vector.broadcast %squeeze3A_118 : f32 to vector<16xf32>
        %mul3A_120 = arith.constant 16 : i32
        %mul3A_121 = arith.muli %scan3A_29, %mul3A_120 : i32
        %add3A_122 = arith.constant 1 : i32
        %add3A_123 = arith.addi %mul3A_121, %add3A_122 : i32
        %get3A_124 = arith.index_cast %add3A_123 : i32 to index
        %get3A_125 = arith.constant 0 : index
        %get3A_126 = tpu.vector_load %arg11[%get3A_124, %get3A_125] {strides = array<i32>} : memref<80x128xf32, #tpu.memory_space<vmem>>, vector<1x16xf32>,
        %get3A_127 = vector.shape_cast %get3A_126 : vector<1x16xf32> to vector<16xf32>
        %mul3A_128 = arith.mulf %get3A_127, %broadcast_in_dim3A_119 : vector<16xf32>
        %swap3A_129 = arith.index_cast %add3A_123 : i32 to index
        %swap3A_130 = arith.constant 0 : index
        %swap3A_131 = tpu.vector_load %arg11[%swap3A_129, %swap3A_130] {strides = array<i32>} : memref<80x128xf32, #tpu.memory_space<vmem>>, vector<1x16xf32>,
        %swap3A_132 = vector.shape_cast %swap3A_131 : vector<1x16xf32> to vector<16xf32>
        %swap3A_133 = vector.shape_cast %mul3A_128 : vector<16xf32> to vector<1x16xf32>
        tpu.vector_store %arg11[%swap3A_129, %swap3A_130], %swap3A_133 {strides = array<i32>} : memref<80x128xf32, #tpu.memory_space<vmem>>, vector<1x16xf32>,
        %get3A_134 = arith.index_cast %add3A_123 : i32 to index
        %get3A_135 = arith.constant 16 : index
        %get3A_136 = tpu.vector_load %arg11[%get3A_134, %get3A_135] {strides = array<i32>} : memref<80x128xf32, #tpu.memory_space<vmem>>, vector<1x16xf32>,
        %get3A_137 = vector.shape_cast %get3A_136 : vector<1x16xf32> to vector<16xf32>
        %mul3A_138 = arith.mulf %get3A_137, %broadcast_in_dim3A_119 : vector<16xf32>
        %swap3A_139 = arith.index_cast %add3A_123 : i32 to index
        %swap3A_140 = arith.constant 16 : index
        %swap3A_141 = tpu.vector_load %arg11[%swap3A_139, %swap3A_140] {strides = array<i32>} : memref<80x128xf32, #tpu.memory_space<vmem>>, vector<1x16xf32>,
        %swap3A_142 = vector.shape_cast %swap3A_141 : vector<1x16xf32> to vector<16xf32>
        %swap3A_143 = vector.shape_cast %mul3A_138 : vector<16xf32> to vector<1x16xf32>
        tpu.vector_store %arg11[%swap3A_139, %swap3A_140], %swap3A_143 {strides = array<i32>} : memref<80x128xf32, #tpu.memory_space<vmem>>, vector<1x16xf32>,
        %get3A_144 = arith.index_cast %add3A_123 : i32 to index
        %get3A_145 = arith.constant 32 : index
        %get3A_146 = tpu.vector_load %arg11[%get3A_144, %get3A_145] {strides = array<i32>} : memref<80x128xf32, #tpu.memory_space<vmem>>, vector<1x16xf32>,
        %get3A_147 = vector.shape_cast %get3A_146 : vector<1x16xf32> to vector<16xf32>
        %mul3A_148 = arith.mulf %get3A_147, %broadcast_in_dim3A_119 : vector<16xf32>
        %swap3A_149 = arith.index_cast %add3A_123 : i32 to index
        %swap3A_150 = arith.constant 32 : index
        %swap3A_151 = tpu.vector_load %arg11[%swap3A_149, %swap3A_150] {strides = array<i32>} : memref<80x128xf32, #tpu.memory_space<vmem>>, vector<1x16xf32>,
        %swap3A_152 = vector.shape_cast %swap3A_151 : vector<1x16xf32> to vector<16xf32>
        %swap3A_153 = vector.shape_cast %mul3A_148 : vector<16xf32> to vector<1x16xf32>
        tpu.vector_store %arg11[%swap3A_149, %swap3A_150], %swap3A_153 {strides = array<i32>} : memref<80x128xf32, #tpu.memory_space<vmem>>, vector<1x16xf32>,
        %get3A_154 = arith.index_cast %add3A_123 : i32 to index
        %get3A_155 = arith.constant 48 : index
        %get3A_156 = tpu.vector_load %arg11[%get3A_154, %get3A_155] {strides = array<i32>} : memref<80x128xf32, #tpu.memory_space<vmem>>, vector<1x16xf32>,
        %get3A_157 = vector.shape_cast %get3A_156 : vector<1x16xf32> to vector<16xf32>
        %mul3A_158 = arith.mulf %get3A_157, %broadcast_in_dim3A_119 : vector<16xf32>
        %swap3A_159 = arith.index_cast %add3A_123 : i32 to index
        %swap3A_160 = arith.constant 48 : index
        %swap3A_161 = tpu.vector_load %arg11[%swap3A_159, %swap3A_160] {strides = array<i32>} : memref<80x128xf32, #tpu.memory_space<vmem>>, vector<1x16xf32>,
        %swap3A_162 = vector.shape_cast %swap3A_161 : vector<1x16xf32> to vector<16xf32>
        %swap3A_163 = vector.shape_cast %mul3A_158 : vector<16xf32> to vector<1x16xf32>
        tpu.vector_store %arg11[%swap3A_159, %swap3A_160], %swap3A_163 {strides = array<i32>} : memref<80x128xf32, #tpu.memory_space<vmem>>, vector<1x16xf32>,
        %get3A_164 = arith.index_cast %add3A_123 : i32 to index
        %get3A_165 = arith.constant 64 : index
        %get3A_166 = tpu.vector_load %arg11[%get3A_164, %get3A_165] {strides = array<i32>} : memref<80x128xf32, #tpu.memory_space<vmem>>, vector<1x16xf32>,
        %get3A_167 = vector.shape_cast %get3A_166 : vector<1x16xf32> to vector<16xf32>
        %mul3A_168 = arith.mulf %get3A_167, %broadcast_in_dim3A_119 : vector<16xf32>
        %swap3A_169 = arith.index_cast %add3A_123 : i32 to index
        %swap3A_170 = arith.constant 64 : index
        %swap3A_171 = tpu.vector_load %arg11[%swap3A_169, %swap3A_170] {strides = array<i32>} : memref<80x128xf32, #tpu.memory_space<vmem>>, vector<1x16xf32>,
        %swap3A_172 = vector.shape_cast %swap3A_171 : vector<1x16xf32> to vector<16xf32>
        %swap3A_173 = vector.shape_cast %mul3A_168 : vector<16xf32> to vector<1x16xf32>
        tpu.vector_store %arg11[%swap3A_169, %swap3A_170], %swap3A_173 {strides = array<i32>} : memref<80x128xf32, #tpu.memory_space<vmem>>, vector<1x16xf32>,
        %get3A_174 = arith.index_cast %add3A_123 : i32 to index
        %get3A_175 = arith.constant 80 : index
        %get3A_176 = tpu.vector_load %arg11[%get3A_174, %get3A_175] {strides = array<i32>} : memref<80x128xf32, #tpu.memory_space<vmem>>, vector<1x16xf32>,
        %get3A_177 = vector.shape_cast %get3A_176 : vector<1x16xf32> to vector<16xf32>
        %mul3A_178 = arith.mulf %get3A_177, %broadcast_in_dim3A_119 : vector<16xf32>
        %swap3A_179 = arith.index_cast %add3A_123 : i32 to index
        %swap3A_180 = arith.constant 80 : index
        %swap3A_181 = tpu.vector_load %arg11[%swap3A_179, %swap3A_180] {strides = array<i32>} : memref<80x128xf32, #tpu.memory_space<vmem>>, vector<1x16xf32>,
        %swap3A_182 = vector.shape_cast %swap3A_181 : vector<1x16xf32> to vector<16xf32>
        %swap3A_183 = vector.shape_cast %mul3A_178 : vector<16xf32> to vector<1x16xf32>
        tpu.vector_store %arg11[%swap3A_179, %swap3A_180], %swap3A_183 {strides = array<i32>} : memref<80x128xf32, #tpu.memory_space<vmem>>, vector<1x16xf32>,
        %get3A_184 = arith.index_cast %add3A_123 : i32 to index
        %get3A_185 = arith.constant 96 : index
        %get3A_186 = tpu.vector_load %arg11[%get3A_184, %get3A_185] {strides = array<i32>} : memref<80x128xf32, #tpu.memory_space<vmem>>, vector<1x16xf32>,
        %get3A_187 = vector.shape_cast %get3A_186 : vector<1x16xf32> to vector<16xf32>
        %mul3A_188 = arith.mulf %get3A_187, %broadcast_in_dim3A_119 : vector<16xf32>
        %swap3A_189 = arith.index_cast %add3A_123 : i32 to index
        %swap3A_190 = arith.constant 96 : index
        %swap3A_191 = tpu.vector_load %arg11[%swap3A_189, %swap3A_190] {strides = array<i32>} : memref<80x128xf32, #tpu.memory_space<vmem>>, vector<1x16xf32>,
        %swap3A_192 = vector.shape_cast %swap3A_191 : vector<1x16xf32> to vector<16xf32>
        %swap3A_193 = vector.shape_cast %mul3A_188 : vector<16xf32> to vector<1x16xf32>
        tpu.vector_store %arg11[%swap3A_189, %swap3A_190], %swap3A_193 {strides = array<i32>} : memref<80x128xf32, #tpu.memory_space<vmem>>, vector<1x16xf32>,
        %get3A_194 = arith.index_cast %add3A_123 : i32 to index
        %get3A_195 = arith.constant 112 : index
        %get3A_196 = tpu.vector_load %arg11[%get3A_194, %get3A_195] {strides = array<i32>} : memref<80x128xf32, #tpu.memory_space<vmem>>, vector<1x16xf32>,
        %get3A_197 = vector.shape_cast %get3A_196 : vector<1x16xf32> to vector<16xf32>
        %mul3A_198 = arith.mulf %get3A_197, %broadcast_in_dim3A_119 : vector<16xf32>
        %swap3A_199 = arith.index_cast %add3A_123 : i32 to index
        %swap3A_200 = arith.constant 112 : index
        %swap3A_201 = tpu.vector_load %arg11[%swap3A_199, %swap3A_200] {strides = array<i32>} : memref<80x128xf32, #tpu.memory_space<vmem>>, vector<1x16xf32>,
        %swap3A_202 = vector.shape_cast %swap3A_201 : vector<1x16xf32> to vector<16xf32>
        %swap3A_203 = vector.shape_cast %mul3A_198 : vector<16xf32> to vector<1x16xf32>
        tpu.vector_store %arg11[%swap3A_199, %swap3A_200], %swap3A_203 {strides = array<i32>} : memref<80x128xf32, #tpu.memory_space<vmem>>, vector<1x16xf32>,
        %slice3A_204 = vector.extract_strided_slice %get3A_33 {offsets = [2], sizes = [1], strides = [1]} : vector<16xf32> to vector<1xf32>
        %squeeze3A_205 = vector.extract %slice3A_204[0] : f32 from vector<1xf32>
        %broadcast_in_dim3A_206 = vector.broadcast %squeeze3A_205 : f32 to vector<16xf32>
        %mul3A_207 = arith.constant 16 : i32
        %mul3A_208 = arith.muli %scan3A_29, %mul3A_207 : i32
        %add3A_209 = arith.constant 2 : i32
        %add3A_210 = arith.addi %mul3A_208, %add3A_209 : i32
        %get3A_211 = arith.index_cast %add3A_210 : i32 to index
        %get3A_212 = arith.constant 0 : index
        %get3A_213 = tpu.vector_load %arg11[%get3A_211, %get3A_212] {strides = array<i32>} : memref<80x128xf32, #tpu.memory_space<vmem>>, vector<1x16xf32>,
        %get3A_214 = vector.shape_cast %get3A_213 : vector<1x16xf32> to vector<16xf32>
        %mul3A_215 = arith.mulf %get3A_214, %broadcast_in_dim3A_206 : vector<16xf32>
        %swap3A_216 = arith.index_cast %add3A_210 : i32 to index
        %swap3A_217 = arith.constant 0 : index
        %swap3A_218 = tpu.vector_load %arg11[%swap3A_216, %swap3A_217] {strides = array<i32>} : memref<80x128xf32, #tpu.memory_space<vmem>>, vector<1x16xf32>,
        %swap3A_219 = vector.shape_cast %swap3A_218 : vector<1x16xf32> to vector<16xf32>
        %swap3A_220 = vector.shape_cast %mul3A_215 : vector<16xf32> to vector<1x16xf32>
        tpu.vector_store %arg11[%swap3A_216, %swap3A_217], %swap3A_220 {strides = array<i32>} : memref<80x128xf32, #tpu.memory_space<vmem>>, vector<1x16xf32>,
        %get3A_221 = arith.index_cast %add3A_210 : i32 to index
        %get3A_222 = arith.constant 16 : index
        %get3A_223 = tpu.vector_load %arg11[%get3A_221, %get3A_222] {strides = array<i32>} : memref<80x128xf32, #tpu.memory_space<vmem>>, vector<1x16xf32>,
        %get3A_224 = vector.shape_cast %get3A_223 : vector<1x16xf32> to vector<16xf32>
        %mul3A_225 = arith.mulf %get3A_224, %broadcast_in_dim3A_206 : vector<16xf32>
        %swap3A_226 = arith.index_cast %add3A_210 : i32 to index
        %swap3A_227 = arith.constant 16 : index
        %swap3A_228 = tpu.vector_load %arg11[%swap3A_226, %swap3A_227] {strides = array<i32>} : memref<80x128xf32, #tpu.memory_space<vmem>>, vector<1x16xf32>,
        %swap3A_229 = vector.shape_cast %swap3A_228 : vector<1x16xf32> to vector<16xf32>
        %swap3A_230 = vector.shape_cast %mul3A_225 : vector<16xf32> to vector<1x16xf32>
        tpu.vector_store %arg11[%swap3A_226, %swap3A_227], %swap3A_230 {strides = array<i32>} : memref<80x128xf32, #tpu.memory_space<vmem>>, vector<1x16xf32>,
        %get3A_231 = arith.index_cast %add3A_210 : i32 to index
        %get3A_232 = arith.constant 32 : index
        %get3A_233 = tpu.vector_load %arg11[%get3A_231, %get3A_232] {strides = array<i32>} : memref<80x128xf32, #tpu.memory_space<vmem>>, vector<1x16xf32>,
        %get3A_234 = vector.shape_cast %get3A_233 : vector<1x16xf32> to vector<16xf32>
        %mul3A_235 = arith.mulf %get3A_234, %broadcast_in_dim3A_206 : vector<16xf32>
        %swap3A_236 = arith.index_cast %add3A_210 : i32 to index
        %swap3A_237 = arith.constant 32 : index
        %swap3A_238 = tpu.vector_load %arg11[%swap3A_236, %swap3A_237] {strides = array<i32>} : memref<80x128xf32, #tpu.memory_space<vmem>>, vector<1x16xf32>,
        %swap3A_239 = vector.shape_cast %swap3A_238 : vector<1x16xf32> to vector<16xf32>
        %swap3A_240 = vector.shape_cast %mul3A_235 : vector<16xf32> to vector<1x16xf32>
        tpu.vector_store %arg11[%swap3A_236, %swap3A_237], %swap3A_240 {strides = array<i32>} : memref<80x128xf32, #tpu.memory_space<vmem>>, vector<1x16xf32>,
        %get3A_241 = arith.index_cast %add3A_210 : i32 to index
        %get3A_242 = arith.constant 48 : index
        %get3A_243 = tpu.vector_load %arg11[%get3A_241, %get3A_242] {strides = array<i32>} : memref<80x128xf32, #tpu.memory_space<vmem>>, vector<1x16xf32>,
        %get3A_244 = vector.shape_cast %get3A_243 : vector<1x16xf32> to vector<16xf32>
        %mul3A_245 = arith.mulf %get3A_244, %broadcast_in_dim3A_206 : vector<16xf32>
        %swap3A_246 = arith.index_cast %add3A_210 : i32 to index
        %swap3A_247 = arith.constant 48 : index
        %swap3A_248 = tpu.vector_load %arg11[%swap3A_246, %swap3A_247] {strides = array<i32>} : memref<80x128xf32, #tpu.memory_space<vmem>>, vector<1x16xf32>,
        %swap3A_249 = vector.shape_cast %swap3A_248 : vector<1x16xf32> to vector<16xf32>
        %swap3A_250 = vector.shape_cast %mul3A_245 : vector<16xf32> to vector<1x16xf32>
        tpu.vector_store %arg11[%swap3A_246, %swap3A_247], %swap3A_250 {strides = array<i32>} : memref<80x128xf32, #tpu.memory_space<vmem>>, vector<1x16xf32>,
        %get3A_251 = arith.index_cast %add3A_210 : i32 to index
        %get3A_252 = arith.constant 64 : index
        %get3A_253 = tpu.vector_load %arg11[%get3A_251, %get3A_252] {strides = array<i32>} : memref<80x128xf32, #tpu.memory_space<vmem>>, vector<1x16xf32>,
        %get3A_254 = vector.shape_cast %get3A_253 : vector<1x16xf32> to vector<16xf32>
        %mul3A_255 = arith.mulf %get3A_254, %broadcast_in_dim3A_206 : vector<16xf32>
        %swap3A_256 = arith.index_cast %add3A_210 : i32 to index
        %swap3A_257 = arith.constant 64 : index
        %swap3A_258 = tpu.vector_load %arg11[%swap3A_256, %swap3A_257] {strides = array<i32>} : memref<80x128xf32, #tpu.memory_space<vmem>>, vector<1x16xf32>,
        %swap3A_259 = vector.shape_cast %swap3A_258 : vector<1x16xf32> to vector<16xf32>
        %swap3A_260 = vector.shape_cast %mul3A_255 : vector<16xf32> to vector<1x16xf32>
        tpu.vector_store %arg11[%swap3A_256, %swap3A_257], %swap3A_260 {strides = array<i32>} : memref<80x128xf32, #tpu.memory_space<vmem>>, vector<1x16xf32>,
        %get3A_261 = arith.index_cast %add3A_210 : i32 to index
        %get3A_262 = arith.constant 80 : index
        %get3A_263 = tpu.vector_load %arg11[%get3A_261, %get3A_262] {strides = array<i32>} : memref<80x128xf32, #tpu.memory_space<vmem>>, vector<1x16xf32>,
        %get3A_264 = vector.shape_cast %get3A_263 : vector<1x16xf32> to vector<16xf32>
        %mul3A_265 = arith.mulf %get3A_264, %broadcast_in_dim3A_206 : vector<16xf32>
        %swap3A_266 = arith.index_cast %add3A_210 : i32 to index
        %swap3A_267 = arith.constant 80 : index
        %swap3A_268 = tpu.vector_load %arg11[%swap3A_266, %swap3A_267] {strides = array<i32>} : memref<80x128xf32, #tpu.memory_space<vmem>>, vector<1x16xf32>,
        %swap3A_269 = vector.shape_cast %swap3A_268 : vector<1x16xf32> to vector<16xf32>
        %swap3A_270 = vector.shape_cast %mul3A_265 : vector<16xf32> to vector<1x16xf32>
        tpu.vector_store %arg11[%swap3A_266, %swap3A_267], %swap3A_270 {strides = array<i32>} : memref<80x128xf32, #tpu.memory_space<vmem>>, vector<1x16xf32>,
        %get3A_271 = arith.index_cast %add3A_210 : i32 to index
        %get3A_272 = arith.constant 96 : index
        %get3A_273 = tpu.vector_load %arg11[%get3A_271, %get3A_272] {strides = array<i32>} : memref<80x128xf32, #tpu.memory_space<vmem>>, vector<1x16xf32>,
        %get3A_274 = vector.shape_cast %get3A_273 : vector<1x16xf32> to vector<16xf32>
        %mul3A_275 = arith.mulf %get3A_274, %broadcast_in_dim3A_206 : vector<16xf32>
        %swap3A_276 = arith.index_cast %add3A_210 : i32 to index
        %swap3A_277 = arith.constant 96 : index
        %swap3A_278 = tpu.vector_load %arg11[%swap3A_276, %swap3A_277] {strides = array<i32>} : memref<80x128xf32, #tpu.memory_space<vmem>>, vector<1x16xf32>,
        %swap3A_279 = vector.shape_cast %swap3A_278 : vector<1x16xf32> to vector<16xf32>
        %swap3A_280 = vector.shape_cast %mul3A_275 : vector<16xf32> to vector<1x16xf32>
        tpu.vector_store %arg11[%swap3A_276, %swap3A_277], %swap3A_280 {strides = array<i32>} : memref<80x128xf32, #tpu.memory_space<vmem>>, vector<1x16xf32>,
        %get3A_281 = arith.index_cast %add3A_210 : i32 to index
        %get3A_282 = arith.constant 112 : index
        %get3A_283 = tpu.vector_load %arg11[%get3A_281, %get3A_282] {strides = array<i32>} : memref<80x128xf32, #tpu.memory_space<vmem>>, vector<1x16xf32>,
        %get3A_284 = vector.shape_cast %get3A_283 : vector<1x16xf32> to vector<16xf32>
        %mul3A_285 = arith.mulf %get3A_284, %broadcast_in_dim3A_206 : vector<16xf32>
        %swap3A_286 = arith.index_cast %add3A_210 : i32 to index
        %swap3A_287 = arith.constant 112 : index
        %swap3A_288 = tpu.vector_load %arg11[%swap3A_286, %swap3A_287] {strides = array<i32>} : memref<80x128xf32, #tpu.memory_space<vmem>>, vector<1x16xf32>,
        %swap3A_289 = vector.shape_cast %swap3A_288 : vector<1x16xf32> to vector<16xf32>
        %swap3A_290 = vector.shape_cast %mul3A_285 : vector<16xf32> to vector<1x16xf32>
        tpu.vector_store %arg11[%swap3A_286, %swap3A_287], %swap3A_290 {strides = array<i32>} : memref<80x128xf32, #tpu.memory_space<vmem>>, vector<1x16xf32>,
        %slice3A_291 = vector.extract_strided_slice %get3A_33 {offsets = [3], sizes = [1], strides = [1]} : vector<16xf32> to vector<1xf32>
        %squeeze3A_292 = vector.extract %slice3A_291[0] : f32 from vector<1xf32>
        %broadcast_in_dim3A_293 = vector.broadcast %squeeze3A_292 : f32 to vector<16xf32>
        %mul3A_294 = arith.constant 16 : i32
        %mul3A_295 = arith.muli %scan3A_29, %mul3A_294 : i32
        %add3A_296 = arith.constant 3 : i32
        %add3A_297 = arith.addi %mul3A_295, %add3A_296 : i32
        %get3A_298 = arith.index_cast %add3A_297 : i32 to index
        %get3A_299 = arith.constant 0 : index
        %get3A_300 = tpu.vector_load %arg11[%get3A_298, %get3A_299] {strides = array<i32>} : memref<80x128xf32, #tpu.memory_space<vmem>>, vector<1x16xf32>,
        %get3A_301 = vector.shape_cast %get3A_300 : vector<1x16xf32> to vector<16xf32>
        %mul3A_302 = arith.mulf %get3A_301, %broadcast_in_dim3A_293 : vector<16xf32>
        %swap3A_303 = arith.index_cast %add3A_297 : i32 to index
        %swap3A_304 = arith.constant 0 : index
        %swap3A_305 = tpu.vector_load %arg11[%swap3A_303, %swap3A_304] {strides = array<i32>} : memref<80x128xf32, #tpu.memory_space<vmem>>, vector<1x16xf32>,
        %swap3A_306 = vector.shape_cast %swap3A_305 : vector<1x16xf32> to vector<16xf32>
        %swap3A_307 = vector.shape_cast %mul3A_302 : vector<16xf32> to vector<1x16xf32>
        tpu.vector_store %arg11[%swap3A_303, %swap3A_304], %swap3A_307 {strides = array<i32>} : memref<80x128xf32, #tpu.memory_space<vmem>>, vector<1x16xf32>,
        %get3A_308 = arith.index_cast %add3A_297 : i32 to index
        %get3A_309 = arith.constant 16 : index
        %get3A_310 = tpu.vector_load %arg11[%get3A_308, %get3A_309] {strides = array<i32>} : memref<80x128xf32, #tpu.memory_space<vmem>>, vector<1x16xf32>,
        %get3A_311 = vector.shape_cast %get3A_310 : vector<1x16xf32> to vector<16xf32>
        %mul3A_312 = arith.mulf %get3A_311, %broadcast_in_dim3A_293 : vector<16xf32>
        %swap3A_313 = arith.index_cast %add3A_297 : i32 to index
        %swap3A_314 = arith.constant 16 : index
        %swap3A_315 = tpu.vector_load %arg11[%swap3A_313, %swap3A_314] {strides = array<i32>} : memref<80x128xf32, #tpu.memory_space<vmem>>, vector<1x16xf32>,
        %swap3A_316 = vector.shape_cast %swap3A_315 : vector<1x16xf32> to vector<16xf32>
        %swap3A_317 = vector.shape_cast %mul3A_312 : vector<16xf32> to vector<1x16xf32>
        tpu.vector_store %arg11[%swap3A_313, %swap3A_314], %swap3A_317 {strides = array<i32>} : memref<80x128xf32, #tpu.memory_space<vmem>>, vector<1x16xf32>,
        %get3A_318 = arith.index_cast %add3A_297 : i32 to index
        %get3A_319 = arith.constant 32 : index
        %get3A_320 = tpu.vector_load %arg11[%get3A_318, %get3A_319] {strides = array<i32>} : memref<80x128xf32, #tpu.memory_space<vmem>>, vector<1x16xf32>,
        %get3A_321 = vector.shape_cast %get3A_320 : vector<1x16xf32> to vector<16xf32>
        %mul3A_322 = arith.mulf %get3A_321, %broadcast_in_dim3A_293 : vector<16xf32>
        %swap3A_323 = arith.index_cast %add3A_297 : i32 to index
        %swap3A_324 = arith.constant 32 : index
        %swap3A_325 = tpu.vector_load %arg11[%swap3A_323, %swap3A_324] {strides = array<i32>} : memref<80x128xf32, #tpu.memory_space<vmem>>, vector<1x16xf32>,
        %swap3A_326 = vector.shape_cast %swap3A_325 : vector<1x16xf32> to vector<16xf32>
        %swap3A_327 = vector.shape_cast %mul3A_322 : vector<16xf32> to vector<1x16xf32>
        tpu.vector_store %arg11[%swap3A_323, %swap3A_324], %swap3A_327 {strides = array<i32>} : memref<80x128xf32, #tpu.memory_space<vmem>>, vector<1x16xf32>,
        %get3A_328 = arith.index_cast %add3A_297 : i32 to index
        %get3A_329 = arith.constant 48 : index
        %get3A_330 = tpu.vector_load %arg11[%get3A_328, %get3A_329] {strides = array<i32>} : memref<80x128xf32, #tpu.memory_space<vmem>>, vector<1x16xf32>,
        %get3A_331 = vector.shape_cast %get3A_330 : vector<1x16xf32> to vector<16xf32>
        %mul3A_332 = arith.mulf %get3A_331, %broadcast_in_dim3A_293 : vector<16xf32>
        %swap3A_333 = arith.index_cast %add3A_297 : i32 to index
        %swap3A_334 = arith.constant 48 : index
        %swap3A_335 = tpu.vector_load %arg11[%swap3A_333, %swap3A_334] {strides = array<i32>} : memref<80x128xf32, #tpu.memory_space<vmem>>, vector<1x16xf32>,
        %swap3A_336 = vector.shape_cast %swap3A_335 : vector<1x16xf32> to vector<16xf32>
        %swap3A_337 = vector.shape_cast %mul3A_332 : vector<16xf32> to vector<1x16xf32>
        tpu.vector_store %arg11[%swap3A_333, %swap3A_334], %swap3A_337 {strides = array<i32>} : memref<80x128xf32, #tpu.memory_space<vmem>>, vector<1x16xf32>,
        %get3A_338 = arith.index_cast %add3A_297 : i32 to index
        %get3A_339 = arith.constant 64 : index
        %get3A_340 = tpu.vector_load %arg11[%get3A_338, %get3A_339] {strides = array<i32>} : memref<80x128xf32, #tpu.memory_space<vmem>>, vector<1x16xf32>,
        %get3A_341 = vector.shape_cast %get3A_340 : vector<1x16xf32> to vector<16xf32>
        %mul3A_342 = arith.mulf %get3A_341, %broadcast_in_dim3A_293 : vector<16xf32>
        %swap3A_343 = arith.index_cast %add3A_297 : i32 to index
        %swap3A_344 = arith.constant 64 : index
        %swap3A_345 = tpu.vector_load %arg11[%swap3A_343, %swap3A_344] {strides = array<i32>} : memref<80x128xf32, #tpu.memory_space<vmem>>, vector<1x16xf32>,
        %swap3A_346 = vector.shape_cast %swap3A_345 : vector<1x16xf32> to vector<16xf32>
        %swap3A_347 = vector.shape_cast %mul3A_342 : vector<16xf32> to vector<1x16xf32>
        tpu.vector_store %arg11[%swap3A_343, %swap3A_344], %swap3A_347 {strides = array<i32>} : memref<80x128xf32, #tpu.memory_space<vmem>>, vector<1x16xf32>,
        %get3A_348 = arith.index_cast %add3A_297 : i32 to index
        %get3A_349 = arith.constant 80 : index
        %get3A_350 = tpu.vector_load %arg11[%get3A_348, %get3A_349] {strides = array<i32>} : memref<80x128xf32, #tpu.memory_space<vmem>>, vector<1x16xf32>,
        %get3A_351 = vector.shape_cast %get3A_350 : vector<1x16xf32> to vector<16xf32>
        %mul3A_352 = arith.mulf %get3A_351, %broadcast_in_dim3A_293 : vector<16xf32>
        %swap3A_353 = arith.index_cast %add3A_297 : i32 to index
        %swap3A_354 = arith.constant 80 : index
        %swap3A_355 = tpu.vector_load %arg11[%swap3A_353, %swap3A_354] {strides = array<i32>} : memref<80x128xf32, #tpu.memory_space<vmem>>, vector<1x16xf32>,
        %swap3A_356 = vector.shape_cast %swap3A_355 : vector<1x16xf32> to vector<16xf32>
        %swap3A_357 = vector.shape_cast %mul3A_352 : vector<16xf32> to vector<1x16xf32>
        tpu.vector_store %arg11[%swap3A_353, %swap3A_354], %swap3A_357 {strides = array<i32>} : memref<80x128xf32, #tpu.memory_space<vmem>>, vector<1x16xf32>,
        %get3A_358 = arith.index_cast %add3A_297 : i32 to index
        %get3A_359 = arith.constant 96 : index
        %get3A_360 = tpu.vector_load %arg11[%get3A_358, %get3A_359] {strides = array<i32>} : memref<80x128xf32, #tpu.memory_space<vmem>>, vector<1x16xf32>,
        %get3A_361 = vector.shape_cast %get3A_360 : vector<1x16xf32> to vector<16xf32>
        %mul3A_362 = arith.mulf %get3A_361, %broadcast_in_dim3A_293 : vector<16xf32>
        %swap3A_363 = arith.index_cast %add3A_297 : i32 to index
        %swap3A_364 = arith.constant 96 : index
        %swap3A_365 = tpu.vector_load %arg11[%swap3A_363, %swap3A_364] {strides = array<i32>} : memref<80x128xf32, #tpu.memory_space<vmem>>, vector<1x16xf32>,
        %swap3A_366 = vector.shape_cast %swap3A_365 : vector<1x16xf32> to vector<16xf32>
        %swap3A_367 = vector.shape_cast %mul3A_362 : vector<16xf32> to vector<1x16xf32>
        tpu.vector_store %arg11[%swap3A_363, %swap3A_364], %swap3A_367 {strides = array<i32>} : memref<80x128xf32, #tpu.memory_space<vmem>>, vector<1x16xf32>,
        %get3A_368 = arith.index_cast %add3A_297 : i32 to index
        %get3A_369 = arith.constant 112 : index
        %get3A_370 = tpu.vector_load %arg11[%get3A_368, %get3A_369] {strides = array<i32>} : memref<80x128xf32, #tpu.memory_space<vmem>>, vector<1x16xf32>,
        %get3A_371 = vector.shape_cast %get3A_370 : vector<1x16xf32> to vector<16xf32>
        %mul3A_372 = arith.mulf %get3A_371, %broadcast_in_dim3A_293 : vector<16xf32>
        %swap3A_373 = arith.index_cast %add3A_297 : i32 to index
        %swap3A_374 = arith.constant 112 : index
        %swap3A_375 = tpu.vector_load %arg11[%swap3A_373, %swap3A_374] {strides = array<i32>} : memref<80x128xf32, #tpu.memory_space<vmem>>, vector<1x16xf32>,
        %swap3A_376 = vector.shape_cast %swap3A_375 : vector<1x16xf32> to vector<16xf32>
        %swap3A_377 = vector.shape_cast %mul3A_372 : vector<16xf32> to vector<1x16xf32>
        tpu.vector_store %arg11[%swap3A_373, %swap3A_374], %swap3A_377 {strides = array<i32>} : memref<80x128xf32, #tpu.memory_space<vmem>>, vector<1x16xf32>,
        %slice3A_378 = vector.extract_strided_slice %get3A_33 {offsets = [4], sizes = [1], strides = [1]} : vector<16xf32> to vector<1xf32>
        %squeeze3A_379 = vector.extract %slice3A_378[0] : f32 from vector<1xf32>
        %broadcast_in_dim3A_380 = vector.broadcast %squeeze3A_379 : f32 to vector<16xf32>
        %mul3A_381 = arith.constant 16 : i32
        %mul3A_382 = arith.muli %scan3A_29, %mul3A_381 : i32
        %add3A_383 = arith.constant 4 : i32
        %add3A_384 = arith.addi %mul3A_382, %add3A_383 : i32
        %get3A_385 = arith.index_cast %add3A_384 : i32 to index
        %get3A_386 = arith.constant 0 : index
        %get3A_387 = tpu.vector_load %arg11[%get3A_385, %get3A_386] {strides = array<i32>} : memref<80x128xf32, #tpu.memory_space<vmem>>, vector<1x16xf32>,
        %get3A_388 = vector.shape_cast %get3A_387 : vector<1x16xf32> to vector<16xf32>
        %mul3A_389 = arith.mulf %get3A_388, %broadcast_in_dim3A_380 : vector<16xf32>
        %swap3A_390 = arith.index_cast %add3A_384 : i32 to index
        %swap3A_391 = arith.constant 0 : index
        %swap3A_392 = tpu.vector_load %arg11[%swap3A_390, %swap3A_391] {strides = array<i32>} : memref<80x128xf32, #tpu.memory_space<vmem>>, vector<1x16xf32>,
        %swap3A_393 = vector.shape_cast %swap3A_392 : vector<1x16xf32> to vector<16xf32>
        %swap3A_394 = vector.shape_cast %mul3A_389 : vector<16xf32> to vector<1x16xf32>
        tpu.vector_store %arg11[%swap3A_390, %swap3A_391], %swap3A_394 {strides = array<i32>} : memref<80x128xf32, #tpu.memory_space<vmem>>, vector<1x16xf32>,
        %get3A_395 = arith.index_cast %add3A_384 : i32 to index
        %get3A_396 = arith.constant 16 : index
        %get3A_397 = tpu.vector_load %arg11[%get3A_395, %get3A_396] {strides = array<i32>} : memref<80x128xf32, #tpu.memory_space<vmem>>, vector<1x16xf32>,
        %get3A_398 = vector.shape_cast %get3A_397 : vector<1x16xf32> to vector<16xf32>
        %mul3A_399 = arith.mulf %get3A_398, %broadcast_in_dim3A_380 : vector<16xf32>
        %swap3A_400 = arith.index_cast %add3A_384 : i32 to index
        %swap3A_401 = arith.constant 16 : index
        %swap3A_402 = tpu.vector_load %arg11[%swap3A_400, %swap3A_401] {strides = array<i32>} : memref<80x128xf32, #tpu.memory_space<vmem>>, vector<1x16xf32>,
        %swap3A_403 = vector.shape_cast %swap3A_402 : vector<1x16xf32> to vector<16xf32>
        %swap3A_404 = vector.shape_cast %mul3A_399 : vector<16xf32> to vector<1x16xf32>
        tpu.vector_store %arg11[%swap3A_400, %swap3A_401], %swap3A_404 {strides = array<i32>} : memref<80x128xf32, #tpu.memory_space<vmem>>, vector<1x16xf32>,
        %get3A_405 = arith.index_cast %add3A_384 : i32 to index
        %get3A_406 = arith.constant 32 : index
        %get3A_407 = tpu.vector_load %arg11[%get3A_405, %get3A_406] {strides = array<i32>} : memref<80x128xf32, #tpu.memory_space<vmem>>, vector<1x16xf32>,
        %get3A_408 = vector.shape_cast %get3A_407 : vector<1x16xf32> to vector<16xf32>
        %mul3A_409 = arith.mulf %get3A_408, %broadcast_in_dim3A_380 : vector<16xf32>
        %swap3A_410 = arith.index_cast %add3A_384 : i32 to index
        %swap3A_411 = arith.constant 32 : index
        %swap3A_412 = tpu.vector_load %arg11[%swap3A_410, %swap3A_411] {strides = array<i32>} : memref<80x128xf32, #tpu.memory_space<vmem>>, vector<1x16xf32>,
        %swap3A_413 = vector.shape_cast %swap3A_412 : vector<1x16xf32> to vector<16xf32>
        %swap3A_414 = vector.shape_cast %mul3A_409 : vector<16xf32> to vector<1x16xf32>
        tpu.vector_store %arg11[%swap3A_410, %swap3A_411], %swap3A_414 {strides = array<i32>} : memref<80x128xf32, #tpu.memory_space<vmem>>, vector<1x16xf32>,
        %get3A_415 = arith.index_cast %add3A_384 : i32 to index
        %get3A_416 = arith.constant 48 : index
        %get3A_417 = tpu.vector_load %arg11[%get3A_415, %get3A_416] {strides = array<i32>} : memref<80x128xf32, #tpu.memory_space<vmem>>, vector<1x16xf32>,
        %get3A_418 = vector.shape_cast %get3A_417 : vector<1x16xf32> to vector<16xf32>
        %mul3A_419 = arith.mulf %get3A_418, %broadcast_in_dim3A_380 : vector<16xf32>
        %swap3A_420 = arith.index_cast %add3A_384 : i32 to index
        %swap3A_421 = arith.constant 48 : index
        %swap3A_422 = tpu.vector_load %arg11[%swap3A_420, %swap3A_421] {strides = array<i32>} : memref<80x128xf32, #tpu.memory_space<vmem>>, vector<1x16xf32>,
        %swap3A_423 = vector.shape_cast %swap3A_422 : vector<1x16xf32> to vector<16xf32>
        %swap3A_424 = vector.shape_cast %mul3A_419 : vector<16xf32> to vector<1x16xf32>
        tpu.vector_store %arg11[%swap3A_420, %swap3A_421], %swap3A_424 {strides = array<i32>} : memref<80x128xf32, #tpu.memory_space<vmem>>, vector<1x16xf32>,
        %get3A_425 = arith.index_cast %add3A_384 : i32 to index
        %get3A_426 = arith.constant 64 : index
        %get3A_427 = tpu.vector_load %arg11[%get3A_425, %get3A_426] {strides = array<i32>} : memref<80x128xf32, #tpu.memory_space<vmem>>, vector<1x16xf32>,
        %get3A_428 = vector.shape_cast %get3A_427 : vector<1x16xf32> to vector<16xf32>
        %mul3A_429 = arith.mulf %get3A_428, %broadcast_in_dim3A_380 : vector<16xf32>
        %swap3A_430 = arith.index_cast %add3A_384 : i32 to index
        %swap3A_431 = arith.constant 64 : index
        %swap3A_432 = tpu.vector_load %arg11[%swap3A_430, %swap3A_431] {strides = array<i32>} : memref<80x128xf32, #tpu.memory_space<vmem>>, vector<1x16xf32>,
        %swap3A_433 = vector.shape_cast %swap3A_432 : vector<1x16xf32> to vector<16xf32>
        %swap3A_434 = vector.shape_cast %mul3A_429 : vector<16xf32> to vector<1x16xf32>
        tpu.vector_store %arg11[%swap3A_430, %swap3A_431], %swap3A_434 {strides = array<i32>} : memref<80x128xf32, #tpu.memory_space<vmem>>, vector<1x16xf32>,
        %get3A_435 = arith.index_cast %add3A_384 : i32 to index
        %get3A_436 = arith.constant 80 : index
        %get3A_437 = tpu.vector_load %arg11[%get3A_435, %get3A_436] {strides = array<i32>} : memref<80x128xf32, #tpu.memory_space<vmem>>, vector<1x16xf32>,
        %get3A_438 = vector.shape_cast %get3A_437 : vector<1x16xf32> to vector<16xf32>
        %mul3A_439 = arith.mulf %get3A_438, %broadcast_in_dim3A_380 : vector<16xf32>
        %swap3A_440 = arith.index_cast %add3A_384 : i32 to index
        %swap3A_441 = arith.constant 80 : index
        %swap3A_442 = tpu.vector_load %arg11[%swap3A_440, %swap3A_441] {strides = array<i32>} : memref<80x128xf32, #tpu.memory_space<vmem>>, vector<1x16xf32>,
        %swap3A_443 = vector.shape_cast %swap3A_442 : vector<1x16xf32> to vector<16xf32>
        %swap3A_444 = vector.shape_cast %mul3A_439 : vector<16xf32> to vector<1x16xf32>
        tpu.vector_store %arg11[%swap3A_440, %swap3A_441], %swap3A_444 {strides = array<i32>} : memref<80x128xf32, #tpu.memory_space<vmem>>, vector<1x16xf32>,
        %get3A_445 = arith.index_cast %add3A_384 : i32 to index
        %get3A_446 = arith.constant 96 : index
        %get3A_447 = tpu.vector_load %arg11[%get3A_445, %get3A_446] {strides = array<i32>} : memref<80x128xf32, #tpu.memory_space<vmem>>, vector<1x16xf32>,
        %get3A_448 = vector.shape_cast %get3A_447 : vector<1x16xf32> to vector<16xf32>
        %mul3A_449 = arith.mulf %get3A_448, %broadcast_in_dim3A_380 : vector<16xf32>
        %swap3A_450 = arith.index_cast %add3A_384 : i32 to index
        %swap3A_451 = arith.constant 96 : index
        %swap3A_452 = tpu.vector_load %arg11[%swap3A_450, %swap3A_451] {strides = array<i32>} : memref<80x128xf32, #tpu.memory_space<vmem>>, vector<1x16xf32>,
        %swap3A_453 = vector.shape_cast %swap3A_452 : vector<1x16xf32> to vector<16xf32>
        %swap3A_454 = vector.shape_cast %mul3A_449 : vector<16xf32> to vector<1x16xf32>
        tpu.vector_store %arg11[%swap3A_450, %swap3A_451], %swap3A_454 {strides = array<i32>} : memref<80x128xf32, #tpu.memory_space<vmem>>, vector<1x16xf32>,
        %get3A_455 = arith.index_cast %add3A_384 : i32 to index
        %get3A_456 = arith.constant 112 : index
        %get3A_457 = tpu.vector_load %arg11[%get3A_455, %get3A_456] {strides = array<i32>} : memref<80x128xf32, #tpu.memory_space<vmem>>, vector<1x16xf32>,
        %get3A_458 = vector.shape_cast %get3A_457 : vector<1x16xf32> to vector<16xf32>
        %mul3A_459 = arith.mulf %get3A_458, %broadcast_in_dim3A_380 : vector<16xf32>
        %swap3A_460 = arith.index_cast %add3A_384 : i32 to index
        %swap3A_461 = arith.constant 112 : index
        %swap3A_462 = tpu.vector_load %arg11[%swap3A_460, %swap3A_461] {strides = array<i32>} : memref<80x128xf32, #tpu.memory_space<vmem>>, vector<1x16xf32>,
        %swap3A_463 = vector.shape_cast %swap3A_462 : vector<1x16xf32> to vector<16xf32>
        %swap3A_464 = vector.shape_cast %mul3A_459 : vector<16xf32> to vector<1x16xf32>
        tpu.vector_store %arg11[%swap3A_460, %swap3A_461], %swap3A_464 {strides = array<i32>} : memref<80x128xf32, #tpu.memory_space<vmem>>, vector<1x16xf32>,
        %slice3A_465 = vector.extract_strided_slice %get3A_33 {offsets = [5], sizes = [1], strides = [1]} : vector<16xf32> to vector<1xf32>
        %squeeze3A_466 = vector.extract %slice3A_465[0] : f32 from vector<1xf32>
        %broadcast_in_dim3A_467 = vector.broadcast %squeeze3A_466 : f32 to vector<16xf32>
        %mul3A_468 = arith.constant 16 : i32
        %mul3A_469 = arith.muli %scan3A_29, %mul3A_468 : i32
        %add3A_470 = arith.constant 5 : i32
        %add3A_471 = arith.addi %mul3A_469, %add3A_470 : i32
        %get3A_472 = arith.index_cast %add3A_471 : i32 to index
        %get3A_473 = arith.constant 0 : index
        %get3A_474 = tpu.vector_load %arg11[%get3A_472, %get3A_473] {strides = array<i32>} : memref<80x128xf32, #tpu.memory_space<vmem>>, vector<1x16xf32>,
        %get3A_475 = vector.shape_cast %get3A_474 : vector<1x16xf32> to vector<16xf32>
        %mul3A_476 = arith.mulf %get3A_475, %broadcast_in_dim3A_467 : vector<16xf32>
        %swap3A_477 = arith.index_cast %add3A_471 : i32 to index
        %swap3A_478 = arith.constant 0 : index
        %swap3A_479 = tpu.vector_load %arg11[%swap3A_477, %swap3A_478] {strides = array<i32>} : memref<80x128xf32, #tpu.memory_space<vmem>>, vector<1x16xf32>,
        %swap3A_480 = vector.shape_cast %swap3A_479 : vector<1x16xf32> to vector<16xf32>
        %swap3A_481 = vector.shape_cast %mul3A_476 : vector<16xf32> to vector<1x16xf32>
        tpu.vector_store %arg11[%swap3A_477, %swap3A_478], %swap3A_481 {strides = array<i32>} : memref<80x128xf32, #tpu.memory_space<vmem>>, vector<1x16xf32>,
        %get3A_482 = arith.index_cast %add3A_471 : i32 to index
        %get3A_483 = arith.constant 16 : index
        %get3A_484 = tpu.vector_load %arg11[%get3A_482, %get3A_483] {strides = array<i32>} : memref<80x128xf32, #tpu.memory_space<vmem>>, vector<1x16xf32>,
        %get3A_485 = vector.shape_cast %get3A_484 : vector<1x16xf32> to vector<16xf32>
        %mul3A_486 = arith.mulf %get3A_485, %broadcast_in_dim3A_467 : vector<16xf32>
        %swap3A_487 = arith.index_cast %add3A_471 : i32 to index
        %swap3A_488 = arith.constant 16 : index
        %swap3A_489 = tpu.vector_load %arg11[%swap3A_487, %swap3A_488] {strides = array<i32>} : memref<80x128xf32, #tpu.memory_space<vmem>>, vector<1x16xf32>,
        %swap3A_490 = vector.shape_cast %swap3A_489 : vector<1x16xf32> to vector<16xf32>
        %swap3A_491 = vector.shape_cast %mul3A_486 : vector<16xf32> to vector<1x16xf32>
        tpu.vector_store %arg11[%swap3A_487, %swap3A_488], %swap3A_491 {strides = array<i32>} : memref<80x128xf32, #tpu.memory_space<vmem>>, vector<1x16xf32>,
        %get3A_492 = arith.index_cast %add3A_471 : i32 to index
        %get3A_493 = arith.constant 32 : index
        %get3A_494 = tpu.vector_load %arg11[%get3A_492, %get3A_493] {strides = array<i32>} : memref<80x128xf32, #tpu.memory_space<vmem>>, vector<1x16xf32>,
        %get3A_495 = vector.shape_cast %get3A_494 : vector<1x16xf32> to vector<16xf32>
        %mul3A_496 = arith.mulf %get3A_495, %broadcast_in_dim3A_467 : vector<16xf32>
        %swap3A_497 = arith.index_cast %add3A_471 : i32 to index
        %swap3A_498 = arith.constant 32 : index
        %swap3A_499 = tpu.vector_load %arg11[%swap3A_497, %swap3A_498] {strides = array<i32>} : memref<80x128xf32, #tpu.memory_space<vmem>>, vector<1x16xf32>,
        %swap3A_500 = vector.shape_cast %swap3A_499 : vector<1x16xf32> to vector<16xf32>
        %swap3A_501 = vector.shape_cast %mul3A_496 : vector<16xf32> to vector<1x16xf32>
        tpu.vector_store %arg11[%swap3A_497, %swap3A_498], %swap3A_501 {strides = array<i32>} : memref<80x128xf32, #tpu.memory_space<vmem>>, vector<1x16xf32>,
        %get3A_502 = arith.index_cast %add3A_471 : i32 to index
        %get3A_503 = arith.constant 48 : index
        %get3A_504 = tpu.vector_load %arg11[%get3A_502, %get3A_503] {strides = array<i32>} : memref<80x128xf32, #tpu.memory_space<vmem>>, vector<1x16xf32>,
        %get3A_505 = vector.shape_cast %get3A_504 : vector<1x16xf32> to vector<16xf32>
        %mul3A_506 = arith.mulf %get3A_505, %broadcast_in_dim3A_467 : vector<16xf32>
        %swap3A_507 = arith.index_cast %add3A_471 : i32 to index
        %swap3A_508 = arith.constant 48 : index
        %swap3A_509 = tpu.vector_load %arg11[%swap3A_507, %swap3A_508] {strides = array<i32>} : memref<80x128xf32, #tpu.memory_space<vmem>>, vector<1x16xf32>,
        %swap3A_510 = vector.shape_cast %swap3A_509 : vector<1x16xf32> to vector<16xf32>
        %swap3A_511 = vector.shape_cast %mul3A_506 : vector<16xf32> to vector<1x16xf32>
        tpu.vector_store %arg11[%swap3A_507, %swap3A_508], %swap3A_511 {strides = array<i32>} : memref<80x128xf32, #tpu.memory_space<vmem>>, vector<1x16xf32>,
        %get3A_512 = arith.index_cast %add3A_471 : i32 to index
        %get3A_513 = arith.constant 64 : index
        %get3A_514 = tpu.vector_load %arg11[%get3A_512, %get3A_513] {strides = array<i32>} : memref<80x128xf32, #tpu.memory_space<vmem>>, vector<1x16xf32>,
        %get3A_515 = vector.shape_cast %get3A_514 : vector<1x16xf32> to vector<16xf32>
        %mul3A_516 = arith.mulf %get3A_515, %broadcast_in_dim3A_467 : vector<16xf32>
        %swap3A_517 = arith.index_cast %add3A_471 : i32 to index
        %swap3A_518 = arith.constant 64 : index
        %swap3A_519 = tpu.vector_load %arg11[%swap3A_517, %swap3A_518] {strides = array<i32>} : memref<80x128xf32, #tpu.memory_space<vmem>>, vector<1x16xf32>,
        %swap3A_520 = vector.shape_cast %swap3A_519 : vector<1x16xf32> to vector<16xf32>
        %swap3A_521 = vector.shape_cast %mul3A_516 : vector<16xf32> to vector<1x16xf32>
        tpu.vector_store %arg11[%swap3A_517, %swap3A_518], %swap3A_521 {strides = array<i32>} : memref<80x128xf32, #tpu.memory_space<vmem>>, vector<1x16xf32>,
        %get3A_522 = arith.index_cast %add3A_471 : i32 to index
        %get3A_523 = arith.constant 80 : index
        %get3A_524 = tpu.vector_load %arg11[%get3A_522, %get3A_523] {strides = array<i32>} : memref<80x128xf32, #tpu.memory_space<vmem>>, vector<1x16xf32>,
        %get3A_525 = vector.shape_cast %get3A_524 : vector<1x16xf32> to vector<16xf32>
        %mul3A_526 = arith.mulf %get3A_525, %broadcast_in_dim3A_467 : vector<16xf32>
        %swap3A_527 = arith.index_cast %add3A_471 : i32 to index
        %swap3A_528 = arith.constant 80 : index
        %swap3A_529 = tpu.vector_load %arg11[%swap3A_527, %swap3A_528] {strides = array<i32>} : memref<80x128xf32, #tpu.memory_space<vmem>>, vector<1x16xf32>,
        %swap3A_530 = vector.shape_cast %swap3A_529 : vector<1x16xf32> to vector<16xf32>
        %swap3A_531 = vector.shape_cast %mul3A_526 : vector<16xf32> to vector<1x16xf32>
        tpu.vector_store %arg11[%swap3A_527, %swap3A_528], %swap3A_531 {strides = array<i32>} : memref<80x128xf32, #tpu.memory_space<vmem>>, vector<1x16xf32>,
        %get3A_532 = arith.index_cast %add3A_471 : i32 to index
        %get3A_533 = arith.constant 96 : index
        %get3A_534 = tpu.vector_load %arg11[%get3A_532, %get3A_533] {strides = array<i32>} : memref<80x128xf32, #tpu.memory_space<vmem>>, vector<1x16xf32>,
        %get3A_535 = vector.shape_cast %get3A_534 : vector<1x16xf32> to vector<16xf32>
        %mul3A_536 = arith.mulf %get3A_535, %broadcast_in_dim3A_467 : vector<16xf32>
        %swap3A_537 = arith.index_cast %add3A_471 : i32 to index
        %swap3A_538 = arith.constant 96 : index
        %swap3A_539 = tpu.vector_load %arg11[%swap3A_537, %swap3A_538] {strides = array<i32>} : memref<80x128xf32, #tpu.memory_space<vmem>>, vector<1x16xf32>,
        %swap3A_540 = vector.shape_cast %swap3A_539 : vector<1x16xf32> to vector<16xf32>
        %swap3A_541 = vector.shape_cast %mul3A_536 : vector<16xf32> to vector<1x16xf32>
        tpu.vector_store %arg11[%swap3A_537, %swap3A_538], %swap3A_541 {strides = array<i32>} : memref<80x128xf32, #tpu.memory_space<vmem>>, vector<1x16xf32>,
        %get3A_542 = arith.index_cast %add3A_471 : i32 to index
        %get3A_543 = arith.constant 112 : index
        %get3A_544 = tpu.vector_load %arg11[%get3A_542, %get3A_543] {strides = array<i32>} : memref<80x128xf32, #tpu.memory_space<vmem>>, vector<1x16xf32>,
        %get3A_545 = vector.shape_cast %get3A_544 : vector<1x16xf32> to vector<16xf32>
        %mul3A_546 = arith.mulf %get3A_545, %broadcast_in_dim3A_467 : vector<16xf32>
        %swap3A_547 = arith.index_cast %add3A_471 : i32 to index
        %swap3A_548 = arith.constant 112 : index
        %swap3A_549 = tpu.vector_load %arg11[%swap3A_547, %swap3A_548] {strides = array<i32>} : memref<80x128xf32, #tpu.memory_space<vmem>>, vector<1x16xf32>,
        %swap3A_550 = vector.shape_cast %swap3A_549 : vector<1x16xf32> to vector<16xf32>
        %swap3A_551 = vector.shape_cast %mul3A_546 : vector<16xf32> to vector<1x16xf32>
        tpu.vector_store %arg11[%swap3A_547, %swap3A_548], %swap3A_551 {strides = array<i32>} : memref<80x128xf32, #tpu.memory_space<vmem>>, vector<1x16xf32>,
        %slice3A_552 = vector.extract_strided_slice %get3A_33 {offsets = [6], sizes = [1], strides = [1]} : vector<16xf32> to vector<1xf32>
        %squeeze3A_553 = vector.extract %slice3A_552[0] : f32 from vector<1xf32>
        %broadcast_in_dim3A_554 = vector.broadcast %squeeze3A_553 : f32 to vector<16xf32>
        %mul3A_555 = arith.constant 16 : i32
        %mul3A_556 = arith.muli %scan3A_29, %mul3A_555 : i32
        %add3A_557 = arith.constant 6 : i32
        %add3A_558 = arith.addi %mul3A_556, %add3A_557 : i32
        %get3A_559 = arith.index_cast %add3A_558 : i32 to index
        %get3A_560 = arith.constant 0 : index
        %get3A_561 = tpu.vector_load %arg11[%get3A_559, %get3A_560] {strides = array<i32>} : memref<80x128xf32, #tpu.memory_space<vmem>>, vector<1x16xf32>,
        %get3A_562 = vector.shape_cast %get3A_561 : vector<1x16xf32> to vector<16xf32>
        %mul3A_563 = arith.mulf %get3A_562, %broadcast_in_dim3A_554 : vector<16xf32>
        %swap3A_564 = arith.index_cast %add3A_558 : i32 to index
        %swap3A_565 = arith.constant 0 : index
        %swap3A_566 = tpu.vector_load %arg11[%swap3A_564, %swap3A_565] {strides = array<i32>} : memref<80x128xf32, #tpu.memory_space<vmem>>, vector<1x16xf32>,
        %swap3A_567 = vector.shape_cast %swap3A_566 : vector<1x16xf32> to vector<16xf32>
        %swap3A_568 = vector.shape_cast %mul3A_563 : vector<16xf32> to vector<1x16xf32>
        tpu.vector_store %arg11[%swap3A_564, %swap3A_565], %swap3A_568 {strides = array<i32>} : memref<80x128xf32, #tpu.memory_space<vmem>>, vector<1x16xf32>,
        %get3A_569 = arith.index_cast %add3A_558 : i32 to index
        %get3A_570 = arith.constant 16 : index
        %get3A_571 = tpu.vector_load %arg11[%get3A_569, %get3A_570] {strides = array<i32>} : memref<80x128xf32, #tpu.memory_space<vmem>>, vector<1x16xf32>,
        %get3A_572 = vector.shape_cast %get3A_571 : vector<1x16xf32> to vector<16xf32>
        %mul3A_573 = arith.mulf %get3A_572, %broadcast_in_dim3A_554 : vector<16xf32>
        %swap3A_574 = arith.index_cast %add3A_558 : i32 to index
        %swap3A_575 = arith.constant 16 : index
        %swap3A_576 = tpu.vector_load %arg11[%swap3A_574, %swap3A_575] {strides = array<i32>} : memref<80x128xf32, #tpu.memory_space<vmem>>, vector<1x16xf32>,
        %swap3A_577 = vector.shape_cast %swap3A_576 : vector<1x16xf32> to vector<16xf32>
        %swap3A_578 = vector.shape_cast %mul3A_573 : vector<16xf32> to vector<1x16xf32>
        tpu.vector_store %arg11[%swap3A_574, %swap3A_575], %swap3A_578 {strides = array<i32>} : memref<80x128xf32, #tpu.memory_space<vmem>>, vector<1x16xf32>,
        %get3A_579 = arith.index_cast %add3A_558 : i32 to index
        %get3A_580 = arith.constant 32 : index
        %get3A_581 = tpu.vector_load %arg11[%get3A_579, %get3A_580] {strides = array<i32>} : memref<80x128xf32, #tpu.memory_space<vmem>>, vector<1x16xf32>,
        %get3A_582 = vector.shape_cast %get3A_581 : vector<1x16xf32> to vector<16xf32>
        %mul3A_583 = arith.mulf %get3A_582, %broadcast_in_dim3A_554 : vector<16xf32>
        %swap3A_584 = arith.index_cast %add3A_558 : i32 to index
        %swap3A_585 = arith.constant 32 : index
        %swap3A_586 = tpu.vector_load %arg11[%swap3A_584, %swap3A_585] {strides = array<i32>} : memref<80x128xf32, #tpu.memory_space<vmem>>, vector<1x16xf32>,
        %swap3A_587 = vector.shape_cast %swap3A_586 : vector<1x16xf32> to vector<16xf32>
        %swap3A_588 = vector.shape_cast %mul3A_583 : vector<16xf32> to vector<1x16xf32>
        tpu.vector_store %arg11[%swap3A_584, %swap3A_585], %swap3A_588 {strides = array<i32>} : memref<80x128xf32, #tpu.memory_space<vmem>>, vector<1x16xf32>,
        %get3A_589 = arith.index_cast %add3A_558 : i32 to index
        %get3A_590 = arith.constant 48 : index
        %get3A_591 = tpu.vector_load %arg11[%get3A_589, %get3A_590] {strides = array<i32>} : memref<80x128xf32, #tpu.memory_space<vmem>>, vector<1x16xf32>,
        %get3A_592 = vector.shape_cast %get3A_591 : vector<1x16xf32> to vector<16xf32>
        %mul3A_593 = arith.mulf %get3A_592, %broadcast_in_dim3A_554 : vector<16xf32>
        %swap3A_594 = arith.index_cast %add3A_558 : i32 to index
        %swap3A_595 = arith.constant 48 : index
        %swap3A_596 = tpu.vector_load %arg11[%swap3A_594, %swap3A_595] {strides = array<i32>} : memref<80x128xf32, #tpu.memory_space<vmem>>, vector<1x16xf32>,
        %swap3A_597 = vector.shape_cast %swap3A_596 : vector<1x16xf32> to vector<16xf32>
        %swap3A_598 = vector.shape_cast %mul3A_593 : vector<16xf32> to vector<1x16xf32>
        tpu.vector_store %arg11[%swap3A_594, %swap3A_595], %swap3A_598 {strides = array<i32>} : memref<80x128xf32, #tpu.memory_space<vmem>>, vector<1x16xf32>,
        %get3A_599 = arith.index_cast %add3A_558 : i32 to index
        %get3A_600 = arith.constant 64 : index
        %get3A_601 = tpu.vector_load %arg11[%get3A_599, %get3A_600] {strides = array<i32>} : memref<80x128xf32, #tpu.memory_space<vmem>>, vector<1x16xf32>,
        %get3A_602 = vector.shape_cast %get3A_601 : vector<1x16xf32> to vector<16xf32>
        %mul3A_603 = arith.mulf %get3A_602, %broadcast_in_dim3A_554 : vector<16xf32>
        %swap3A_604 = arith.index_cast %add3A_558 : i32 to index
        %swap3A_605 = arith.constant 64 : index
        %swap3A_606 = tpu.vector_load %arg11[%swap3A_604, %swap3A_605] {strides = array<i32>} : memref<80x128xf32, #tpu.memory_space<vmem>>, vector<1x16xf32>,
        %swap3A_607 = vector.shape_cast %swap3A_606 : vector<1x16xf32> to vector<16xf32>
        %swap3A_608 = vector.shape_cast %mul3A_603 : vector<16xf32> to vector<1x16xf32>
        tpu.vector_store %arg11[%swap3A_604, %swap3A_605], %swap3A_608 {strides = array<i32>} : memref<80x128xf32, #tpu.memory_space<vmem>>, vector<1x16xf32>,
        %get3A_609 = arith.index_cast %add3A_558 : i32 to index
        %get3A_610 = arith.constant 80 : index
        %get3A_611 = tpu.vector_load %arg11[%get3A_609, %get3A_610] {strides = array<i32>} : memref<80x128xf32, #tpu.memory_space<vmem>>, vector<1x16xf32>,
        %get3A_612 = vector.shape_cast %get3A_611 : vector<1x16xf32> to vector<16xf32>
        %mul3A_613 = arith.mulf %get3A_612, %broadcast_in_dim3A_554 : vector<16xf32>
        %swap3A_614 = arith.index_cast %add3A_558 : i32 to index
        %swap3A_615 = arith.constant 80 : index
        %swap3A_616 = tpu.vector_load %arg11[%swap3A_614, %swap3A_615] {strides = array<i32>} : memref<80x128xf32, #tpu.memory_space<vmem>>, vector<1x16xf32>,
        %swap3A_617 = vector.shape_cast %swap3A_616 : vector<1x16xf32> to vector<16xf32>
        %swap3A_618 = vector.shape_cast %mul3A_613 : vector<16xf32> to vector<1x16xf32>
        tpu.vector_store %arg11[%swap3A_614, %swap3A_615], %swap3A_618 {strides = array<i32>} : memref<80x128xf32, #tpu.memory_space<vmem>>, vector<1x16xf32>,
        %get3A_619 = arith.index_cast %add3A_558 : i32 to index
        %get3A_620 = arith.constant 96 : index
        %get3A_621 = tpu.vector_load %arg11[%get3A_619, %get3A_620] {strides = array<i32>} : memref<80x128xf32, #tpu.memory_space<vmem>>, vector<1x16xf32>,
        %get3A_622 = vector.shape_cast %get3A_621 : vector<1x16xf32> to vector<16xf32>
        %mul3A_623 = arith.mulf %get3A_622, %broadcast_in_dim3A_554 : vector<16xf32>
        %swap3A_624 = arith.index_cast %add3A_558 : i32 to index
        %swap3A_625 = arith.constant 96 : index
        %swap3A_626 = tpu.vector_load %arg11[%swap3A_624, %swap3A_625] {strides = array<i32>} : memref<80x128xf32, #tpu.memory_space<vmem>>, vector<1x16xf32>,
        %swap3A_627 = vector.shape_cast %swap3A_626 : vector<1x16xf32> to vector<16xf32>
        %swap3A_628 = vector.shape_cast %mul3A_623 : vector<16xf32> to vector<1x16xf32>
        tpu.vector_store %arg11[%swap3A_624, %swap3A_625], %swap3A_628 {strides = array<i32>} : memref<80x128xf32, #tpu.memory_space<vmem>>, vector<1x16xf32>,
        %get3A_629 = arith.index_cast %add3A_558 : i32 to index
        %get3A_630 = arith.constant 112 : index
        %get3A_631 = tpu.vector_load %arg11[%get3A_629, %get3A_630] {strides = array<i32>} : memref<80x128xf32, #tpu.memory_space<vmem>>, vector<1x16xf32>,
        %get3A_632 = vector.shape_cast %get3A_631 : vector<1x16xf32> to vector<16xf32>
        %mul3A_633 = arith.mulf %get3A_632, %broadcast_in_dim3A_554 : vector<16xf32>
        %swap3A_634 = arith.index_cast %add3A_558 : i32 to index
        %swap3A_635 = arith.constant 112 : index
        %swap3A_636 = tpu.vector_load %arg11[%swap3A_634, %swap3A_635] {strides = array<i32>} : memref<80x128xf32, #tpu.memory_space<vmem>>, vector<1x16xf32>,
        %swap3A_637 = vector.shape_cast %swap3A_636 : vector<1x16xf32> to vector<16xf32>
        %swap3A_638 = vector.shape_cast %mul3A_633 : vector<16xf32> to vector<1x16xf32>
        tpu.vector_store %arg11[%swap3A_634, %swap3A_635], %swap3A_638 {strides = array<i32>} : memref<80x128xf32, #tpu.memory_space<vmem>>, vector<1x16xf32>,
        %slice3A_639 = vector.extract_strided_slice %get3A_33 {offsets = [7], sizes = [1], strides = [1]} : vector<16xf32> to vector<1xf32>
        %squeeze3A_640 = vector.extract %slice3A_639[0] : f32 from vector<1xf32>
        %broadcast_in_dim3A_641 = vector.broadcast %squeeze3A_640 : f32 to vector<16xf32>
        %mul3A_642 = arith.constant 16 : i32
        %mul3A_643 = arith.muli %scan3A_29, %mul3A_642 : i32
        %add3A_644 = arith.constant 7 : i32
        %add3A_645 = arith.addi %mul3A_643, %add3A_644 : i32
        %get3A_646 = arith.index_cast %add3A_645 : i32 to index
        %get3A_647 = arith.constant 0 : index
        %get3A_648 = tpu.vector_load %arg11[%get3A_646, %get3A_647] {strides = array<i32>} : memref<80x128xf32, #tpu.memory_space<vmem>>, vector<1x16xf32>,
        %get3A_649 = vector.shape_cast %get3A_648 : vector<1x16xf32> to vector<16xf32>
        %mul3A_650 = arith.mulf %get3A_649, %broadcast_in_dim3A_641 : vector<16xf32>
        %swap3A_651 = arith.index_cast %add3A_645 : i32 to index
        %swap3A_652 = arith.constant 0 : index
        %swap3A_653 = tpu.vector_load %arg11[%swap3A_651, %swap3A_652] {strides = array<i32>} : memref<80x128xf32, #tpu.memory_space<vmem>>, vector<1x16xf32>,
        %swap3A_654 = vector.shape_cast %swap3A_653 : vector<1x16xf32> to vector<16xf32>
        %swap3A_655 = vector.shape_cast %mul3A_650 : vector<16xf32> to vector<1x16xf32>
        tpu.vector_store %arg11[%swap3A_651, %swap3A_652], %swap3A_655 {strides = array<i32>} : memref<80x128xf32, #tpu.memory_space<vmem>>, vector<1x16xf32>,
        %get3A_656 = arith.index_cast %add3A_645 : i32 to index
        %get3A_657 = arith.constant 16 : index
        %get3A_658 = tpu.vector_load %arg11[%get3A_656, %get3A_657] {strides = array<i32>} : memref<80x128xf32, #tpu.memory_space<vmem>>, vector<1x16xf32>,
        %get3A_659 = vector.shape_cast %get3A_658 : vector<1x16xf32> to vector<16xf32>
        %mul3A_660 = arith.mulf %get3A_659, %broadcast_in_dim3A_641 : vector<16xf32>
        %swap3A_661 = arith.index_cast %add3A_645 : i32 to index
        %swap3A_662 = arith.constant 16 : index
        %swap3A_663 = tpu.vector_load %arg11[%swap3A_661, %swap3A_662] {strides = array<i32>} : memref<80x128xf32, #tpu.memory_space<vmem>>, vector<1x16xf32>,
        %swap3A_664 = vector.shape_cast %swap3A_663 : vector<1x16xf32> to vector<16xf32>
        %swap3A_665 = vector.shape_cast %mul3A_660 : vector<16xf32> to vector<1x16xf32>
        tpu.vector_store %arg11[%swap3A_661, %swap3A_662], %swap3A_665 {strides = array<i32>} : memref<80x128xf32, #tpu.memory_space<vmem>>, vector<1x16xf32>,
        %get3A_666 = arith.index_cast %add3A_645 : i32 to index
        %get3A_667 = arith.constant 32 : index
        %get3A_668 = tpu.vector_load %arg11[%get3A_666, %get3A_667] {strides = array<i32>} : memref<80x128xf32, #tpu.memory_space<vmem>>, vector<1x16xf32>,
        %get3A_669 = vector.shape_cast %get3A_668 : vector<1x16xf32> to vector<16xf32>
        %mul3A_670 = arith.mulf %get3A_669, %broadcast_in_dim3A_641 : vector<16xf32>
        %swap3A_671 = arith.index_cast %add3A_645 : i32 to index
        %swap3A_672 = arith.constant 32 : index
        %swap3A_673 = tpu.vector_load %arg11[%swap3A_671, %swap3A_672] {strides = array<i32>} : memref<80x128xf32, #tpu.memory_space<vmem>>, vector<1x16xf32>,
        %swap3A_674 = vector.shape_cast %swap3A_673 : vector<1x16xf32> to vector<16xf32>
        %swap3A_675 = vector.shape_cast %mul3A_670 : vector<16xf32> to vector<1x16xf32>
        tpu.vector_store %arg11[%swap3A_671, %swap3A_672], %swap3A_675 {strides = array<i32>} : memref<80x128xf32, #tpu.memory_space<vmem>>, vector<1x16xf32>,
        %get3A_676 = arith.index_cast %add3A_645 : i32 to index
        %get3A_677 = arith.constant 48 : index
        %get3A_678 = tpu.vector_load %arg11[%get3A_676, %get3A_677] {strides = array<i32>} : memref<80x128xf32, #tpu.memory_space<vmem>>, vector<1x16xf32>,
        %get3A_679 = vector.shape_cast %get3A_678 : vector<1x16xf32> to vector<16xf32>
        %mul3A_680 = arith.mulf %get3A_679, %broadcast_in_dim3A_641 : vector<16xf32>
        %swap3A_681 = arith.index_cast %add3A_645 : i32 to index
        %swap3A_682 = arith.constant 48 : index
        %swap3A_683 = tpu.vector_load %arg11[%swap3A_681, %swap3A_682] {strides = array<i32>} : memref<80x128xf32, #tpu.memory_space<vmem>>, vector<1x16xf32>,
        %swap3A_684 = vector.shape_cast %swap3A_683 : vector<1x16xf32> to vector<16xf32>
        %swap3A_685 = vector.shape_cast %mul3A_680 : vector<16xf32> to vector<1x16xf32>
        tpu.vector_store %arg11[%swap3A_681, %swap3A_682], %swap3A_685 {strides = array<i32>} : memref<80x128xf32, #tpu.memory_space<vmem>>, vector<1x16xf32>,
        %get3A_686 = arith.index_cast %add3A_645 : i32 to index
        %get3A_687 = arith.constant 64 : index
        %get3A_688 = tpu.vector_load %arg11[%get3A_686, %get3A_687] {strides = array<i32>} : memref<80x128xf32, #tpu.memory_space<vmem>>, vector<1x16xf32>,
        %get3A_689 = vector.shape_cast %get3A_688 : vector<1x16xf32> to vector<16xf32>
        %mul3A_690 = arith.mulf %get3A_689, %broadcast_in_dim3A_641 : vector<16xf32>
        %swap3A_691 = arith.index_cast %add3A_645 : i32 to index
        %swap3A_692 = arith.constant 64 : index
        %swap3A_693 = tpu.vector_load %arg11[%swap3A_691, %swap3A_692] {strides = array<i32>} : memref<80x128xf32, #tpu.memory_space<vmem>>, vector<1x16xf32>,
        %swap3A_694 = vector.shape_cast %swap3A_693 : vector<1x16xf32> to vector<16xf32>
        %swap3A_695 = vector.shape_cast %mul3A_690 : vector<16xf32> to vector<1x16xf32>
        tpu.vector_store %arg11[%swap3A_691, %swap3A_692], %swap3A_695 {strides = array<i32>} : memref<80x128xf32, #tpu.memory_space<vmem>>, vector<1x16xf32>,
        %get3A_696 = arith.index_cast %add3A_645 : i32 to index
        %get3A_697 = arith.constant 80 : index
        %get3A_698 = tpu.vector_load %arg11[%get3A_696, %get3A_697] {strides = array<i32>} : memref<80x128xf32, #tpu.memory_space<vmem>>, vector<1x16xf32>,
        %get3A_699 = vector.shape_cast %get3A_698 : vector<1x16xf32> to vector<16xf32>
        %mul3A_700 = arith.mulf %get3A_699, %broadcast_in_dim3A_641 : vector<16xf32>
        %swap3A_701 = arith.index_cast %add3A_645 : i32 to index
        %swap3A_702 = arith.constant 80 : index
        %swap3A_703 = tpu.vector_load %arg11[%swap3A_701, %swap3A_702] {strides = array<i32>} : memref<80x128xf32, #tpu.memory_space<vmem>>, vector<1x16xf32>,
        %swap3A_704 = vector.shape_cast %swap3A_703 : vector<1x16xf32> to vector<16xf32>
        %swap3A_705 = vector.shape_cast %mul3A_700 : vector<16xf32> to vector<1x16xf32>
        tpu.vector_store %arg11[%swap3A_701, %swap3A_702], %swap3A_705 {strides = array<i32>} : memref<80x128xf32, #tpu.memory_space<vmem>>, vector<1x16xf32>,
        %get3A_706 = arith.index_cast %add3A_645 : i32 to index
        %get3A_707 = arith.constant 96 : index
        %get3A_708 = tpu.vector_load %arg11[%get3A_706, %get3A_707] {strides = array<i32>} : memref<80x128xf32, #tpu.memory_space<vmem>>, vector<1x16xf32>,
        %get3A_709 = vector.shape_cast %get3A_708 : vector<1x16xf32> to vector<16xf32>
        %mul3A_710 = arith.mulf %get3A_709, %broadcast_in_dim3A_641 : vector<16xf32>
        %swap3A_711 = arith.index_cast %add3A_645 : i32 to index
        %swap3A_712 = arith.constant 96 : index
        %swap3A_713 = tpu.vector_load %arg11[%swap3A_711, %swap3A_712] {strides = array<i32>} : memref<80x128xf32, #tpu.memory_space<vmem>>, vector<1x16xf32>,
        %swap3A_714 = vector.shape_cast %swap3A_713 : vector<1x16xf32> to vector<16xf32>
        %swap3A_715 = vector.shape_cast %mul3A_710 : vector<16xf32> to vector<1x16xf32>
        tpu.vector_store %arg11[%swap3A_711, %swap3A_712], %swap3A_715 {strides = array<i32>} : memref<80x128xf32, #tpu.memory_space<vmem>>, vector<1x16xf32>,
        %get3A_716 = arith.index_cast %add3A_645 : i32 to index
        %get3A_717 = arith.constant 112 : index
        %get3A_718 = tpu.vector_load %arg11[%get3A_716, %get3A_717] {strides = array<i32>} : memref<80x128xf32, #tpu.memory_space<vmem>>, vector<1x16xf32>,
        %get3A_719 = vector.shape_cast %get3A_718 : vector<1x16xf32> to vector<16xf32>
        %mul3A_720 = arith.mulf %get3A_719, %broadcast_in_dim3A_641 : vector<16xf32>
        %swap3A_721 = arith.index_cast %add3A_645 : i32 to index
        %swap3A_722 = arith.constant 112 : index
        %swap3A_723 = tpu.vector_load %arg11[%swap3A_721, %swap3A_722] {strides = array<i32>} : memref<80x128xf32, #tpu.memory_space<vmem>>, vector<1x16xf32>,
        %swap3A_724 = vector.shape_cast %swap3A_723 : vector<1x16xf32> to vector<16xf32>
        %swap3A_725 = vector.shape_cast %mul3A_720 : vector<16xf32> to vector<1x16xf32>
        tpu.vector_store %arg11[%swap3A_721, %swap3A_722], %swap3A_725 {strides = array<i32>} : memref<80x128xf32, #tpu.memory_space<vmem>>, vector<1x16xf32>,
        %slice3A_726 = vector.extract_strided_slice %get3A_33 {offsets = [8], sizes = [1], strides = [1]} : vector<16xf32> to vector<1xf32>
        %squeeze3A_727 = vector.extract %slice3A_726[0] : f32 from vector<1xf32>
        %broadcast_in_dim3A_728 = vector.broadcast %squeeze3A_727 : f32 to vector<16xf32>
        %mul3A_729 = arith.constant 16 : i32
        %mul3A_730 = arith.muli %scan3A_29, %mul3A_729 : i32
        %add3A_731 = arith.constant 8 : i32
        %add3A_732 = arith.addi %mul3A_730, %add3A_731 : i32
        %get3A_733 = arith.index_cast %add3A_732 : i32 to index
        %get3A_734 = arith.constant 0 : index
        %get3A_735 = tpu.vector_load %arg11[%get3A_733, %get3A_734] {strides = array<i32>} : memref<80x128xf32, #tpu.memory_space<vmem>>, vector<1x16xf32>,
        %get3A_736 = vector.shape_cast %get3A_735 : vector<1x16xf32> to vector<16xf32>
        %mul3A_737 = arith.mulf %get3A_736, %broadcast_in_dim3A_728 : vector<16xf32>
        %swap3A_738 = arith.index_cast %add3A_732 : i32 to index
        %swap3A_739 = arith.constant 0 : index
        %swap3A_740 = tpu.vector_load %arg11[%swap3A_738, %swap3A_739] {strides = array<i32>} : memref<80x128xf32, #tpu.memory_space<vmem>>, vector<1x16xf32>,
        %swap3A_741 = vector.shape_cast %swap3A_740 : vector<1x16xf32> to vector<16xf32>
        %swap3A_742 = vector.shape_cast %mul3A_737 : vector<16xf32> to vector<1x16xf32>
        tpu.vector_store %arg11[%swap3A_738, %swap3A_739], %swap3A_742 {strides = array<i32>} : memref<80x128xf32, #tpu.memory_space<vmem>>, vector<1x16xf32>,
        %get3A_743 = arith.index_cast %add3A_732 : i32 to index
        %get3A_744 = arith.constant 16 : index
        %get3A_745 = tpu.vector_load %arg11[%get3A_743, %get3A_744] {strides = array<i32>} : memref<80x128xf32, #tpu.memory_space<vmem>>, vector<1x16xf32>,
        %get3A_746 = vector.shape_cast %get3A_745 : vector<1x16xf32> to vector<16xf32>
        %mul3A_747 = arith.mulf %get3A_746, %broadcast_in_dim3A_728 : vector<16xf32>
        %swap3A_748 = arith.index_cast %add3A_732 : i32 to index
        %swap3A_749 = arith.constant 16 : index
        %swap3A_750 = tpu.vector_load %arg11[%swap3A_748, %swap3A_749] {strides = array<i32>} : memref<80x128xf32, #tpu.memory_space<vmem>>, vector<1x16xf32>,
        %swap3A_751 = vector.shape_cast %swap3A_750 : vector<1x16xf32> to vector<16xf32>
        %swap3A_752 = vector.shape_cast %mul3A_747 : vector<16xf32> to vector<1x16xf32>
        tpu.vector_store %arg11[%swap3A_748, %swap3A_749], %swap3A_752 {strides = array<i32>} : memref<80x128xf32, #tpu.memory_space<vmem>>, vector<1x16xf32>,
        %get3A_753 = arith.index_cast %add3A_732 : i32 to index
        %get3A_754 = arith.constant 32 : index
        %get3A_755 = tpu.vector_load %arg11[%get3A_753, %get3A_754] {strides = array<i32>} : memref<80x128xf32, #tpu.memory_space<vmem>>, vector<1x16xf32>,
        %get3A_756 = vector.shape_cast %get3A_755 : vector<1x16xf32> to vector<16xf32>
        %mul3A_757 = arith.mulf %get3A_756, %broadcast_in_dim3A_728 : vector<16xf32>
        %swap3A_758 = arith.index_cast %add3A_732 : i32 to index
        %swap3A_759 = arith.constant 32 : index
        %swap3A_760 = tpu.vector_load %arg11[%swap3A_758, %swap3A_759] {strides = array<i32>} : memref<80x128xf32, #tpu.memory_space<vmem>>, vector<1x16xf32>,
        %swap3A_761 = vector.shape_cast %swap3A_760 : vector<1x16xf32> to vector<16xf32>
        %swap3A_762 = vector.shape_cast %mul3A_757 : vector<16xf32> to vector<1x16xf32>
        tpu.vector_store %arg11[%swap3A_758, %swap3A_759], %swap3A_762 {strides = array<i32>} : memref<80x128xf32, #tpu.memory_space<vmem>>, vector<1x16xf32>,
        %get3A_763 = arith.index_cast %add3A_732 : i32 to index
        %get3A_764 = arith.constant 48 : index
        %get3A_765 = tpu.vector_load %arg11[%get3A_763, %get3A_764] {strides = array<i32>} : memref<80x128xf32, #tpu.memory_space<vmem>>, vector<1x16xf32>,
        %get3A_766 = vector.shape_cast %get3A_765 : vector<1x16xf32> to vector<16xf32>
        %mul3A_767 = arith.mulf %get3A_766, %broadcast_in_dim3A_728 : vector<16xf32>
        %swap3A_768 = arith.index_cast %add3A_732 : i32 to index
        %swap3A_769 = arith.constant 48 : index
        %swap3A_770 = tpu.vector_load %arg11[%swap3A_768, %swap3A_769] {strides = array<i32>} : memref<80x128xf32, #tpu.memory_space<vmem>>, vector<1x16xf32>,
        %swap3A_771 = vector.shape_cast %swap3A_770 : vector<1x16xf32> to vector<16xf32>
        %swap3A_772 = vector.shape_cast %mul3A_767 : vector<16xf32> to vector<1x16xf32>
        tpu.vector_store %arg11[%swap3A_768, %swap3A_769], %swap3A_772 {strides = array<i32>} : memref<80x128xf32, #tpu.memory_space<vmem>>, vector<1x16xf32>,
        %get3A_773 = arith.index_cast %add3A_732 : i32 to index
        %get3A_774 = arith.constant 64 : index
        %get3A_775 = tpu.vector_load %arg11[%get3A_773, %get3A_774] {strides = array<i32>} : memref<80x128xf32, #tpu.memory_space<vmem>>, vector<1x16xf32>,
        %get3A_776 = vector.shape_cast %get3A_775 : vector<1x16xf32> to vector<16xf32>
        %mul3A_777 = arith.mulf %get3A_776, %broadcast_in_dim3A_728 : vector<16xf32>
        %swap3A_778 = arith.index_cast %add3A_732 : i32 to index
        %swap3A_779 = arith.constant 64 : index
        %swap3A_780 = tpu.vector_load %arg11[%swap3A_778, %swap3A_779] {strides = array<i32>} : memref<80x128xf32, #tpu.memory_space<vmem>>, vector<1x16xf32>,
        %swap3A_781 = vector.shape_cast %swap3A_780 : vector<1x16xf32> to vector<16xf32>
        %swap3A_782 = vector.shape_cast %mul3A_777 : vector<16xf32> to vector<1x16xf32>
        tpu.vector_store %arg11[%swap3A_778, %swap3A_779], %swap3A_782 {strides = array<i32>} : memref<80x128xf32, #tpu.memory_space<vmem>>, vector<1x16xf32>,
        %get3A_783 = arith.index_cast %add3A_732 : i32 to index
        %get3A_784 = arith.constant 80 : index
        %get3A_785 = tpu.vector_load %arg11[%get3A_783, %get3A_784] {strides = array<i32>} : memref<80x128xf32, #tpu.memory_space<vmem>>, vector<1x16xf32>,
        %get3A_786 = vector.shape_cast %get3A_785 : vector<1x16xf32> to vector<16xf32>
        %mul3A_787 = arith.mulf %get3A_786, %broadcast_in_dim3A_728 : vector<16xf32>
        %swap3A_788 = arith.index_cast %add3A_732 : i32 to index
        %swap3A_789 = arith.constant 80 : index
        %swap3A_790 = tpu.vector_load %arg11[%swap3A_788, %swap3A_789] {strides = array<i32>} : memref<80x128xf32, #tpu.memory_space<vmem>>, vector<1x16xf32>,
        %swap3A_791 = vector.shape_cast %swap3A_790 : vector<1x16xf32> to vector<16xf32>
        %swap3A_792 = vector.shape_cast %mul3A_787 : vector<16xf32> to vector<1x16xf32>
        tpu.vector_store %arg11[%swap3A_788, %swap3A_789], %swap3A_792 {strides = array<i32>} : memref<80x128xf32, #tpu.memory_space<vmem>>, vector<1x16xf32>,
        %get3A_793 = arith.index_cast %add3A_732 : i32 to index
        %get3A_794 = arith.constant 96 : index
        %get3A_795 = tpu.vector_load %arg11[%get3A_793, %get3A_794] {strides = array<i32>} : memref<80x128xf32, #tpu.memory_space<vmem>>, vector<1x16xf32>,
        %get3A_796 = vector.shape_cast %get3A_795 : vector<1x16xf32> to vector<16xf32>
        %mul3A_797 = arith.mulf %get3A_796, %broadcast_in_dim3A_728 : vector<16xf32>
        %swap3A_798 = arith.index_cast %add3A_732 : i32 to index
        %swap3A_799 = arith.constant 96 : index
        %swap3A_800 = tpu.vector_load %arg11[%swap3A_798, %swap3A_799] {strides = array<i32>} : memref<80x128xf32, #tpu.memory_space<vmem>>, vector<1x16xf32>,
        %swap3A_801 = vector.shape_cast %swap3A_800 : vector<1x16xf32> to vector<16xf32>
        %swap3A_802 = vector.shape_cast %mul3A_797 : vector<16xf32> to vector<1x16xf32>
        tpu.vector_store %arg11[%swap3A_798, %swap3A_799], %swap3A_802 {strides = array<i32>} : memref<80x128xf32, #tpu.memory_space<vmem>>, vector<1x16xf32>,
        %get3A_803 = arith.index_cast %add3A_732 : i32 to index
        %get3A_804 = arith.constant 112 : index
        %get3A_805 = tpu.vector_load %arg11[%get3A_803, %get3A_804] {strides = array<i32>} : memref<80x128xf32, #tpu.memory_space<vmem>>, vector<1x16xf32>,
        %get3A_806 = vector.shape_cast %get3A_805 : vector<1x16xf32> to vector<16xf32>
        %mul3A_807 = arith.mulf %get3A_806, %broadcast_in_dim3A_728 : vector<16xf32>
        %swap3A_808 = arith.index_cast %add3A_732 : i32 to index
        %swap3A_809 = arith.constant 112 : index
        %swap3A_810 = tpu.vector_load %arg11[%swap3A_808, %swap3A_809] {strides = array<i32>} : memref<80x128xf32, #tpu.memory_space<vmem>>, vector<1x16xf32>,
        %swap3A_811 = vector.shape_cast %swap3A_810 : vector<1x16xf32> to vector<16xf32>
        %swap3A_812 = vector.shape_cast %mul3A_807 : vector<16xf32> to vector<1x16xf32>
        tpu.vector_store %arg11[%swap3A_808, %swap3A_809], %swap3A_812 {strides = array<i32>} : memref<80x128xf32, #tpu.memory_space<vmem>>, vector<1x16xf32>,
        %slice3A_813 = vector.extract_strided_slice %get3A_33 {offsets = [9], sizes = [1], strides = [1]} : vector<16xf32> to vector<1xf32>
        %squeeze3A_814 = vector.extract %slice3A_813[0] : f32 from vector<1xf32>
        %broadcast_in_dim3A_815 = vector.broadcast %squeeze3A_814 : f32 to vector<16xf32>
        %mul3A_816 = arith.constant 16 : i32
        %mul3A_817 = arith.muli %scan3A_29, %mul3A_816 : i32
        %add3A_818 = arith.constant 9 : i32
        %add3A_819 = arith.addi %mul3A_817, %add3A_818 : i32
        %get3A_820 = arith.index_cast %add3A_819 : i32 to index
        %get3A_821 = arith.constant 0 : index
        %get3A_822 = tpu.vector_load %arg11[%get3A_820, %get3A_821] {strides = array<i32>} : memref<80x128xf32, #tpu.memory_space<vmem>>, vector<1x16xf32>,
        %get3A_823 = vector.shape_cast %get3A_822 : vector<1x16xf32> to vector<16xf32>
        %mul3A_824 = arith.mulf %get3A_823, %broadcast_in_dim3A_815 : vector<16xf32>
        %swap3A_825 = arith.index_cast %add3A_819 : i32 to index
        %swap3A_826 = arith.constant 0 : index
        %swap3A_827 = tpu.vector_load %arg11[%swap3A_825, %swap3A_826] {strides = array<i32>} : memref<80x128xf32, #tpu.memory_space<vmem>>, vector<1x16xf32>,
        %swap3A_828 = vector.shape_cast %swap3A_827 : vector<1x16xf32> to vector<16xf32>
        %swap3A_829 = vector.shape_cast %mul3A_824 : vector<16xf32> to vector<1x16xf32>
        tpu.vector_store %arg11[%swap3A_825, %swap3A_826], %swap3A_829 {strides = array<i32>} : memref<80x128xf32, #tpu.memory_space<vmem>>, vector<1x16xf32>,
        %get3A_830 = arith.index_cast %add3A_819 : i32 to index
        %get3A_831 = arith.constant 16 : index
        %get3A_832 = tpu.vector_load %arg11[%get3A_830, %get3A_831] {strides = array<i32>} : memref<80x128xf32, #tpu.memory_space<vmem>>, vector<1x16xf32>,
        %get3A_833 = vector.shape_cast %get3A_832 : vector<1x16xf32> to vector<16xf32>
        %mul3A_834 = arith.mulf %get3A_833, %broadcast_in_dim3A_815 : vector<16xf32>
        %swap3A_835 = arith.index_cast %add3A_819 : i32 to index
        %swap3A_836 = arith.constant 16 : index
        %swap3A_837 = tpu.vector_load %arg11[%swap3A_835, %swap3A_836] {strides = array<i32>} : memref<80x128xf32, #tpu.memory_space<vmem>>, vector<1x16xf32>,
        %swap3A_838 = vector.shape_cast %swap3A_837 : vector<1x16xf32> to vector<16xf32>
        %swap3A_839 = vector.shape_cast %mul3A_834 : vector<16xf32> to vector<1x16xf32>
        tpu.vector_store %arg11[%swap3A_835, %swap3A_836], %swap3A_839 {strides = array<i32>} : memref<80x128xf32, #tpu.memory_space<vmem>>, vector<1x16xf32>,
        %get3A_840 = arith.index_cast %add3A_819 : i32 to index
        %get3A_841 = arith.constant 32 : index
        %get3A_842 = tpu.vector_load %arg11[%get3A_840, %get3A_841] {strides = array<i32>} : memref<80x128xf32, #tpu.memory_space<vmem>>, vector<1x16xf32>,
        %get3A_843 = vector.shape_cast %get3A_842 : vector<1x16xf32> to vector<16xf32>
        %mul3A_844 = arith.mulf %get3A_843, %broadcast_in_dim3A_815 : vector<16xf32>
        %swap3A_845 = arith.index_cast %add3A_819 : i32 to index
        %swap3A_846 = arith.constant 32 : index
        %swap3A_847 = tpu.vector_load %arg11[%swap3A_845, %swap3A_846] {strides = array<i32>} : memref<80x128xf32, #tpu.memory_space<vmem>>, vector<1x16xf32>,
        %swap3A_848 = vector.shape_cast %swap3A_847 : vector<1x16xf32> to vector<16xf32>
        %swap3A_849 = vector.shape_cast %mul3A_844 : vector<16xf32> to vector<1x16xf32>
        tpu.vector_store %arg11[%swap3A_845, %swap3A_846], %swap3A_849 {strides = array<i32>} : memref<80x128xf32, #tpu.memory_space<vmem>>, vector<1x16xf32>,
        %get3A_850 = arith.index_cast %add3A_819 : i32 to index
        %get3A_851 = arith.constant 48 : index
        %get3A_852 = tpu.vector_load %arg11[%get3A_850, %get3A_851] {strides = array<i32>} : memref<80x128xf32, #tpu.memory_space<vmem>>, vector<1x16xf32>,
        %get3A_853 = vector.shape_cast %get3A_852 : vector<1x16xf32> to vector<16xf32>
        %mul3A_854 = arith.mulf %get3A_853, %broadcast_in_dim3A_815 : vector<16xf32>
        %swap3A_855 = arith.index_cast %add3A_819 : i32 to index
        %swap3A_856 = arith.constant 48 : index
        %swap3A_857 = tpu.vector_load %arg11[%swap3A_855, %swap3A_856] {strides = array<i32>} : memref<80x128xf32, #tpu.memory_space<vmem>>, vector<1x16xf32>,
        %swap3A_858 = vector.shape_cast %swap3A_857 : vector<1x16xf32> to vector<16xf32>
        %swap3A_859 = vector.shape_cast %mul3A_854 : vector<16xf32> to vector<1x16xf32>
        tpu.vector_store %arg11[%swap3A_855, %swap3A_856], %swap3A_859 {strides = array<i32>} : memref<80x128xf32, #tpu.memory_space<vmem>>, vector<1x16xf32>,
        %get3A_860 = arith.index_cast %add3A_819 : i32 to index
        %get3A_861 = arith.constant 64 : index
        %get3A_862 = tpu.vector_load %arg11[%get3A_860, %get3A_861] {strides = array<i32>} : memref<80x128xf32, #tpu.memory_space<vmem>>, vector<1x16xf32>,
        %get3A_863 = vector.shape_cast %get3A_862 : vector<1x16xf32> to vector<16xf32>
        %mul3A_864 = arith.mulf %get3A_863, %broadcast_in_dim3A_815 : vector<16xf32>
        %swap3A_865 = arith.index_cast %add3A_819 : i32 to index
        %swap3A_866 = arith.constant 64 : index
        %swap3A_867 = tpu.vector_load %arg11[%swap3A_865, %swap3A_866] {strides = array<i32>} : memref<80x128xf32, #tpu.memory_space<vmem>>, vector<1x16xf32>,
        %swap3A_868 = vector.shape_cast %swap3A_867 : vector<1x16xf32> to vector<16xf32>
        %swap3A_869 = vector.shape_cast %mul3A_864 : vector<16xf32> to vector<1x16xf32>
        tpu.vector_store %arg11[%swap3A_865, %swap3A_866], %swap3A_869 {strides = array<i32>} : memref<80x128xf32, #tpu.memory_space<vmem>>, vector<1x16xf32>,
        %get3A_870 = arith.index_cast %add3A_819 : i32 to index
        %get3A_871 = arith.constant 80 : index
        %get3A_872 = tpu.vector_load %arg11[%get3A_870, %get3A_871] {strides = array<i32>} : memref<80x128xf32, #tpu.memory_space<vmem>>, vector<1x16xf32>,
        %get3A_873 = vector.shape_cast %get3A_872 : vector<1x16xf32> to vector<16xf32>
        %mul3A_874 = arith.mulf %get3A_873, %broadcast_in_dim3A_815 : vector<16xf32>
        %swap3A_875 = arith.index_cast %add3A_819 : i32 to index
        %swap3A_876 = arith.constant 80 : index
        %swap3A_877 = tpu.vector_load %arg11[%swap3A_875, %swap3A_876] {strides = array<i32>} : memref<80x128xf32, #tpu.memory_space<vmem>>, vector<1x16xf32>,
        %swap3A_878 = vector.shape_cast %swap3A_877 : vector<1x16xf32> to vector<16xf32>
        %swap3A_879 = vector.shape_cast %mul3A_874 : vector<16xf32> to vector<1x16xf32>
        tpu.vector_store %arg11[%swap3A_875, %swap3A_876], %swap3A_879 {strides = array<i32>} : memref<80x128xf32, #tpu.memory_space<vmem>>, vector<1x16xf32>,
        %get3A_880 = arith.index_cast %add3A_819 : i32 to index
        %get3A_881 = arith.constant 96 : index
        %get3A_882 = tpu.vector_load %arg11[%get3A_880, %get3A_881] {strides = array<i32>} : memref<80x128xf32, #tpu.memory_space<vmem>>, vector<1x16xf32>,
        %get3A_883 = vector.shape_cast %get3A_882 : vector<1x16xf32> to vector<16xf32>
        %mul3A_884 = arith.mulf %get3A_883, %broadcast_in_dim3A_815 : vector<16xf32>
        %swap3A_885 = arith.index_cast %add3A_819 : i32 to index
        %swap3A_886 = arith.constant 96 : index
        %swap3A_887 = tpu.vector_load %arg11[%swap3A_885, %swap3A_886] {strides = array<i32>} : memref<80x128xf32, #tpu.memory_space<vmem>>, vector<1x16xf32>,
        %swap3A_888 = vector.shape_cast %swap3A_887 : vector<1x16xf32> to vector<16xf32>
        %swap3A_889 = vector.shape_cast %mul3A_884 : vector<16xf32> to vector<1x16xf32>
        tpu.vector_store %arg11[%swap3A_885, %swap3A_886], %swap3A_889 {strides = array<i32>} : memref<80x128xf32, #tpu.memory_space<vmem>>, vector<1x16xf32>,
        %get3A_890 = arith.index_cast %add3A_819 : i32 to index
        %get3A_891 = arith.constant 112 : index
        %get3A_892 = tpu.vector_load %arg11[%get3A_890, %get3A_891] {strides = array<i32>} : memref<80x128xf32, #tpu.memory_space<vmem>>, vector<1x16xf32>,
        %get3A_893 = vector.shape_cast %get3A_892 : vector<1x16xf32> to vector<16xf32>
        %mul3A_894 = arith.mulf %get3A_893, %broadcast_in_dim3A_815 : vector<16xf32>
        %swap3A_895 = arith.index_cast %add3A_819 : i32 to index
        %swap3A_896 = arith.constant 112 : index
        %swap3A_897 = tpu.vector_load %arg11[%swap3A_895, %swap3A_896] {strides = array<i32>} : memref<80x128xf32, #tpu.memory_space<vmem>>, vector<1x16xf32>,
        %swap3A_898 = vector.shape_cast %swap3A_897 : vector<1x16xf32> to vector<16xf32>
        %swap3A_899 = vector.shape_cast %mul3A_894 : vector<16xf32> to vector<1x16xf32>
        tpu.vector_store %arg11[%swap3A_895, %swap3A_896], %swap3A_899 {strides = array<i32>} : memref<80x128xf32, #tpu.memory_space<vmem>>, vector<1x16xf32>,
        %slice3A_900 = vector.extract_strided_slice %get3A_33 {offsets = [10], sizes = [1], strides = [1]} : vector<16xf32> to vector<1xf32>
        %squeeze3A_901 = vector.extract %slice3A_900[0] : f32 from vector<1xf32>
        %broadcast_in_dim3A_902 = vector.broadcast %squeeze3A_901 : f32 to vector<16xf32>
        %mul3A_903 = arith.constant 16 : i32
        %mul3A_904 = arith.muli %scan3A_29, %mul3A_903 : i32
        %add3A_905 = arith.constant 10 : i32
        %add3A_906 = arith.addi %mul3A_904, %add3A_905 : i32
        %get3A_907 = arith.index_cast %add3A_906 : i32 to index
        %get3A_908 = arith.constant 0 : index
        %get3A_909 = tpu.vector_load %arg11[%get3A_907, %get3A_908] {strides = array<i32>} : memref<80x128xf32, #tpu.memory_space<vmem>>, vector<1x16xf32>,
        %get3A_910 = vector.shape_cast %get3A_909 : vector<1x16xf32> to vector<16xf32>
        %mul3A_911 = arith.mulf %get3A_910, %broadcast_in_dim3A_902 : vector<16xf32>
        %swap3A_912 = arith.index_cast %add3A_906 : i32 to index
        %swap3A_913 = arith.constant 0 : index
        %swap3A_914 = tpu.vector_load %arg11[%swap3A_912, %swap3A_913] {strides = array<i32>} : memref<80x128xf32, #tpu.memory_space<vmem>>, vector<1x16xf32>,
        %swap3A_915 = vector.shape_cast %swap3A_914 : vector<1x16xf32> to vector<16xf32>
        %swap3A_916 = vector.shape_cast %mul3A_911 : vector<16xf32> to vector<1x16xf32>
        tpu.vector_store %arg11[%swap3A_912, %swap3A_913], %swap3A_916 {strides = array<i32>} : memref<80x128xf32, #tpu.memory_space<vmem>>, vector<1x16xf32>,
        %get3A_917 = arith.index_cast %add3A_906 : i32 to index
        %get3A_918 = arith.constant 16 : index
        %get3A_919 = tpu.vector_load %arg11[%get3A_917, %get3A_918] {strides = array<i32>} : memref<80x128xf32, #tpu.memory_space<vmem>>, vector<1x16xf32>,
        %get3A_920 = vector.shape_cast %get3A_919 : vector<1x16xf32> to vector<16xf32>
        %mul3A_921 = arith.mulf %get3A_920, %broadcast_in_dim3A_902 : vector<16xf32>
        %swap3A_922 = arith.index_cast %add3A_906 : i32 to index
        %swap3A_923 = arith.constant 16 : index
        %swap3A_924 = tpu.vector_load %arg11[%swap3A_922, %swap3A_923] {strides = array<i32>} : memref<80x128xf32, #tpu.memory_space<vmem>>, vector<1x16xf32>,
        %swap3A_925 = vector.shape_cast %swap3A_924 : vector<1x16xf32> to vector<16xf32>
        %swap3A_926 = vector.shape_cast %mul3A_921 : vector<16xf32> to vector<1x16xf32>
        tpu.vector_store %arg11[%swap3A_922, %swap3A_923], %swap3A_926 {strides = array<i32>} : memref<80x128xf32, #tpu.memory_space<vmem>>, vector<1x16xf32>,
        %get3A_927 = arith.index_cast %add3A_906 : i32 to index
        %get3A_928 = arith.constant 32 : index
        %get3A_929 = tpu.vector_load %arg11[%get3A_927, %get3A_928] {strides = array<i32>} : memref<80x128xf32, #tpu.memory_space<vmem>>, vector<1x16xf32>,
        %get3A_930 = vector.shape_cast %get3A_929 : vector<1x16xf32> to vector<16xf32>
        %mul3A_931 = arith.mulf %get3A_930, %broadcast_in_dim3A_902 : vector<16xf32>
        %swap3A_932 = arith.index_cast %add3A_906 : i32 to index
        %swap3A_933 = arith.constant 32 : index
        %swap3A_934 = tpu.vector_load %arg11[%swap3A_932, %swap3A_933] {strides = array<i32>} : memref<80x128xf32, #tpu.memory_space<vmem>>, vector<1x16xf32>,
        %swap3A_935 = vector.shape_cast %swap3A_934 : vector<1x16xf32> to vector<16xf32>
        %swap3A_936 = vector.shape_cast %mul3A_931 : vector<16xf32> to vector<1x16xf32>
        tpu.vector_store %arg11[%swap3A_932, %swap3A_933], %swap3A_936 {strides = array<i32>} : memref<80x128xf32, #tpu.memory_space<vmem>>, vector<1x16xf32>,
        %get3A_937 = arith.index_cast %add3A_906 : i32 to index
        %get3A_938 = arith.constant 48 : index
        %get3A_939 = tpu.vector_load %arg11[%get3A_937, %get3A_938] {strides = array<i32>} : memref<80x128xf32, #tpu.memory_space<vmem>>, vector<1x16xf32>,
        %get3A_940 = vector.shape_cast %get3A_939 : vector<1x16xf32> to vector<16xf32>
        %mul3A_941 = arith.mulf %get3A_940, %broadcast_in_dim3A_902 : vector<16xf32>
        %swap3A_942 = arith.index_cast %add3A_906 : i32 to index
        %swap3A_943 = arith.constant 48 : index
        %swap3A_944 = tpu.vector_load %arg11[%swap3A_942, %swap3A_943] {strides = array<i32>} : memref<80x128xf32, #tpu.memory_space<vmem>>, vector<1x16xf32>,
        %swap3A_945 = vector.shape_cast %swap3A_944 : vector<1x16xf32> to vector<16xf32>
        %swap3A_946 = vector.shape_cast %mul3A_941 : vector<16xf32> to vector<1x16xf32>
        tpu.vector_store %arg11[%swap3A_942, %swap3A_943], %swap3A_946 {strides = array<i32>} : memref<80x128xf32, #tpu.memory_space<vmem>>, vector<1x16xf32>,
        %get3A_947 = arith.index_cast %add3A_906 : i32 to index
        %get3A_948 = arith.constant 64 : index
        %get3A_949 = tpu.vector_load %arg11[%get3A_947, %get3A_948] {strides = array<i32>} : memref<80x128xf32, #tpu.memory_space<vmem>>, vector<1x16xf32>,
        %get3A_950 = vector.shape_cast %get3A_949 : vector<1x16xf32> to vector<16xf32>
        %mul3A_951 = arith.mulf %get3A_950, %broadcast_in_dim3A_902 : vector<16xf32>
        %swap3A_952 = arith.index_cast %add3A_906 : i32 to index
        %swap3A_953 = arith.constant 64 : index
        %swap3A_954 = tpu.vector_load %arg11[%swap3A_952, %swap3A_953] {strides = array<i32>} : memref<80x128xf32, #tpu.memory_space<vmem>>, vector<1x16xf32>,
        %swap3A_955 = vector.shape_cast %swap3A_954 : vector<1x16xf32> to vector<16xf32>
        %swap3A_956 = vector.shape_cast %mul3A_951 : vector<16xf32> to vector<1x16xf32>
        tpu.vector_store %arg11[%swap3A_952, %swap3A_953], %swap3A_956 {strides = array<i32>} : memref<80x128xf32, #tpu.memory_space<vmem>>, vector<1x16xf32>,
        %get3A_957 = arith.index_cast %add3A_906 : i32 to index
        %get3A_958 = arith.constant 80 : index
        %get3A_959 = tpu.vector_load %arg11[%get3A_957, %get3A_958] {strides = array<i32>} : memref<80x128xf32, #tpu.memory_space<vmem>>, vector<1x16xf32>,
        %get3A_960 = vector.shape_cast %get3A_959 : vector<1x16xf32> to vector<16xf32>
        %mul3A_961 = arith.mulf %get3A_960, %broadcast_in_dim3A_902 : vector<16xf32>
        %swap3A_962 = arith.index_cast %add3A_906 : i32 to index
        %swap3A_963 = arith.constant 80 : index
        %swap3A_964 = tpu.vector_load %arg11[%swap3A_962, %swap3A_963] {strides = array<i32>} : memref<80x128xf32, #tpu.memory_space<vmem>>, vector<1x16xf32>,
        %swap3A_965 = vector.shape_cast %swap3A_964 : vector<1x16xf32> to vector<16xf32>
        %swap3A_966 = vector.shape_cast %mul3A_961 : vector<16xf32> to vector<1x16xf32>
        tpu.vector_store %arg11[%swap3A_962, %swap3A_963], %swap3A_966 {strides = array<i32>} : memref<80x128xf32, #tpu.memory_space<vmem>>, vector<1x16xf32>,
        %get3A_967 = arith.index_cast %add3A_906 : i32 to index
        %get3A_968 = arith.constant 96 : index
        %get3A_969 = tpu.vector_load %arg11[%get3A_967, %get3A_968] {strides = array<i32>} : memref<80x128xf32, #tpu.memory_space<vmem>>, vector<1x16xf32>,
        %get3A_970 = vector.shape_cast %get3A_969 : vector<1x16xf32> to vector<16xf32>
        %mul3A_971 = arith.mulf %get3A_970, %broadcast_in_dim3A_902 : vector<16xf32>
        %swap3A_972 = arith.index_cast %add3A_906 : i32 to index
        %swap3A_973 = arith.constant 96 : index
        %swap3A_974 = tpu.vector_load %arg11[%swap3A_972, %swap3A_973] {strides = array<i32>} : memref<80x128xf32, #tpu.memory_space<vmem>>, vector<1x16xf32>,
        %swap3A_975 = vector.shape_cast %swap3A_974 : vector<1x16xf32> to vector<16xf32>
        %swap3A_976 = vector.shape_cast %mul3A_971 : vector<16xf32> to vector<1x16xf32>
        tpu.vector_store %arg11[%swap3A_972, %swap3A_973], %swap3A_976 {strides = array<i32>} : memref<80x128xf32, #tpu.memory_space<vmem>>, vector<1x16xf32>,
        %get3A_977 = arith.index_cast %add3A_906 : i32 to index
        %get3A_978 = arith.constant 112 : index
        %get3A_979 = tpu.vector_load %arg11[%get3A_977, %get3A_978] {strides = array<i32>} : memref<80x128xf32, #tpu.memory_space<vmem>>, vector<1x16xf32>,
        %get3A_980 = vector.shape_cast %get3A_979 : vector<1x16xf32> to vector<16xf32>
        %mul3A_981 = arith.mulf %get3A_980, %broadcast_in_dim3A_902 : vector<16xf32>
        %swap3A_982 = arith.index_cast %add3A_906 : i32 to index
        %swap3A_983 = arith.constant 112 : index
        %swap3A_984 = tpu.vector_load %arg11[%swap3A_982, %swap3A_983] {strides = array<i32>} : memref<80x128xf32, #tpu.memory_space<vmem>>, vector<1x16xf32>,
        %swap3A_985 = vector.shape_cast %swap3A_984 : vector<1x16xf32> to vector<16xf32>
        %swap3A_986 = vector.shape_cast %mul3A_981 : vector<16xf32> to vector<1x16xf32>
        tpu.vector_store %arg11[%swap3A_982, %swap3A_983], %swap3A_986 {strides = array<i32>} : memref<80x128xf32, #tpu.memory_space<vmem>>, vector<1x16xf32>,
        %slice3A_987 = vector.extract_strided_slice %get3A_33 {offsets = [11], sizes = [1], strides = [1]} : vector<16xf32> to vector<1xf32>
        %squeeze3A_988 = vector.extract %slice3A_987[0] : f32 from vector<1xf32>
        %broadcast_in_dim3A_989 = vector.broadcast %squeeze3A_988 : f32 to vector<16xf32>
        %mul3A_990 = arith.constant 16 : i32
        %mul3A_991 = arith.muli %scan3A_29, %mul3A_990 : i32
        %add3A_992 = arith.constant 11 : i32
        %add3A_993 = arith.addi %mul3A_991, %add3A_992 : i32
        %get3A_994 = arith.index_cast %add3A_993 : i32 to index
        %get3A_995 = arith.constant 0 : index
        %get3A_996 = tpu.vector_load %arg11[%get3A_994, %get3A_995] {strides = array<i32>} : memref<80x128xf32, #tpu.memory_space<vmem>>, vector<1x16xf32>,
        %get3A_997 = vector.shape_cast %get3A_996 : vector<1x16xf32> to vector<16xf32>
        %mul3A_998 = arith.mulf %get3A_997, %broadcast_in_dim3A_989 : vector<16xf32>
        %swap3A_999 = arith.index_cast %add3A_993 : i32 to index
        %swap3A_1000 = arith.constant 0 : index
        %swap3A_1001 = tpu.vector_load %arg11[%swap3A_999, %swap3A_1000] {strides = array<i32>} : memref<80x128xf32, #tpu.memory_space<vmem>>, vector<1x16xf32>,
        %swap3A_1002 = vector.shape_cast %swap3A_1001 : vector<1x16xf32> to vector<16xf32>
        %swap3A_1003 = vector.shape_cast %mul3A_998 : vector<16xf32> to vector<1x16xf32>
        tpu.vector_store %arg11[%swap3A_999, %swap3A_1000], %swap3A_1003 {strides = array<i32>} : memref<80x128xf32, #tpu.memory_space<vmem>>, vector<1x16xf32>,
        %get3A_1004 = arith.index_cast %add3A_993 : i32 to index
        %get3A_1005 = arith.constant 16 : index
        %get3A_1006 = tpu.vector_load %arg11[%get3A_1004, %get3A_1005] {strides = array<i32>} : memref<80x128xf32, #tpu.memory_space<vmem>>, vector<1x16xf32>,
        %get3A_1007 = vector.shape_cast %get3A_1006 : vector<1x16xf32> to vector<16xf32>
        %mul3A_1008 = arith.mulf %get3A_1007, %broadcast_in_dim3A_989 : vector<16xf32>
        %swap3A_1009 = arith.index_cast %add3A_993 : i32 to index
        %swap3A_1010 = arith.constant 16 : index
        %swap3A_1011 = tpu.vector_load %arg11[%swap3A_1009, %swap3A_1010] {strides = array<i32>} : memref<80x128xf32, #tpu.memory_space<vmem>>, vector<1x16xf32>,
        %swap3A_1012 = vector.shape_cast %swap3A_1011 : vector<1x16xf32> to vector<16xf32>
        %swap3A_1013 = vector.shape_cast %mul3A_1008 : vector<16xf32> to vector<1x16xf32>
        tpu.vector_store %arg11[%swap3A_1009, %swap3A_1010], %swap3A_1013 {strides = array<i32>} : memref<80x128xf32, #tpu.memory_space<vmem>>, vector<1x16xf32>,
        %get3A_1014 = arith.index_cast %add3A_993 : i32 to index
        %get3A_1015 = arith.constant 32 : index
        %get3A_1016 = tpu.vector_load %arg11[%get3A_1014, %get3A_1015] {strides = array<i32>} : memref<80x128xf32, #tpu.memory_space<vmem>>, vector<1x16xf32>,
        %get3A_1017 = vector.shape_cast %get3A_1016 : vector<1x16xf32> to vector<16xf32>
        %mul3A_1018 = arith.mulf %get3A_1017, %broadcast_in_dim3A_989 : vector<16xf32>
        %swap3A_1019 = arith.index_cast %add3A_993 : i32 to index
        %swap3A_1020 = arith.constant 32 : index
        %swap3A_1021 = tpu.vector_load %arg11[%swap3A_1019, %swap3A_1020] {strides = array<i32>} : memref<80x128xf32, #tpu.memory_space<vmem>>, vector<1x16xf32>,
        %swap3A_1022 = vector.shape_cast %swap3A_1021 : vector<1x16xf32> to vector<16xf32>
        %swap3A_1023 = vector.shape_cast %mul3A_1018 : vector<16xf32> to vector<1x16xf32>
        tpu.vector_store %arg11[%swap3A_1019, %swap3A_1020], %swap3A_1023 {strides = array<i32>} : memref<80x128xf32, #tpu.memory_space<vmem>>, vector<1x16xf32>,
        %get3A_1024 = arith.index_cast %add3A_993 : i32 to index
        %get3A_1025 = arith.constant 48 : index
        %get3A_1026 = tpu.vector_load %arg11[%get3A_1024, %get3A_1025] {strides = array<i32>} : memref<80x128xf32, #tpu.memory_space<vmem>>, vector<1x16xf32>,
        %get3A_1027 = vector.shape_cast %get3A_1026 : vector<1x16xf32> to vector<16xf32>
        %mul3A_1028 = arith.mulf %get3A_1027, %broadcast_in_dim3A_989 : vector<16xf32>
        %swap3A_1029 = arith.index_cast %add3A_993 : i32 to index
        %swap3A_1030 = arith.constant 48 : index
        %swap3A_1031 = tpu.vector_load %arg11[%swap3A_1029, %swap3A_1030] {strides = array<i32>} : memref<80x128xf32, #tpu.memory_space<vmem>>, vector<1x16xf32>,
        %swap3A_1032 = vector.shape_cast %swap3A_1031 : vector<1x16xf32> to vector<16xf32>
        %swap3A_1033 = vector.shape_cast %mul3A_1028 : vector<16xf32> to vector<1x16xf32>
        tpu.vector_store %arg11[%swap3A_1029, %swap3A_1030], %swap3A_1033 {strides = array<i32>} : memref<80x128xf32, #tpu.memory_space<vmem>>, vector<1x16xf32>,
        %get3A_1034 = arith.index_cast %add3A_993 : i32 to index
        %get3A_1035 = arith.constant 64 : index
        %get3A_1036 = tpu.vector_load %arg11[%get3A_1034, %get3A_1035] {strides = array<i32>} : memref<80x128xf32, #tpu.memory_space<vmem>>, vector<1x16xf32>,
        %get3A_1037 = vector.shape_cast %get3A_1036 : vector<1x16xf32> to vector<16xf32>
        %mul3A_1038 = arith.mulf %get3A_1037, %broadcast_in_dim3A_989 : vector<16xf32>
        %swap3A_1039 = arith.index_cast %add3A_993 : i32 to index
        %swap3A_1040 = arith.constant 64 : index
        %swap3A_1041 = tpu.vector_load %arg11[%swap3A_1039, %swap3A_1040] {strides = array<i32>} : memref<80x128xf32, #tpu.memory_space<vmem>>, vector<1x16xf32>,
        %swap3A_1042 = vector.shape_cast %swap3A_1041 : vector<1x16xf32> to vector<16xf32>
        %swap3A_1043 = vector.shape_cast %mul3A_1038 : vector<16xf32> to vector<1x16xf32>
        tpu.vector_store %arg11[%swap3A_1039, %swap3A_1040], %swap3A_1043 {strides = array<i32>} : memref<80x128xf32, #tpu.memory_space<vmem>>, vector<1x16xf32>,
        %get3A_1044 = arith.index_cast %add3A_993 : i32 to index
        %get3A_1045 = arith.constant 80 : index
        %get3A_1046 = tpu.vector_load %arg11[%get3A_1044, %get3A_1045] {strides = array<i32>} : memref<80x128xf32, #tpu.memory_space<vmem>>, vector<1x16xf32>,
        %get3A_1047 = vector.shape_cast %get3A_1046 : vector<1x16xf32> to vector<16xf32>
        %mul3A_1048 = arith.mulf %get3A_1047, %broadcast_in_dim3A_989 : vector<16xf32>
        %swap3A_1049 = arith.index_cast %add3A_993 : i32 to index
        %swap3A_1050 = arith.constant 80 : index
        %swap3A_1051 = tpu.vector_load %arg11[%swap3A_1049, %swap3A_1050] {strides = array<i32>} : memref<80x128xf32, #tpu.memory_space<vmem>>, vector<1x16xf32>,
        %swap3A_1052 = vector.shape_cast %swap3A_1051 : vector<1x16xf32> to vector<16xf32>
        %swap3A_1053 = vector.shape_cast %mul3A_1048 : vector<16xf32> to vector<1x16xf32>
        tpu.vector_store %arg11[%swap3A_1049, %swap3A_1050], %swap3A_1053 {strides = array<i32>} : memref<80x128xf32, #tpu.memory_space<vmem>>, vector<1x16xf32>,
        %get3A_1054 = arith.index_cast %add3A_993 : i32 to index
        %get3A_1055 = arith.constant 96 : index
        %get3A_1056 = tpu.vector_load %arg11[%get3A_1054, %get3A_1055] {strides = array<i32>} : memref<80x128xf32, #tpu.memory_space<vmem>>, vector<1x16xf32>,
        %get3A_1057 = vector.shape_cast %get3A_1056 : vector<1x16xf32> to vector<16xf32>
        %mul3A_1058 = arith.mulf %get3A_1057, %broadcast_in_dim3A_989 : vector<16xf32>
        %swap3A_1059 = arith.index_cast %add3A_993 : i32 to index
        %swap3A_1060 = arith.constant 96 : index
        %swap3A_1061 = tpu.vector_load %arg11[%swap3A_1059, %swap3A_1060] {strides = array<i32>} : memref<80x128xf32, #tpu.memory_space<vmem>>, vector<1x16xf32>,
        %swap3A_1062 = vector.shape_cast %swap3A_1061 : vector<1x16xf32> to vector<16xf32>
        %swap3A_1063 = vector.shape_cast %mul3A_1058 : vector<16xf32> to vector<1x16xf32>
        tpu.vector_store %arg11[%swap3A_1059, %swap3A_1060], %swap3A_1063 {strides = array<i32>} : memref<80x128xf32, #tpu.memory_space<vmem>>, vector<1x16xf32>,
        %get3A_1064 = arith.index_cast %add3A_993 : i32 to index
        %get3A_1065 = arith.constant 112 : index
        %get3A_1066 = tpu.vector_load %arg11[%get3A_1064, %get3A_1065] {strides = array<i32>} : memref<80x128xf32, #tpu.memory_space<vmem>>, vector<1x16xf32>,
        %get3A_1067 = vector.shape_cast %get3A_1066 : vector<1x16xf32> to vector<16xf32>
        %mul3A_1068 = arith.mulf %get3A_1067, %broadcast_in_dim3A_989 : vector<16xf32>
        %swap3A_1069 = arith.index_cast %add3A_993 : i32 to index
        %swap3A_1070 = arith.constant 112 : index
        %swap3A_1071 = tpu.vector_load %arg11[%swap3A_1069, %swap3A_1070] {strides = array<i32>} : memref<80x128xf32, #tpu.memory_space<vmem>>, vector<1x16xf32>,
        %swap3A_1072 = vector.shape_cast %swap3A_1071 : vector<1x16xf32> to vector<16xf32>
        %swap3A_1073 = vector.shape_cast %mul3A_1068 : vector<16xf32> to vector<1x16xf32>
        tpu.vector_store %arg11[%swap3A_1069, %swap3A_1070], %swap3A_1073 {strides = array<i32>} : memref<80x128xf32, #tpu.memory_space<vmem>>, vector<1x16xf32>,
        %slice3A_1074 = vector.extract_strided_slice %get3A_33 {offsets = [12], sizes = [1], strides = [1]} : vector<16xf32> to vector<1xf32>
        %squeeze3A_1075 = vector.extract %slice3A_1074[0] : f32 from vector<1xf32>
        %broadcast_in_dim3A_1076 = vector.broadcast %squeeze3A_1075 : f32 to vector<16xf32>
        %mul3A_1077 = arith.constant 16 : i32
        %mul3A_1078 = arith.muli %scan3A_29, %mul3A_1077 : i32
        %add3A_1079 = arith.constant 12 : i32
        %add3A_1080 = arith.addi %mul3A_1078, %add3A_1079 : i32
        %get3A_1081 = arith.index_cast %add3A_1080 : i32 to index
        %get3A_1082 = arith.constant 0 : index
        %get3A_1083 = tpu.vector_load %arg11[%get3A_1081, %get3A_1082] {strides = array<i32>} : memref<80x128xf32, #tpu.memory_space<vmem>>, vector<1x16xf32>,
        %get3A_1084 = vector.shape_cast %get3A_1083 : vector<1x16xf32> to vector<16xf32>
        %mul3A_1085 = arith.mulf %get3A_1084, %broadcast_in_dim3A_1076 : vector<16xf32>
        %swap3A_1086 = arith.index_cast %add3A_1080 : i32 to index
        %swap3A_1087 = arith.constant 0 : index
        %swap3A_1088 = tpu.vector_load %arg11[%swap3A_1086, %swap3A_1087] {strides = array<i32>} : memref<80x128xf32, #tpu.memory_space<vmem>>, vector<1x16xf32>,
        %swap3A_1089 = vector.shape_cast %swap3A_1088 : vector<1x16xf32> to vector<16xf32>
        %swap3A_1090 = vector.shape_cast %mul3A_1085 : vector<16xf32> to vector<1x16xf32>
        tpu.vector_store %arg11[%swap3A_1086, %swap3A_1087], %swap3A_1090 {strides = array<i32>} : memref<80x128xf32, #tpu.memory_space<vmem>>, vector<1x16xf32>,
        %get3A_1091 = arith.index_cast %add3A_1080 : i32 to index
        %get3A_1092 = arith.constant 16 : index
        %get3A_1093 = tpu.vector_load %arg11[%get3A_1091, %get3A_1092] {strides = array<i32>} : memref<80x128xf32, #tpu.memory_space<vmem>>, vector<1x16xf32>,
        %get3A_1094 = vector.shape_cast %get3A_1093 : vector<1x16xf32> to vector<16xf32>
        %mul3A_1095 = arith.mulf %get3A_1094, %broadcast_in_dim3A_1076 : vector<16xf32>
        %swap3A_1096 = arith.index_cast %add3A_1080 : i32 to index
        %swap3A_1097 = arith.constant 16 : index
        %swap3A_1098 = tpu.vector_load %arg11[%swap3A_1096, %swap3A_1097] {strides = array<i32>} : memref<80x128xf32, #tpu.memory_space<vmem>>, vector<1x16xf32>,
        %swap3A_1099 = vector.shape_cast %swap3A_1098 : vector<1x16xf32> to vector<16xf32>
        %swap3A_1100 = vector.shape_cast %mul3A_1095 : vector<16xf32> to vector<1x16xf32>
        tpu.vector_store %arg11[%swap3A_1096, %swap3A_1097], %swap3A_1100 {strides = array<i32>} : memref<80x128xf32, #tpu.memory_space<vmem>>, vector<1x16xf32>,
        %get3A_1101 = arith.index_cast %add3A_1080 : i32 to index
        %get3A_1102 = arith.constant 32 : index
        %get3A_1103 = tpu.vector_load %arg11[%get3A_1101, %get3A_1102] {strides = array<i32>} : memref<80x128xf32, #tpu.memory_space<vmem>>, vector<1x16xf32>,
        %get3A_1104 = vector.shape_cast %get3A_1103 : vector<1x16xf32> to vector<16xf32>
        %mul3A_1105 = arith.mulf %get3A_1104, %broadcast_in_dim3A_1076 : vector<16xf32>
        %swap3A_1106 = arith.index_cast %add3A_1080 : i32 to index
        %swap3A_1107 = arith.constant 32 : index
        %swap3A_1108 = tpu.vector_load %arg11[%swap3A_1106, %swap3A_1107] {strides = array<i32>} : memref<80x128xf32, #tpu.memory_space<vmem>>, vector<1x16xf32>,
        %swap3A_1109 = vector.shape_cast %swap3A_1108 : vector<1x16xf32> to vector<16xf32>
        %swap3A_1110 = vector.shape_cast %mul3A_1105 : vector<16xf32> to vector<1x16xf32>
        tpu.vector_store %arg11[%swap3A_1106, %swap3A_1107], %swap3A_1110 {strides = array<i32>} : memref<80x128xf32, #tpu.memory_space<vmem>>, vector<1x16xf32>,
        %get3A_1111 = arith.index_cast %add3A_1080 : i32 to index
        %get3A_1112 = arith.constant 48 : index
        %get3A_1113 = tpu.vector_load %arg11[%get3A_1111, %get3A_1112] {strides = array<i32>} : memref<80x128xf32, #tpu.memory_space<vmem>>, vector<1x16xf32>,
        %get3A_1114 = vector.shape_cast %get3A_1113 : vector<1x16xf32> to vector<16xf32>
        %mul3A_1115 = arith.mulf %get3A_1114, %broadcast_in_dim3A_1076 : vector<16xf32>
        %swap3A_1116 = arith.index_cast %add3A_1080 : i32 to index
        %swap3A_1117 = arith.constant 48 : index
        %swap3A_1118 = tpu.vector_load %arg11[%swap3A_1116, %swap3A_1117] {strides = array<i32>} : memref<80x128xf32, #tpu.memory_space<vmem>>, vector<1x16xf32>,
        %swap3A_1119 = vector.shape_cast %swap3A_1118 : vector<1x16xf32> to vector<16xf32>
        %swap3A_1120 = vector.shape_cast %mul3A_1115 : vector<16xf32> to vector<1x16xf32>
        tpu.vector_store %arg11[%swap3A_1116, %swap3A_1117], %swap3A_1120 {strides = array<i32>} : memref<80x128xf32, #tpu.memory_space<vmem>>, vector<1x16xf32>,
        %get3A_1121 = arith.index_cast %add3A_1080 : i32 to index
        %get3A_1122 = arith.constant 64 : index
        %get3A_1123 = tpu.vector_load %arg11[%get3A_1121, %get3A_1122] {strides = array<i32>} : memref<80x128xf32, #tpu.memory_space<vmem>>, vector<1x16xf32>,
        %get3A_1124 = vector.shape_cast %get3A_1123 : vector<1x16xf32> to vector<16xf32>
        %mul3A_1125 = arith.mulf %get3A_1124, %broadcast_in_dim3A_1076 : vector<16xf32>
        %swap3A_1126 = arith.index_cast %add3A_1080 : i32 to index
        %swap3A_1127 = arith.constant 64 : index
        %swap3A_1128 = tpu.vector_load %arg11[%swap3A_1126, %swap3A_1127] {strides = array<i32>} : memref<80x128xf32, #tpu.memory_space<vmem>>, vector<1x16xf32>,
        %swap3A_1129 = vector.shape_cast %swap3A_1128 : vector<1x16xf32> to vector<16xf32>
        %swap3A_1130 = vector.shape_cast %mul3A_1125 : vector<16xf32> to vector<1x16xf32>
        tpu.vector_store %arg11[%swap3A_1126, %swap3A_1127], %swap3A_1130 {strides = array<i32>} : memref<80x128xf32, #tpu.memory_space<vmem>>, vector<1x16xf32>,
        %get3A_1131 = arith.index_cast %add3A_1080 : i32 to index
        %get3A_1132 = arith.constant 80 : index
        %get3A_1133 = tpu.vector_load %arg11[%get3A_1131, %get3A_1132] {strides = array<i32>} : memref<80x128xf32, #tpu.memory_space<vmem>>, vector<1x16xf32>,
        %get3A_1134 = vector.shape_cast %get3A_1133 : vector<1x16xf32> to vector<16xf32>
        %mul3A_1135 = arith.mulf %get3A_1134, %broadcast_in_dim3A_1076 : vector<16xf32>
        %swap3A_1136 = arith.index_cast %add3A_1080 : i32 to index
        %swap3A_1137 = arith.constant 80 : index
        %swap3A_1138 = tpu.vector_load %arg11[%swap3A_1136, %swap3A_1137] {strides = array<i32>} : memref<80x128xf32, #tpu.memory_space<vmem>>, vector<1x16xf32>,
        %swap3A_1139 = vector.shape_cast %swap3A_1138 : vector<1x16xf32> to vector<16xf32>
        %swap3A_1140 = vector.shape_cast %mul3A_1135 : vector<16xf32> to vector<1x16xf32>
        tpu.vector_store %arg11[%swap3A_1136, %swap3A_1137], %swap3A_1140 {strides = array<i32>} : memref<80x128xf32, #tpu.memory_space<vmem>>, vector<1x16xf32>,
        %get3A_1141 = arith.index_cast %add3A_1080 : i32 to index
        %get3A_1142 = arith.constant 96 : index
        %get3A_1143 = tpu.vector_load %arg11[%get3A_1141, %get3A_1142] {strides = array<i32>} : memref<80x128xf32, #tpu.memory_space<vmem>>, vector<1x16xf32>,
        %get3A_1144 = vector.shape_cast %get3A_1143 : vector<1x16xf32> to vector<16xf32>
        %mul3A_1145 = arith.mulf %get3A_1144, %broadcast_in_dim3A_1076 : vector<16xf32>
        %swap3A_1146 = arith.index_cast %add3A_1080 : i32 to index
        %swap3A_1147 = arith.constant 96 : index
        %swap3A_1148 = tpu.vector_load %arg11[%swap3A_1146, %swap3A_1147] {strides = array<i32>} : memref<80x128xf32, #tpu.memory_space<vmem>>, vector<1x16xf32>,
        %swap3A_1149 = vector.shape_cast %swap3A_1148 : vector<1x16xf32> to vector<16xf32>
        %swap3A_1150 = vector.shape_cast %mul3A_1145 : vector<16xf32> to vector<1x16xf32>
        tpu.vector_store %arg11[%swap3A_1146, %swap3A_1147], %swap3A_1150 {strides = array<i32>} : memref<80x128xf32, #tpu.memory_space<vmem>>, vector<1x16xf32>,
        %get3A_1151 = arith.index_cast %add3A_1080 : i32 to index
        %get3A_1152 = arith.constant 112 : index
        %get3A_1153 = tpu.vector_load %arg11[%get3A_1151, %get3A_1152] {strides = array<i32>} : memref<80x128xf32, #tpu.memory_space<vmem>>, vector<1x16xf32>,
        %get3A_1154 = vector.shape_cast %get3A_1153 : vector<1x16xf32> to vector<16xf32>
        %mul3A_1155 = arith.mulf %get3A_1154, %broadcast_in_dim3A_1076 : vector<16xf32>
        %swap3A_1156 = arith.index_cast %add3A_1080 : i32 to index
        %swap3A_1157 = arith.constant 112 : index
        %swap3A_1158 = tpu.vector_load %arg11[%swap3A_1156, %swap3A_1157] {strides = array<i32>} : memref<80x128xf32, #tpu.memory_space<vmem>>, vector<1x16xf32>,
        %swap3A_1159 = vector.shape_cast %swap3A_1158 : vector<1x16xf32> to vector<16xf32>
        %swap3A_1160 = vector.shape_cast %mul3A_1155 : vector<16xf32> to vector<1x16xf32>
        tpu.vector_store %arg11[%swap3A_1156, %swap3A_1157], %swap3A_1160 {strides = array<i32>} : memref<80x128xf32, #tpu.memory_space<vmem>>, vector<1x16xf32>,
        %slice3A_1161 = vector.extract_strided_slice %get3A_33 {offsets = [13], sizes = [1], strides = [1]} : vector<16xf32> to vector<1xf32>
        %squeeze3A_1162 = vector.extract %slice3A_1161[0] : f32 from vector<1xf32>
        %broadcast_in_dim3A_1163 = vector.broadcast %squeeze3A_1162 : f32 to vector<16xf32>
        %mul3A_1164 = arith.constant 16 : i32
        %mul3A_1165 = arith.muli %scan3A_29, %mul3A_1164 : i32
        %add3A_1166 = arith.constant 13 : i32
        %add3A_1167 = arith.addi %mul3A_1165, %add3A_1166 : i32
        %get3A_1168 = arith.index_cast %add3A_1167 : i32 to index
        %get3A_1169 = arith.constant 0 : index
        %get3A_1170 = tpu.vector_load %arg11[%get3A_1168, %get3A_1169] {strides = array<i32>} : memref<80x128xf32, #tpu.memory_space<vmem>>, vector<1x16xf32>,
        %get3A_1171 = vector.shape_cast %get3A_1170 : vector<1x16xf32> to vector<16xf32>
        %mul3A_1172 = arith.mulf %get3A_1171, %broadcast_in_dim3A_1163 : vector<16xf32>
        %swap3A_1173 = arith.index_cast %add3A_1167 : i32 to index
        %swap3A_1174 = arith.constant 0 : index
        %swap3A_1175 = tpu.vector_load %arg11[%swap3A_1173, %swap3A_1174] {strides = array<i32>} : memref<80x128xf32, #tpu.memory_space<vmem>>, vector<1x16xf32>,
        %swap3A_1176 = vector.shape_cast %swap3A_1175 : vector<1x16xf32> to vector<16xf32>
        %swap3A_1177 = vector.shape_cast %mul3A_1172 : vector<16xf32> to vector<1x16xf32>
        tpu.vector_store %arg11[%swap3A_1173, %swap3A_1174], %swap3A_1177 {strides = array<i32>} : memref<80x128xf32, #tpu.memory_space<vmem>>, vector<1x16xf32>,
        %get3A_1178 = arith.index_cast %add3A_1167 : i32 to index
        %get3A_1179 = arith.constant 16 : index
        %get3A_1180 = tpu.vector_load %arg11[%get3A_1178, %get3A_1179] {strides = array<i32>} : memref<80x128xf32, #tpu.memory_space<vmem>>, vector<1x16xf32>,
        %get3A_1181 = vector.shape_cast %get3A_1180 : vector<1x16xf32> to vector<16xf32>
        %mul3A_1182 = arith.mulf %get3A_1181, %broadcast_in_dim3A_1163 : vector<16xf32>
        %swap3A_1183 = arith.index_cast %add3A_1167 : i32 to index
        %swap3A_1184 = arith.constant 16 : index
        %swap3A_1185 = tpu.vector_load %arg11[%swap3A_1183, %swap3A_1184] {strides = array<i32>} : memref<80x128xf32, #tpu.memory_space<vmem>>, vector<1x16xf32>,
        %swap3A_1186 = vector.shape_cast %swap3A_1185 : vector<1x16xf32> to vector<16xf32>
        %swap3A_1187 = vector.shape_cast %mul3A_1182 : vector<16xf32> to vector<1x16xf32>
        tpu.vector_store %arg11[%swap3A_1183, %swap3A_1184], %swap3A_1187 {strides = array<i32>} : memref<80x128xf32, #tpu.memory_space<vmem>>, vector<1x16xf32>,
        %get3A_1188 = arith.index_cast %add3A_1167 : i32 to index
        %get3A_1189 = arith.constant 32 : index
        %get3A_1190 = tpu.vector_load %arg11[%get3A_1188, %get3A_1189] {strides = array<i32>} : memref<80x128xf32, #tpu.memory_space<vmem>>, vector<1x16xf32>,
        %get3A_1191 = vector.shape_cast %get3A_1190 : vector<1x16xf32> to vector<16xf32>
        %mul3A_1192 = arith.mulf %get3A_1191, %broadcast_in_dim3A_1163 : vector<16xf32>
        %swap3A_1193 = arith.index_cast %add3A_1167 : i32 to index
        %swap3A_1194 = arith.constant 32 : index
        %swap3A_1195 = tpu.vector_load %arg11[%swap3A_1193, %swap3A_1194] {strides = array<i32>} : memref<80x128xf32, #tpu.memory_space<vmem>>, vector<1x16xf32>,
        %swap3A_1196 = vector.shape_cast %swap3A_1195 : vector<1x16xf32> to vector<16xf32>
        %swap3A_1197 = vector.shape_cast %mul3A_1192 : vector<16xf32> to vector<1x16xf32>
        tpu.vector_store %arg11[%swap3A_1193, %swap3A_1194], %swap3A_1197 {strides = array<i32>} : memref<80x128xf32, #tpu.memory_space<vmem>>, vector<1x16xf32>,
        %get3A_1198 = arith.index_cast %add3A_1167 : i32 to index
        %get3A_1199 = arith.constant 48 : index
        %get3A_1200 = tpu.vector_load %arg11[%get3A_1198, %get3A_1199] {strides = array<i32>} : memref<80x128xf32, #tpu.memory_space<vmem>>, vector<1x16xf32>,
        %get3A_1201 = vector.shape_cast %get3A_1200 : vector<1x16xf32> to vector<16xf32>
        %mul3A_1202 = arith.mulf %get3A_1201, %broadcast_in_dim3A_1163 : vector<16xf32>
        %swap3A_1203 = arith.index_cast %add3A_1167 : i32 to index
        %swap3A_1204 = arith.constant 48 : index
        %swap3A_1205 = tpu.vector_load %arg11[%swap3A_1203, %swap3A_1204] {strides = array<i32>} : memref<80x128xf32, #tpu.memory_space<vmem>>, vector<1x16xf32>,
        %swap3A_1206 = vector.shape_cast %swap3A_1205 : vector<1x16xf32> to vector<16xf32>
        %swap3A_1207 = vector.shape_cast %mul3A_1202 : vector<16xf32> to vector<1x16xf32>
        tpu.vector_store %arg11[%swap3A_1203, %swap3A_1204], %swap3A_1207 {strides = array<i32>} : memref<80x128xf32, #tpu.memory_space<vmem>>, vector<1x16xf32>,
        %get3A_1208 = arith.index_cast %add3A_1167 : i32 to index
        %get3A_1209 = arith.constant 64 : index
        %get3A_1210 = tpu.vector_load %arg11[%get3A_1208, %get3A_1209] {strides = array<i32>} : memref<80x128xf32, #tpu.memory_space<vmem>>, vector<1x16xf32>,
        %get3A_1211 = vector.shape_cast %get3A_1210 : vector<1x16xf32> to vector<16xf32>
        %mul3A_1212 = arith.mulf %get3A_1211, %broadcast_in_dim3A_1163 : vector<16xf32>
        %swap3A_1213 = arith.index_cast %add3A_1167 : i32 to index
        %swap3A_1214 = arith.constant 64 : index
        %swap3A_1215 = tpu.vector_load %arg11[%swap3A_1213, %swap3A_1214] {strides = array<i32>} : memref<80x128xf32, #tpu.memory_space<vmem>>, vector<1x16xf32>,
        %swap3A_1216 = vector.shape_cast %swap3A_1215 : vector<1x16xf32> to vector<16xf32>
        %swap3A_1217 = vector.shape_cast %mul3A_1212 : vector<16xf32> to vector<1x16xf32>
        tpu.vector_store %arg11[%swap3A_1213, %swap3A_1214], %swap3A_1217 {strides = array<i32>} : memref<80x128xf32, #tpu.memory_space<vmem>>, vector<1x16xf32>,
        %get3A_1218 = arith.index_cast %add3A_1167 : i32 to index
        %get3A_1219 = arith.constant 80 : index
        %get3A_1220 = tpu.vector_load %arg11[%get3A_1218, %get3A_1219] {strides = array<i32>} : memref<80x128xf32, #tpu.memory_space<vmem>>, vector<1x16xf32>,
        %get3A_1221 = vector.shape_cast %get3A_1220 : vector<1x16xf32> to vector<16xf32>
        %mul3A_1222 = arith.mulf %get3A_1221, %broadcast_in_dim3A_1163 : vector<16xf32>
        %swap3A_1223 = arith.index_cast %add3A_1167 : i32 to index
        %swap3A_1224 = arith.constant 80 : index
        %swap3A_1225 = tpu.vector_load %arg11[%swap3A_1223, %swap3A_1224] {strides = array<i32>} : memref<80x128xf32, #tpu.memory_space<vmem>>, vector<1x16xf32>,
        %swap3A_1226 = vector.shape_cast %swap3A_1225 : vector<1x16xf32> to vector<16xf32>
        %swap3A_1227 = vector.shape_cast %mul3A_1222 : vector<16xf32> to vector<1x16xf32>
        tpu.vector_store %arg11[%swap3A_1223, %swap3A_1224], %swap3A_1227 {strides = array<i32>} : memref<80x128xf32, #tpu.memory_space<vmem>>, vector<1x16xf32>,
        %get3A_1228 = arith.index_cast %add3A_1167 : i32 to index
        %get3A_1229 = arith.constant 96 : index
        %get3A_1230 = tpu.vector_load %arg11[%get3A_1228, %get3A_1229] {strides = array<i32>} : memref<80x128xf32, #tpu.memory_space<vmem>>, vector<1x16xf32>,
        %get3A_1231 = vector.shape_cast %get3A_1230 : vector<1x16xf32> to vector<16xf32>
        %mul3A_1232 = arith.mulf %get3A_1231, %broadcast_in_dim3A_1163 : vector<16xf32>
        %swap3A_1233 = arith.index_cast %add3A_1167 : i32 to index
        %swap3A_1234 = arith.constant 96 : index
        %swap3A_1235 = tpu.vector_load %arg11[%swap3A_1233, %swap3A_1234] {strides = array<i32>} : memref<80x128xf32, #tpu.memory_space<vmem>>, vector<1x16xf32>,
        %swap3A_1236 = vector.shape_cast %swap3A_1235 : vector<1x16xf32> to vector<16xf32>
        %swap3A_1237 = vector.shape_cast %mul3A_1232 : vector<16xf32> to vector<1x16xf32>
        tpu.vector_store %arg11[%swap3A_1233, %swap3A_1234], %swap3A_1237 {strides = array<i32>} : memref<80x128xf32, #tpu.memory_space<vmem>>, vector<1x16xf32>,
        %get3A_1238 = arith.index_cast %add3A_1167 : i32 to index
        %get3A_1239 = arith.constant 112 : index
        %get3A_1240 = tpu.vector_load %arg11[%get3A_1238, %get3A_1239] {strides = array<i32>} : memref<80x128xf32, #tpu.memory_space<vmem>>, vector<1x16xf32>,
        %get3A_1241 = vector.shape_cast %get3A_1240 : vector<1x16xf32> to vector<16xf32>
        %mul3A_1242 = arith.mulf %get3A_1241, %broadcast_in_dim3A_1163 : vector<16xf32>
        %swap3A_1243 = arith.index_cast %add3A_1167 : i32 to index
        %swap3A_1244 = arith.constant 112 : index
        %swap3A_1245 = tpu.vector_load %arg11[%swap3A_1243, %swap3A_1244] {strides = array<i32>} : memref<80x128xf32, #tpu.memory_space<vmem>>, vector<1x16xf32>,
        %swap3A_1246 = vector.shape_cast %swap3A_1245 : vector<1x16xf32> to vector<16xf32>
        %swap3A_1247 = vector.shape_cast %mul3A_1242 : vector<16xf32> to vector<1x16xf32>
        tpu.vector_store %arg11[%swap3A_1243, %swap3A_1244], %swap3A_1247 {strides = array<i32>} : memref<80x128xf32, #tpu.memory_space<vmem>>, vector<1x16xf32>,
        %slice3A_1248 = vector.extract_strided_slice %get3A_33 {offsets = [14], sizes = [1], strides = [1]} : vector<16xf32> to vector<1xf32>
        %squeeze3A_1249 = vector.extract %slice3A_1248[0] : f32 from vector<1xf32>
        %broadcast_in_dim3A_1250 = vector.broadcast %squeeze3A_1249 : f32 to vector<16xf32>
        %mul3A_1251 = arith.constant 16 : i32
        %mul3A_1252 = arith.muli %scan3A_29, %mul3A_1251 : i32
        %add3A_1253 = arith.constant 14 : i32
        %add3A_1254 = arith.addi %mul3A_1252, %add3A_1253 : i32
        %get3A_1255 = arith.index_cast %add3A_1254 : i32 to index
        %get3A_1256 = arith.constant 0 : index
        %get3A_1257 = tpu.vector_load %arg11[%get3A_1255, %get3A_1256] {strides = array<i32>} : memref<80x128xf32, #tpu.memory_space<vmem>>, vector<1x16xf32>,
        %get3A_1258 = vector.shape_cast %get3A_1257 : vector<1x16xf32> to vector<16xf32>
        %mul3A_1259 = arith.mulf %get3A_1258, %broadcast_in_dim3A_1250 : vector<16xf32>
        %swap3A_1260 = arith.index_cast %add3A_1254 : i32 to index
        %swap3A_1261 = arith.constant 0 : index
        %swap3A_1262 = tpu.vector_load %arg11[%swap3A_1260, %swap3A_1261] {strides = array<i32>} : memref<80x128xf32, #tpu.memory_space<vmem>>, vector<1x16xf32>,
        %swap3A_1263 = vector.shape_cast %swap3A_1262 : vector<1x16xf32> to vector<16xf32>
        %swap3A_1264 = vector.shape_cast %mul3A_1259 : vector<16xf32> to vector<1x16xf32>
        tpu.vector_store %arg11[%swap3A_1260, %swap3A_1261], %swap3A_1264 {strides = array<i32>} : memref<80x128xf32, #tpu.memory_space<vmem>>, vector<1x16xf32>,
        %get3A_1265 = arith.index_cast %add3A_1254 : i32 to index
        %get3A_1266 = arith.constant 16 : index
        %get3A_1267 = tpu.vector_load %arg11[%get3A_1265, %get3A_1266] {strides = array<i32>} : memref<80x128xf32, #tpu.memory_space<vmem>>, vector<1x16xf32>,
        %get3A_1268 = vector.shape_cast %get3A_1267 : vector<1x16xf32> to vector<16xf32>
        %mul3A_1269 = arith.mulf %get3A_1268, %broadcast_in_dim3A_1250 : vector<16xf32>
        %swap3A_1270 = arith.index_cast %add3A_1254 : i32 to index
        %swap3A_1271 = arith.constant 16 : index
        %swap3A_1272 = tpu.vector_load %arg11[%swap3A_1270, %swap3A_1271] {strides = array<i32>} : memref<80x128xf32, #tpu.memory_space<vmem>>, vector<1x16xf32>,
        %swap3A_1273 = vector.shape_cast %swap3A_1272 : vector<1x16xf32> to vector<16xf32>
        %swap3A_1274 = vector.shape_cast %mul3A_1269 : vector<16xf32> to vector<1x16xf32>
        tpu.vector_store %arg11[%swap3A_1270, %swap3A_1271], %swap3A_1274 {strides = array<i32>} : memref<80x128xf32, #tpu.memory_space<vmem>>, vector<1x16xf32>,
        %get3A_1275 = arith.index_cast %add3A_1254 : i32 to index
        %get3A_1276 = arith.constant 32 : index
        %get3A_1277 = tpu.vector_load %arg11[%get3A_1275, %get3A_1276] {strides = array<i32>} : memref<80x128xf32, #tpu.memory_space<vmem>>, vector<1x16xf32>,
        %get3A_1278 = vector.shape_cast %get3A_1277 : vector<1x16xf32> to vector<16xf32>
        %mul3A_1279 = arith.mulf %get3A_1278, %broadcast_in_dim3A_1250 : vector<16xf32>
        %swap3A_1280 = arith.index_cast %add3A_1254 : i32 to index
        %swap3A_1281 = arith.constant 32 : index
        %swap3A_1282 = tpu.vector_load %arg11[%swap3A_1280, %swap3A_1281] {strides = array<i32>} : memref<80x128xf32, #tpu.memory_space<vmem>>, vector<1x16xf32>,
        %swap3A_1283 = vector.shape_cast %swap3A_1282 : vector<1x16xf32> to vector<16xf32>
        %swap3A_1284 = vector.shape_cast %mul3A_1279 : vector<16xf32> to vector<1x16xf32>
        tpu.vector_store %arg11[%swap3A_1280, %swap3A_1281], %swap3A_1284 {strides = array<i32>} : memref<80x128xf32, #tpu.memory_space<vmem>>, vector<1x16xf32>,
        %get3A_1285 = arith.index_cast %add3A_1254 : i32 to index
        %get3A_1286 = arith.constant 48 : index
        %get3A_1287 = tpu.vector_load %arg11[%get3A_1285, %get3A_1286] {strides = array<i32>} : memref<80x128xf32, #tpu.memory_space<vmem>>, vector<1x16xf32>,
        %get3A_1288 = vector.shape_cast %get3A_1287 : vector<1x16xf32> to vector<16xf32>
        %mul3A_1289 = arith.mulf %get3A_1288, %broadcast_in_dim3A_1250 : vector<16xf32>
        %swap3A_1290 = arith.index_cast %add3A_1254 : i32 to index
        %swap3A_1291 = arith.constant 48 : index
        %swap3A_1292 = tpu.vector_load %arg11[%swap3A_1290, %swap3A_1291] {strides = array<i32>} : memref<80x128xf32, #tpu.memory_space<vmem>>, vector<1x16xf32>,
        %swap3A_1293 = vector.shape_cast %swap3A_1292 : vector<1x16xf32> to vector<16xf32>
        %swap3A_1294 = vector.shape_cast %mul3A_1289 : vector<16xf32> to vector<1x16xf32>
        tpu.vector_store %arg11[%swap3A_1290, %swap3A_1291], %swap3A_1294 {strides = array<i32>} : memref<80x128xf32, #tpu.memory_space<vmem>>, vector<1x16xf32>,
        %get3A_1295 = arith.index_cast %add3A_1254 : i32 to index
        %get3A_1296 = arith.constant 64 : index
        %get3A_1297 = tpu.vector_load %arg11[%get3A_1295, %get3A_1296] {strides = array<i32>} : memref<80x128xf32, #tpu.memory_space<vmem>>, vector<1x16xf32>,
        %get3A_1298 = vector.shape_cast %get3A_1297 : vector<1x16xf32> to vector<16xf32>
        %mul3A_1299 = arith.mulf %get3A_1298, %broadcast_in_dim3A_1250 : vector<16xf32>
        %swap3A_1300 = arith.index_cast %add3A_1254 : i32 to index
        %swap3A_1301 = arith.constant 64 : index
        %swap3A_1302 = tpu.vector_load %arg11[%swap3A_1300, %swap3A_1301] {strides = array<i32>} : memref<80x128xf32, #tpu.memory_space<vmem>>, vector<1x16xf32>,
        %swap3A_1303 = vector.shape_cast %swap3A_1302 : vector<1x16xf32> to vector<16xf32>
        %swap3A_1304 = vector.shape_cast %mul3A_1299 : vector<16xf32> to vector<1x16xf32>
        tpu.vector_store %arg11[%swap3A_1300, %swap3A_1301], %swap3A_1304 {strides = array<i32>} : memref<80x128xf32, #tpu.memory_space<vmem>>, vector<1x16xf32>,
        %get3A_1305 = arith.index_cast %add3A_1254 : i32 to index
        %get3A_1306 = arith.constant 80 : index
        %get3A_1307 = tpu.vector_load %arg11[%get3A_1305, %get3A_1306] {strides = array<i32>} : memref<80x128xf32, #tpu.memory_space<vmem>>, vector<1x16xf32>,
        %get3A_1308 = vector.shape_cast %get3A_1307 : vector<1x16xf32> to vector<16xf32>
        %mul3A_1309 = arith.mulf %get3A_1308, %broadcast_in_dim3A_1250 : vector<16xf32>
        %swap3A_1310 = arith.index_cast %add3A_1254 : i32 to index
        %swap3A_1311 = arith.constant 80 : index
        %swap3A_1312 = tpu.vector_load %arg11[%swap3A_1310, %swap3A_1311] {strides = array<i32>} : memref<80x128xf32, #tpu.memory_space<vmem>>, vector<1x16xf32>,
        %swap3A_1313 = vector.shape_cast %swap3A_1312 : vector<1x16xf32> to vector<16xf32>
        %swap3A_1314 = vector.shape_cast %mul3A_1309 : vector<16xf32> to vector<1x16xf32>
        tpu.vector_store %arg11[%swap3A_1310, %swap3A_1311], %swap3A_1314 {strides = array<i32>} : memref<80x128xf32, #tpu.memory_space<vmem>>, vector<1x16xf32>,
        %get3A_1315 = arith.index_cast %add3A_1254 : i32 to index
        %get3A_1316 = arith.constant 96 : index
        %get3A_1317 = tpu.vector_load %arg11[%get3A_1315, %get3A_1316] {strides = array<i32>} : memref<80x128xf32, #tpu.memory_space<vmem>>, vector<1x16xf32>,
        %get3A_1318 = vector.shape_cast %get3A_1317 : vector<1x16xf32> to vector<16xf32>
        %mul3A_1319 = arith.mulf %get3A_1318, %broadcast_in_dim3A_1250 : vector<16xf32>
        %swap3A_1320 = arith.index_cast %add3A_1254 : i32 to index
        %swap3A_1321 = arith.constant 96 : index
        %swap3A_1322 = tpu.vector_load %arg11[%swap3A_1320, %swap3A_1321] {strides = array<i32>} : memref<80x128xf32, #tpu.memory_space<vmem>>, vector<1x16xf32>,
        %swap3A_1323 = vector.shape_cast %swap3A_1322 : vector<1x16xf32> to vector<16xf32>
        %swap3A_1324 = vector.shape_cast %mul3A_1319 : vector<16xf32> to vector<1x16xf32>
        tpu.vector_store %arg11[%swap3A_1320, %swap3A_1321], %swap3A_1324 {strides = array<i32>} : memref<80x128xf32, #tpu.memory_space<vmem>>, vector<1x16xf32>,
        %get3A_1325 = arith.index_cast %add3A_1254 : i32 to index
        %get3A_1326 = arith.constant 112 : index
        %get3A_1327 = tpu.vector_load %arg11[%get3A_1325, %get3A_1326] {strides = array<i32>} : memref<80x128xf32, #tpu.memory_space<vmem>>, vector<1x16xf32>,
        %get3A_1328 = vector.shape_cast %get3A_1327 : vector<1x16xf32> to vector<16xf32>
        %mul3A_1329 = arith.mulf %get3A_1328, %broadcast_in_dim3A_1250 : vector<16xf32>
        %swap3A_1330 = arith.index_cast %add3A_1254 : i32 to index
        %swap3A_1331 = arith.constant 112 : index
        %swap3A_1332 = tpu.vector_load %arg11[%swap3A_1330, %swap3A_1331] {strides = array<i32>} : memref<80x128xf32, #tpu.memory_space<vmem>>, vector<1x16xf32>,
        %swap3A_1333 = vector.shape_cast %swap3A_1332 : vector<1x16xf32> to vector<16xf32>
        %swap3A_1334 = vector.shape_cast %mul3A_1329 : vector<16xf32> to vector<1x16xf32>
        tpu.vector_store %arg11[%swap3A_1330, %swap3A_1331], %swap3A_1334 {strides = array<i32>} : memref<80x128xf32, #tpu.memory_space<vmem>>, vector<1x16xf32>,
        %slice3A_1335 = vector.extract_strided_slice %get3A_33 {offsets = [15], sizes = [1], strides = [1]} : vector<16xf32> to vector<1xf32>
        %squeeze3A_1336 = vector.extract %slice3A_1335[0] : f32 from vector<1xf32>
        %broadcast_in_dim3A_1337 = vector.broadcast %squeeze3A_1336 : f32 to vector<16xf32>
        %mul3A_1338 = arith.constant 16 : i32
        %mul3A_1339 = arith.muli %scan3A_29, %mul3A_1338 : i32
        %add3A_1340 = arith.constant 15 : i32
        %add3A_1341 = arith.addi %mul3A_1339, %add3A_1340 : i32
        %get3A_1342 = arith.index_cast %add3A_1341 : i32 to index
        %get3A_1343 = arith.constant 0 : index
        %get3A_1344 = tpu.vector_load %arg11[%get3A_1342, %get3A_1343] {strides = array<i32>} : memref<80x128xf32, #tpu.memory_space<vmem>>, vector<1x16xf32>,
        %get3A_1345 = vector.shape_cast %get3A_1344 : vector<1x16xf32> to vector<16xf32>
        %mul3A_1346 = arith.mulf %get3A_1345, %broadcast_in_dim3A_1337 : vector<16xf32>
        %swap3A_1347 = arith.index_cast %add3A_1341 : i32 to index
        %swap3A_1348 = arith.constant 0 : index
        %swap3A_1349 = tpu.vector_load %arg11[%swap3A_1347, %swap3A_1348] {strides = array<i32>} : memref<80x128xf32, #tpu.memory_space<vmem>>, vector<1x16xf32>,
        %swap3A_1350 = vector.shape_cast %swap3A_1349 : vector<1x16xf32> to vector<16xf32>
        %swap3A_1351 = vector.shape_cast %mul3A_1346 : vector<16xf32> to vector<1x16xf32>
        tpu.vector_store %arg11[%swap3A_1347, %swap3A_1348], %swap3A_1351 {strides = array<i32>} : memref<80x128xf32, #tpu.memory_space<vmem>>, vector<1x16xf32>,
        %get3A_1352 = arith.index_cast %add3A_1341 : i32 to index
        %get3A_1353 = arith.constant 16 : index
        %get3A_1354 = tpu.vector_load %arg11[%get3A_1352, %get3A_1353] {strides = array<i32>} : memref<80x128xf32, #tpu.memory_space<vmem>>, vector<1x16xf32>,
        %get3A_1355 = vector.shape_cast %get3A_1354 : vector<1x16xf32> to vector<16xf32>
        %mul3A_1356 = arith.mulf %get3A_1355, %broadcast_in_dim3A_1337 : vector<16xf32>
        %swap3A_1357 = arith.index_cast %add3A_1341 : i32 to index
        %swap3A_1358 = arith.constant 16 : index
        %swap3A_1359 = tpu.vector_load %arg11[%swap3A_1357, %swap3A_1358] {strides = array<i32>} : memref<80x128xf32, #tpu.memory_space<vmem>>, vector<1x16xf32>,
        %swap3A_1360 = vector.shape_cast %swap3A_1359 : vector<1x16xf32> to vector<16xf32>
        %swap3A_1361 = vector.shape_cast %mul3A_1356 : vector<16xf32> to vector<1x16xf32>
        tpu.vector_store %arg11[%swap3A_1357, %swap3A_1358], %swap3A_1361 {strides = array<i32>} : memref<80x128xf32, #tpu.memory_space<vmem>>, vector<1x16xf32>,
        %get3A_1362 = arith.index_cast %add3A_1341 : i32 to index
        %get3A_1363 = arith.constant 32 : index
        %get3A_1364 = tpu.vector_load %arg11[%get3A_1362, %get3A_1363] {strides = array<i32>} : memref<80x128xf32, #tpu.memory_space<vmem>>, vector<1x16xf32>,
        %get3A_1365 = vector.shape_cast %get3A_1364 : vector<1x16xf32> to vector<16xf32>
        %mul3A_1366 = arith.mulf %get3A_1365, %broadcast_in_dim3A_1337 : vector<16xf32>
        %swap3A_1367 = arith.index_cast %add3A_1341 : i32 to index
        %swap3A_1368 = arith.constant 32 : index
        %swap3A_1369 = tpu.vector_load %arg11[%swap3A_1367, %swap3A_1368] {strides = array<i32>} : memref<80x128xf32, #tpu.memory_space<vmem>>, vector<1x16xf32>,
        %swap3A_1370 = vector.shape_cast %swap3A_1369 : vector<1x16xf32> to vector<16xf32>
        %swap3A_1371 = vector.shape_cast %mul3A_1366 : vector<16xf32> to vector<1x16xf32>
        tpu.vector_store %arg11[%swap3A_1367, %swap3A_1368], %swap3A_1371 {strides = array<i32>} : memref<80x128xf32, #tpu.memory_space<vmem>>, vector<1x16xf32>,
        %get3A_1372 = arith.index_cast %add3A_1341 : i32 to index
        %get3A_1373 = arith.constant 48 : index
        %get3A_1374 = tpu.vector_load %arg11[%get3A_1372, %get3A_1373] {strides = array<i32>} : memref<80x128xf32, #tpu.memory_space<vmem>>, vector<1x16xf32>,
        %get3A_1375 = vector.shape_cast %get3A_1374 : vector<1x16xf32> to vector<16xf32>
        %mul3A_1376 = arith.mulf %get3A_1375, %broadcast_in_dim3A_1337 : vector<16xf32>
        %swap3A_1377 = arith.index_cast %add3A_1341 : i32 to index
        %swap3A_1378 = arith.constant 48 : index
        %swap3A_1379 = tpu.vector_load %arg11[%swap3A_1377, %swap3A_1378] {strides = array<i32>} : memref<80x128xf32, #tpu.memory_space<vmem>>, vector<1x16xf32>,
        %swap3A_1380 = vector.shape_cast %swap3A_1379 : vector<1x16xf32> to vector<16xf32>
        %swap3A_1381 = vector.shape_cast %mul3A_1376 : vector<16xf32> to vector<1x16xf32>
        tpu.vector_store %arg11[%swap3A_1377, %swap3A_1378], %swap3A_1381 {strides = array<i32>} : memref<80x128xf32, #tpu.memory_space<vmem>>, vector<1x16xf32>,
        %get3A_1382 = arith.index_cast %add3A_1341 : i32 to index
        %get3A_1383 = arith.constant 64 : index
        %get3A_1384 = tpu.vector_load %arg11[%get3A_1382, %get3A_1383] {strides = array<i32>} : memref<80x128xf32, #tpu.memory_space<vmem>>, vector<1x16xf32>,
        %get3A_1385 = vector.shape_cast %get3A_1384 : vector<1x16xf32> to vector<16xf32>
        %mul3A_1386 = arith.mulf %get3A_1385, %broadcast_in_dim3A_1337 : vector<16xf32>
        %swap3A_1387 = arith.index_cast %add3A_1341 : i32 to index
        %swap3A_1388 = arith.constant 64 : index
        %swap3A_1389 = tpu.vector_load %arg11[%swap3A_1387, %swap3A_1388] {strides = array<i32>} : memref<80x128xf32, #tpu.memory_space<vmem>>, vector<1x16xf32>,
        %swap3A_1390 = vector.shape_cast %swap3A_1389 : vector<1x16xf32> to vector<16xf32>
        %swap3A_1391 = vector.shape_cast %mul3A_1386 : vector<16xf32> to vector<1x16xf32>
        tpu.vector_store %arg11[%swap3A_1387, %swap3A_1388], %swap3A_1391 {strides = array<i32>} : memref<80x128xf32, #tpu.memory_space<vmem>>, vector<1x16xf32>,
        %get3A_1392 = arith.index_cast %add3A_1341 : i32 to index
        %get3A_1393 = arith.constant 80 : index
        %get3A_1394 = tpu.vector_load %arg11[%get3A_1392, %get3A_1393] {strides = array<i32>} : memref<80x128xf32, #tpu.memory_space<vmem>>, vector<1x16xf32>,
        %get3A_1395 = vector.shape_cast %get3A_1394 : vector<1x16xf32> to vector<16xf32>
        %mul3A_1396 = arith.mulf %get3A_1395, %broadcast_in_dim3A_1337 : vector<16xf32>
        %swap3A_1397 = arith.index_cast %add3A_1341 : i32 to index
        %swap3A_1398 = arith.constant 80 : index
        %swap3A_1399 = tpu.vector_load %arg11[%swap3A_1397, %swap3A_1398] {strides = array<i32>} : memref<80x128xf32, #tpu.memory_space<vmem>>, vector<1x16xf32>,
        %swap3A_1400 = vector.shape_cast %swap3A_1399 : vector<1x16xf32> to vector<16xf32>
        %swap3A_1401 = vector.shape_cast %mul3A_1396 : vector<16xf32> to vector<1x16xf32>
        tpu.vector_store %arg11[%swap3A_1397, %swap3A_1398], %swap3A_1401 {strides = array<i32>} : memref<80x128xf32, #tpu.memory_space<vmem>>, vector<1x16xf32>,
        %get3A_1402 = arith.index_cast %add3A_1341 : i32 to index
        %get3A_1403 = arith.constant 96 : index
        %get3A_1404 = tpu.vector_load %arg11[%get3A_1402, %get3A_1403] {strides = array<i32>} : memref<80x128xf32, #tpu.memory_space<vmem>>, vector<1x16xf32>,
        %get3A_1405 = vector.shape_cast %get3A_1404 : vector<1x16xf32> to vector<16xf32>
        %mul3A_1406 = arith.mulf %get3A_1405, %broadcast_in_dim3A_1337 : vector<16xf32>
        %swap3A_1407 = arith.index_cast %add3A_1341 : i32 to index
        %swap3A_1408 = arith.constant 96 : index
        %swap3A_1409 = tpu.vector_load %arg11[%swap3A_1407, %swap3A_1408] {strides = array<i32>} : memref<80x128xf32, #tpu.memory_space<vmem>>, vector<1x16xf32>,
        %swap3A_1410 = vector.shape_cast %swap3A_1409 : vector<1x16xf32> to vector<16xf32>
        %swap3A_1411 = vector.shape_cast %mul3A_1406 : vector<16xf32> to vector<1x16xf32>
        tpu.vector_store %arg11[%swap3A_1407, %swap3A_1408], %swap3A_1411 {strides = array<i32>} : memref<80x128xf32, #tpu.memory_space<vmem>>, vector<1x16xf32>,
        %get3A_1412 = arith.index_cast %add3A_1341 : i32 to index
        %get3A_1413 = arith.constant 112 : index
        %get3A_1414 = tpu.vector_load %arg11[%get3A_1412, %get3A_1413] {strides = array<i32>} : memref<80x128xf32, #tpu.memory_space<vmem>>, vector<1x16xf32>,
        %get3A_1415 = vector.shape_cast %get3A_1414 : vector<1x16xf32> to vector<16xf32>
        %mul3A_1416 = arith.mulf %get3A_1415, %broadcast_in_dim3A_1337 : vector<16xf32>
        %swap3A_1417 = arith.index_cast %add3A_1341 : i32 to index
        %swap3A_1418 = arith.constant 112 : index
        %swap3A_1419 = tpu.vector_load %arg11[%swap3A_1417, %swap3A_1418] {strides = array<i32>} : memref<80x128xf32, #tpu.memory_space<vmem>>, vector<1x16xf32>,
        %swap3A_1420 = vector.shape_cast %swap3A_1419 : vector<1x16xf32> to vector<16xf32>
        %swap3A_1421 = vector.shape_cast %mul3A_1416 : vector<16xf32> to vector<1x16xf32>
        tpu.vector_store %arg11[%swap3A_1417, %swap3A_1418], %swap3A_1421 {strides = array<i32>} : memref<80x128xf32, #tpu.memory_space<vmem>>, vector<1x16xf32>,
      }
      %scan3A_28 = arith.constant 5 : i32
      "tpu.region"() ({
        %run_scoped3A = tpu.sem_alloc : memref<!tpu.dma_semaphore, #tpu.memory_space<semaphore_mem>>
        %dma_start3A_29 = arith.constant 0 : i32
        %dma_start3A_30 = arith.constant 0 : i32
        %dma_start3A_31 = tpu.memref_slice %arg12[%dma_start3A_29, %dma_start3A_30] : memref<10240x128xf32, #tpu.memory_space<vmem_shared>> -> memref<10240x128xf32, #tpu.memory_space<vmem_shared>>
        tpu.enqueue_indirect_dma source(%arg11 : memref<80x128xf32, #tpu.memory_space<vmem>>) target(%dma_start3A_31 : memref<10240x128xf32, #tpu.memory_space<vmem_shared>>) offsets(%arg9 : memref<80xi32, #tpu.memory_space<vmem>>) semaphore(%run_scoped3A : memref<!tpu.dma_semaphore, #tpu.memory_space<semaphore_mem>>) {add = true}
        %dma_wait3A_32 = arith.constant 0 : i32
        %dma_wait3A_33 = arith.constant 0 : i32
        %dma_wait3A_34 = tpu.memref_slice %arg12[%dma_wait3A_32, %dma_wait3A_33] : memref<10240x128xf32, #tpu.memory_space<vmem_shared>> -> memref<10240x128xf32, #tpu.memory_space<vmem_shared>>
        tpu.wait_indirect_dma semaphore(%run_scoped3A : memref<!tpu.dma_semaphore, #tpu.memory_space<semaphore_mem>>) src(%arg11 : memref<80x128xf32, #tpu.memory_space<vmem>>) dst(%dma_wait3A_34 : memref<10240x128xf32, #tpu.memory_space<vmem_shared>>)
        tpu.yield
      }) : () -> ()
    }
    %scan3A_10 = arith.constant 125 : i32
    %barrier3A_11 = arith.constant 0 : index
    tpu.barrier barrier_id(%barrier3A_11)
    %mul3A_12 = arith.constant 640 : i32
    %mul3A_13 = arith.muli %arg1, %mul3A_12 : i32
    %mul3A_14 = arith.constant 640 : i32
    %mul3A_15 = arith.muli %arg1, %mul3A_14 : i32
    "tpu.region"() ({
      %run_scoped3A = tpu.sem_alloc : memref<!tpu.dma_semaphore, #tpu.memory_space<semaphore_mem>>
      %dma_start3A = arith.constant 0 : i32
      %dma_start3A_16 = tpu.memref_slice %arg7[%arg0, %mul3A_15, %dma_start3A] : memref<2x10240x128xf32, #tpu.memory_space<hbm>> -> memref<1x640x128xf32, #tpu.memory_space<hbm>>
      %dma_start3A_17 = tpu.memref_squeeze %dma_start3A_16 : memref<1x640x128xf32, #tpu.memory_space<hbm>> -> memref<640x128xf32, #tpu.memory_space<hbm>>
      %dma_start3A_18 = arith.constant 0 : i32
      %dma_start3A_19 = tpu.memref_slice %arg12[%mul3A_13, %dma_start3A_18] : memref<10240x128xf32, #tpu.memory_space<vmem_shared>> -> memref<640x128xf32, #tpu.memory_space<vmem_shared>>
      tpu.enqueue_dma source(%dma_start3A_19 : memref<640x128xf32, #tpu.memory_space<vmem_shared>>) target(%dma_start3A_17 : memref<640x128xf32, #tpu.memory_space<hbm>>) target_semaphore(%run_scoped3A : memref<!tpu.dma_semaphore, #tpu.memory_space<semaphore_mem>>)
      %dma_wait3A = arith.constant 0 : i32
      %dma_wait3A_20 = tpu.memref_slice %arg7[%arg0, %mul3A_15, %dma_wait3A] : memref<2x10240x128xf32, #tpu.memory_space<hbm>> -> memref<1x640x128xf32, #tpu.memory_space<hbm>>
      %dma_wait3A_21 = tpu.memref_squeeze %dma_wait3A_20 : memref<1x640x128xf32, #tpu.memory_space<hbm>> -> memref<640x128xf32, #tpu.memory_space<hbm>>
      %dma_wait3A_22 = arith.constant 0 : i32
      %dma_wait3A_23 = tpu.memref_slice %arg12[%mul3A_13, %dma_wait3A_22] : memref<10240x128xf32, #tpu.memory_space<vmem_shared>> -> memref<640x128xf32, #tpu.memory_space<vmem_shared>>
      tpu.wait_dma2 semaphore(%run_scoped3A : memref<!tpu.dma_semaphore, #tpu.memory_space<semaphore_mem>>) src(%dma_wait3A_23 : memref<640x128xf32, #tpu.memory_space<vmem_shared>>) dst(%dma_wait3A_21 : memref<640x128xf32, #tpu.memory_space<hbm>>)
      tpu.yield
    }) : () -> ()
    return
  }
}

module attributes {stable_mosaic.version = 14 : i64} {
  func.func @_mm_body(%arg0: i32, %arg1: memref<1024x128xf32, #tpu.memory_space<vmem>>, %arg2: memref<128x128xf32, #tpu.memory_space<vmem>>, %arg3: memref<1024x128xf32, #tpu.memory_space<vmem>>) attributes {dimension_semantics = [#tpu.dimension_semantics<arbitrary>], iteration_bounds = array<i64: 10>, scalar_prefetch = 0 : i64, scratch_operands = 0 : i64, tpu.core_type = #tpu.core_type<tc>, window_params = [{transform_indices = @transform_0, window_bounds = array<i64: 1024, 128>}, {pipeline_mode = #tpu.pipeline_mode<synchronous>, transform_indices = @transform_1, window_bounds = array<i64: 128, 128>}, {transform_indices = @transform_2, window_bounds = array<i64: 1024, 128>}]} {
    %get3A = arith.constant 0 : index
    %get3A_0 = arith.constant 0 : index
    %get3A_1 = vector.load %arg1[%get3A, %get3A_0] : memref<1024x128xf32, #tpu.memory_space<vmem>>, vector<1024x128xf32>
    %get3A_2 = arith.constant 0 : index
    %get3A_3 = arith.constant 0 : index
    %get3A_4 = vector.load %arg2[%get3A_2, %get3A_3] : memref<128x128xf32, #tpu.memory_space<vmem>>, vector<128x128xf32>
    %dot_general3A = arith.constant dense<0.000000e+00> : vector<1024x128xf32>
    %dot_general3A_5 = tpu.matmul %get3A_1, %get3A_4, %dot_general3A {dimension_numbers = #tpu.dot_dimension_numbers<[1], [0], [0], [1], [0, 0, 1, 1], [], []>, transpose_lhs_hint = false} : vector<1024x128xf32>, vector<128x128xf32>, vector<1024x128xf32> -> vector<1024x128xf32>
    %swap3A = arith.constant 0 : index
    %swap3A_6 = arith.constant 0 : index
    %swap3A_7 = vector.load %arg3[%swap3A, %swap3A_6] : memref<1024x128xf32, #tpu.memory_space<vmem>>, vector<1024x128xf32>
    tpu.vector_store %arg3[%swap3A, %swap3A_6], %dot_general3A_5 {strides = array<i32>} : memref<1024x128xf32, #tpu.memory_space<vmem>>, vector<1024x128xf32>,
    return
  }
  func.func @transform_0(%arg0: i32) -> (i32, i32) {
    %c0_i32 = arith.constant 0 : i32
    %c0_i32_0 = arith.constant 0 : i32
    return %arg0, %c0_i32 : i32, i32
  }
  func.func @transform_1(%arg0: i32) -> (i32, i32) {
    %c0_i32 = arith.constant 0 : i32
    %c0_i32_0 = arith.constant 0 : i32
    %c0_i32_1 = arith.constant 0 : i32
    return %c0_i32, %c0_i32_0 : i32, i32
  }
  func.func @transform_2(%arg0: i32) -> (i32, i32) {
    %c0_i32 = arith.constant 0 : i32
    %c0_i32_0 = arith.constant 0 : i32
    return %arg0, %c0_i32 : i32, i32
  }
}

module attributes {stable_mosaic.version = 14 : i64} {
  func.func @_relu_mm_body(%arg0: i32, %arg1: memref<2x1024x128xf32, #tpu.memory_space<vmem>>, %arg2: memref<1x128xf32, #tpu.memory_space<vmem>>, %arg3: memref<128x64xf32, #tpu.memory_space<vmem>>, %arg4: memref<1024x64xf32, #tpu.memory_space<vmem>>) attributes {dimension_semantics = [#tpu.dimension_semantics<arbitrary>], iteration_bounds = array<i64: 10>, scalar_prefetch = 0 : i64, scratch_operands = 0 : i64, tpu.core_type = #tpu.core_type<tc>, window_params = [{transform_indices = @transform_0, window_bounds = array<i64: 2, 1024, 128>}, {pipeline_mode = #tpu.pipeline_mode<synchronous>, transform_indices = @transform_1, window_bounds = array<i64: 1, 128>}, {pipeline_mode = #tpu.pipeline_mode<synchronous>, transform_indices = @transform_2, window_bounds = array<i64: 128, 64>}, {transform_indices = @transform_3, window_bounds = array<i64: 1024, 64>}]} {
    %get3A = arith.constant 0 : index
    %get3A_0 = arith.constant 0 : index
    %get3A_1 = arith.constant 0 : index
    %get3A_2 = vector.load %arg1[%get3A, %get3A_0, %get3A_1] : memref<2x1024x128xf32, #tpu.memory_space<vmem>>, vector<1x1024x128xf32>
    %get3A_3 = vector.shape_cast %get3A_2 : vector<1x1024x128xf32> to vector<1024x128xf32>
    %get3A_4 = arith.constant 1 : index
    %get3A_5 = arith.constant 0 : index
    %get3A_6 = arith.constant 0 : index
    %get3A_7 = vector.load %arg1[%get3A_4, %get3A_5, %get3A_6] : memref<2x1024x128xf32, #tpu.memory_space<vmem>>, vector<1x1024x128xf32>
    %get3A_8 = vector.shape_cast %get3A_7 : vector<1x1024x128xf32> to vector<1024x128xf32>
    %add3A = arith.addf %get3A_3, %get3A_8 : vector<1024x128xf32>
    %get3A_9 = arith.constant 0 : index
    %get3A_10 = arith.constant 0 : index
    %get3A_11 = vector.load %arg2[%get3A_9, %get3A_10] : memref<1x128xf32, #tpu.memory_space<vmem>>, vector<1x128xf32>
    %add3A_12 = vector.broadcast %get3A_11 : vector<1x128xf32> to vector<1024x128xf32>
    %add3A_13 = arith.addf %add3A, %add3A_12 : vector<1024x128xf32>
    %max3A = arith.constant 0.000000e+00 : f32
    %max3A_14 = vector.broadcast %max3A : f32 to vector<1024x128xf32>
    %max3A_15 = arith.maximumf %add3A_13, %max3A_14 : vector<1024x128xf32>
    %get3A_16 = arith.constant 0 : index
    %get3A_17 = arith.constant 0 : index
    %get3A_18 = vector.load %arg3[%get3A_16, %get3A_17] : memref<128x64xf32, #tpu.memory_space<vmem>>, vector<128x64xf32>
    %dot_general3A = arith.constant dense<0.000000e+00> : vector<1024x64xf32>
    %dot_general3A_19 = tpu.matmul %max3A_15, %get3A_18, %dot_general3A {dimension_numbers = #tpu.dot_dimension_numbers<[1], [0], [0], [1], [0, 0, 1, 1], [], []>, transpose_lhs_hint = false} : vector<1024x128xf32>, vector<128x64xf32>, vector<1024x64xf32> -> vector<1024x64xf32>
    %swap3A = arith.constant 0 : index
    %swap3A_20 = arith.constant 0 : index
    %swap3A_21 = vector.load %arg4[%swap3A, %swap3A_20] : memref<1024x64xf32, #tpu.memory_space<vmem>>, vector<1024x64xf32>
    tpu.vector_store %arg4[%swap3A, %swap3A_20], %dot_general3A_19 {strides = array<i32>} : memref<1024x64xf32, #tpu.memory_space<vmem>>, vector<1024x64xf32>,
    return
  }
  func.func @transform_0(%arg0: i32) -> (i32, i32, i32) {
    %c0_i32 = arith.constant 0 : i32
    %c0_i32_0 = arith.constant 0 : i32
    %c0_i32_1 = arith.constant 0 : i32
    return %c0_i32, %arg0, %c0_i32_0 : i32, i32, i32
  }
  func.func @transform_1(%arg0: i32) -> (i32, i32) {
    %c0_i32 = arith.constant 0 : i32
    %c0_i32_0 = arith.constant 0 : i32
    %c0_i32_1 = arith.constant 0 : i32
    return %c0_i32, %c0_i32_0 : i32, i32
  }
  func.func @transform_2(%arg0: i32) -> (i32, i32) {
    %c0_i32 = arith.constant 0 : i32
    %c0_i32_0 = arith.constant 0 : i32
    %c0_i32_1 = arith.constant 0 : i32
    return %c0_i32, %c0_i32_0 : i32, i32
  }
  func.func @transform_3(%arg0: i32) -> (i32, i32) {
    %c0_i32 = arith.constant 0 : i32
    %c0_i32_0 = arith.constant 0 : i32
    return %arg0, %c0_i32 : i32, i32
  }
}

module attributes {stable_mosaic.version = 14 : i64} {
  func.func @_logsoftmax_body(%arg0: i32, %arg1: memref<2x1024x64xf32, #tpu.memory_space<vmem>>, %arg2: memref<1x64xf32, #tpu.memory_space<vmem>>, %arg3: memref<1024x64xf32, #tpu.memory_space<vmem>>) attributes {dimension_semantics = [#tpu.dimension_semantics<arbitrary>], iteration_bounds = array<i64: 10>, scalar_prefetch = 0 : i64, scratch_operands = 0 : i64, tpu.core_type = #tpu.core_type<tc>, window_params = [{transform_indices = @transform_0, window_bounds = array<i64: 2, 1024, 64>}, {pipeline_mode = #tpu.pipeline_mode<synchronous>, transform_indices = @transform_1, window_bounds = array<i64: 1, 64>}, {transform_indices = @transform_2, window_bounds = array<i64: 1024, 64>}]} {
    %get3A = arith.constant 0 : index
    %get3A_0 = arith.constant 0 : index
    %get3A_1 = arith.constant 0 : index
    %get3A_2 = vector.load %arg1[%get3A, %get3A_0, %get3A_1] : memref<2x1024x64xf32, #tpu.memory_space<vmem>>, vector<1x1024x64xf32>
    %get3A_3 = vector.shape_cast %get3A_2 : vector<1x1024x64xf32> to vector<1024x64xf32>
    %get3A_4 = arith.constant 1 : index
    %get3A_5 = arith.constant 0 : index
    %get3A_6 = arith.constant 0 : index
    %get3A_7 = vector.load %arg1[%get3A_4, %get3A_5, %get3A_6] : memref<2x1024x64xf32, #tpu.memory_space<vmem>>, vector<1x1024x64xf32>
    %get3A_8 = vector.shape_cast %get3A_7 : vector<1x1024x64xf32> to vector<1024x64xf32>
    %add3A = arith.addf %get3A_3, %get3A_8 : vector<1024x64xf32>
    %get3A_9 = arith.constant 0 : index
    %get3A_10 = arith.constant 0 : index
    %get3A_11 = vector.load %arg2[%get3A_9, %get3A_10] : memref<1x64xf32, #tpu.memory_space<vmem>>, vector<1x64xf32>
    %add3A_12 = vector.broadcast %get3A_11 : vector<1x64xf32> to vector<1024x64xf32>
    %add3A_13 = arith.addf %add3A, %add3A_12 : vector<1024x64xf32>
    %reduce_max3A = arith.constant dense<0xFF800000> : vector<1024xf32>
    %reduce_max3A_14 = vector.multi_reduction <maximumf>, %add3A_13, %reduce_max3A [1] : vector<1024x64xf32> to vector<1024xf32>
    %broadcast_in_dim3A = vector.shape_cast %reduce_max3A_14 : vector<1024xf32> to vector<1024x1xf32>
    %sub3A = vector.broadcast %broadcast_in_dim3A : vector<1024x1xf32> to vector<1024x64xf32>
    %sub3A_15 = arith.subf %add3A_13, %sub3A : vector<1024x64xf32>
    %exp3A = math.exp %sub3A_15 : vector<1024x64xf32>
    %reduce_sum3A = arith.constant dense<0.000000e+00> : vector<1024xf32>
    %reduce_sum3A_16 = vector.multi_reduction <add>, %exp3A, %reduce_sum3A [1] : vector<1024x64xf32> to vector<1024xf32>
    %broadcast_in_dim3A_17 = vector.shape_cast %reduce_sum3A_16 : vector<1024xf32> to vector<1024x1xf32>
    %sub3A_18 = vector.broadcast %broadcast_in_dim3A : vector<1024x1xf32> to vector<1024x64xf32>
    %sub3A_19 = arith.subf %add3A_13, %sub3A_18 : vector<1024x64xf32>
    %log3A = math.log %broadcast_in_dim3A_17 : vector<1024x1xf32>
    %sub3A_20 = vector.broadcast %log3A : vector<1024x1xf32> to vector<1024x64xf32>
    %sub3A_21 = arith.subf %sub3A_19, %sub3A_20 : vector<1024x64xf32>
    %swap3A = arith.constant 0 : index
    %swap3A_22 = arith.constant 0 : index
    %swap3A_23 = vector.load %arg3[%swap3A, %swap3A_22] : memref<1024x64xf32, #tpu.memory_space<vmem>>, vector<1024x64xf32>
    tpu.vector_store %arg3[%swap3A, %swap3A_22], %sub3A_21 {strides = array<i32>} : memref<1024x64xf32, #tpu.memory_space<vmem>>, vector<1024x64xf32>,
    return
  }
  func.func @transform_0(%arg0: i32) -> (i32, i32, i32) {
    %c0_i32 = arith.constant 0 : i32
    %c0_i32_0 = arith.constant 0 : i32
    %c0_i32_1 = arith.constant 0 : i32
    return %c0_i32, %arg0, %c0_i32_0 : i32, i32, i32
  }
  func.func @transform_1(%arg0: i32) -> (i32, i32) {
    %c0_i32 = arith.constant 0 : i32
    %c0_i32_0 = arith.constant 0 : i32
    %c0_i32_1 = arith.constant 0 : i32
    return %c0_i32, %c0_i32_0 : i32, i32
  }
  func.func @transform_2(%arg0: i32) -> (i32, i32) {
    %c0_i32 = arith.constant 0 : i32
    %c0_i32_0 = arith.constant 0 : i32
    return %arg0, %c0_i32 : i32, i32
  }
}

</mosaic_0001>

<sc_bundles>
// kernel: kernel.10.cloned.1.call-start
scs
__scs_entry_jumppad:
0x0: {  	(pc) =	sbr.rel $0x88, $3  }
0x1: {  	(tag) =	ssettag $0x0;
	lr =	simm.s32 $0x1  }
0x2: {  	[smem:$0x3F9A] =	sst lr;
	_ =	strace $0xD0000000  }
0x3: {  	_ = 	snop  }
0x4: {  	_ = 	snop  }
0x5: {  	_ = 	snop  }
0x6: {  	_ = 	snop  }
0x7: {  	_ = 	snop  }
__scs_overlays_trampoline_lowered:
0x8: {  	[smem:$0x3FA9] =	sst s0  }
0x9: {  	[smem:$0x3FAA] =	sst s1  }
0xa: {  	[smem:$0x3FAB] =	sst s2  }
0xb: {  	[smem:$0x3FAC] =	sst s3  }
0xc: {  	[smem:$0x3FAD] =	sst s4  }
0xd: {  	[smem:$0x3FAE] =	sst s5  }
0xe: {  	[smem:$0x3FAF] =	sst s6  }
0xf: {  	[smem:$0x3FB0] =	sst s7  }
0x10: {  	[smem:$0x3FB1] =	sst s8  }
0x11: {  	[smem:$0x3FB2] =	sst s9;
	s0 =	simm.s32 @!p0 $0x0  }
0x12: {  	s1 =	sld [smem:$0x3F98];
	s0 =	simm.s32 @p0 $0x1  }
0x13: {  	[smem:$0x3FB3] =	sst s0;
	s0 =	simm.s32 @!p1 $0x0  }
0x14: {  	s2 =	sld [smem:$0x3F97];
	s0 =	simm.s32 @p1 $0x1  }
0x15: {  	[smem:$0x3FB4] =	sst s0;
	s0 =	simm.s32 @!p2 $0x0  }
0x16: {  	s3 =	sld [smem:$0x3FDB];
	s0 =	simm.s32 @p2 $0x1  }
0x17: {  	s4 =	simm.s32 $0x1BF5;
	[smem:$0x3FB6] =	sst s0  }
0x18: {  	s0 =	sld [smem:$0x3F99];
	_ =	swait.ge [sflag:s4], $0x0  }
0x19: {  	s7 =	sld [smem:$0x3F9A]  }
0x1a: {  	s8 =	sadd.s32 $0xFFFFE003, lr  }
0x1b: {  	s9 =	sadd.s32 $0xFFFFFEF7, lr;
	s5 =	simm.s32 $0xFFFFFFFF;
	p2 =	slt.u32 s8, $0xFFFFF086  }
0x1c: {  	p1 =	slt.u32 s9, $0xF7A;
	s5 =	simm.s32 @!p2 $0x0  }
0x1d: {  	s5 =	simm.s32 @p1 $0x1;
	p0 =	seq.s32 s7, s2  }
0x1e: {  	s7 =	smul.u32 @!p0 $0xF7A, s2;
	p2 =	seq.s32 @!p0 s5, $0x0  }
0x1f: {  	s9 =	smul.u32 $0xF7A, s1;
	s8 =	simm.s32 @!p0 $0x1BF5;
	p2 =	por !p2, p0  }
0x20: {  	[sflag:s8] =	ssyncset.s32 @!p0 $0xFFFFF086;
	s6 =	sadd.s32 @!p0 s3, s7;
	s7 =	simm.s32 @!p0 $0x108  }
0x21: {  	s3 =	sadd.s32 s3, s9;
	s6 =	sadd.s32 @!p0 $0x88, s6;
	s7 =	simm.s32 @p2 $0x1082  }
0x22: {  	[simem:s7], [sflag:s8] =	dma.local @!p0 [hbm:s6], $0xF7A  }
0x23: {  	s9 =	sor.u32 $0xD0000000, s2;
	s6 =	simm.s32 $0x108;
	_ =	swait.ge @!p0 [sflag:s8], $0x0  }
0x24: {  	s3 =	sadd.s32 $0x88, s3;
	s6 =	simm.s32 @!p1 $0x1082;
	[sflag:s4] =	ssyncset.s32 $0xFFFFF086  }
0x25: {  	[simem:s6], [sflag:s4] =	dma.local [hbm:s3], $0xF7A  }
0x26: {  	[smem:$0x3F9A] =	sst s1;
	(tag) =	ssettag s2;
	_ =	strace s9  }
0x27: {  	s1 =	sld [smem:$0x3FAA]  }
0x28: {  	s2 =	sld [smem:$0x3FAB]  }
0x29: {  	s4 =	sld [smem:$0x3FAD]  }
0x2a: {  	p0 =	seq.s32 s5, $0x0;
	s5 =	sld [smem:$0x3FAE]  }
0x2b: {  	s6 =	sld [smem:$0x3FAF]  }
0x2c: {  	s7 =	sld [smem:$0x3FB0]  }
0x2d: {  	s3 =	simm.s32 $0x108;
	s8 =	sld [smem:$0x3FB1]  }
0x2e: {  	s3 =	simm.s32 @!p0 $0x1082;
	s9 =	sld [smem:$0x3FB2]  }
0x2f: {  	lr =	sadd.s32 s0, s3;
	s0 =	sld [smem:$0x3FA9]  }
0x30: {  	s3 =	sld [smem:$0x3FAC]  }
0x31: {  	[smem:$0x3FB5] =	sst s10  }
0x32: {  	s10 =	sld [smem:$0x3FB3];
	_ =	sdelay $0x3  }
0x33: {  	p0 =	seq.s32 s10, $0x1;
	s10 =	sld [smem:$0x3FB5];
	_ =	sdelay $0x3  }
0x34: {  	[smem:$0x3FB5] =	sst s10  }
0x35: {  	s10 =	sld [smem:$0x3FB4];
	_ =	sdelay $0x3  }
0x36: {  	p1 =	seq.s32 s10, $0x1;
	s10 =	sld [smem:$0x3FB5];
	_ =	sdelay $0x3  }
0x37: {  	[smem:$0x3FB5] =	sst s10  }
0x38: {  	s10 =	sld [smem:$0x3FB6]  }
0x39: {  	_ = 	snop;
	(pc) =	sbr.ind lr, $3  }
0x3a: {  	_ = 	snop  }
0x3b: {  	_ = 	snop  }
0x3c: {  	p2 =	seq.s32 s10, $0x1;
	s10 =	sld [smem:$0x3FB5]  }
0x3d: {  	_ =	shalt  }
0x3e: {  	_ =	shalt  }
0x3f: {  	_ =	shalt  }
0x40: {  	_ =	shalt  }
0x41: {  	_ =	shalt  }
0x42: {  	_ =	shalt  }
0x43: {  	_ =	shalt  }
0x44: {  	_ =	shalt  }
0x45: {  	_ =	shalt  }
0x46: {  	_ =	shalt  }
0x47: {  	_ =	shalt  }
0x48: {  	_ =	shalt  }
0x49: {  	_ =	shalt  }
0x4a: {  	_ =	shalt  }
0x4b: {  	_ =	shalt  }
0x4c: {  	_ =	shalt  }
0x4d: {  	_ =	shalt  }
0x4e: {  	_ =	shalt  }
0x4f: {  	_ =	shalt  }
0x50: {  	_ =	shalt  }
0x51: {  	_ =	shalt  }
0x52: {  	_ =	shalt  }
0x53: {  	_ =	shalt  }
0x54: {  	_ =	shalt  }
0x55: {  	_ =	shalt  }
0x56: {  	_ =	shalt  }
0x57: {  	_ =	shalt  }
0x58: {  	_ =	shalt  }
0x59: {  	_ =	shalt  }
0x5a: {  	_ =	shalt  }
0x5b: {  	_ =	shalt  }
0x5c: {  	_ =	shalt  }
0x5d: {  	_ =	shalt  }
0x5e: {  	_ =	shalt  }
0x5f: {  	_ =	shalt  }
0x60: {  	_ =	shalt  }
0x61: {  	_ =	shalt  }
0x62: {  	_ =	shalt  }
0x63: {  	_ =	shalt  }
0x64: {  	_ =	shalt  }
0x65: {  	_ =	shalt  }
0x66: {  	_ =	shalt  }
0x67: {  	_ =	shalt  }
0x68: {  	_ =	shalt  }
0x69: {  	_ =	shalt  }
0x6a: {  	_ =	shalt  }
0x6b: {  	_ =	shalt  }
0x6c: {  	_ =	shalt  }
0x6d: {  	_ =	shalt  }
0x6e: {  	_ =	shalt  }
0x6f: {  	_ =	shalt  }
0x70: {  	_ =	shalt  }
0x71: {  	_ =	shalt  }
0x72: {  	_ =	shalt  }
0x73: {  	_ =	shalt  }
0x74: {  	_ =	shalt  }
0x75: {  	_ =	shalt  }
0x76: {  	_ =	shalt  }
0x77: {  	_ =	shalt  }
0x78: {  	_ =	shalt  }
0x79: {  	_ =	shalt  }
0x7a: {  	_ =	shalt  }
0x7b: {  	_ =	shalt  }
0x7c: {  	_ =	shalt  }
0x7d: {  	_ =	shalt  }
0x7e: {  	_ =	shalt  }
0x7f: {  	_ =	shalt  }
0x80: {  	_ =	shalt  }
0x81: {  	_ =	shalt  }
0x82: {  	_ =	shalt  }
0x83: {  	_ =	shalt  }
0x84: {  	_ =	shalt  }
0x85: {  	_ =	shalt  }
0x86: {  	_ =	shalt  }
0x87: {  	_ =	shalt  }
.Lfunc_end0:
.L_simem_size_0:
called_computation.1_lowered:
.L_overlay_start_0:
0x88: {  	s2 =	sld [smem:$0x3FD9]  }
0x89: {  	s3 =	sld [smem:$0x3FFE];
	_ =	sdelay $0x1  }
0x8a: {  	s1 =	srdreg.scid  }
0x8b: {  	s0 =	sand.u32 $0x1, s1  }
0x8c: {  	s17 =	sshll.u32 s0, $0xA;
	s2 =	sadd.s32 s3, s2  }
0x8d: {  	s2 =	sadd.s32 s2, s17  }
0x8e: {  	[smem:$0x3FC1] =	sst s2  }
0x8f: {  	_ = 	snop  }
0x90: {  	s2 =	sld [smem:$0x3FC7]  }
0x91: {  	s18 =	sld [smem:$0x3FD0];
	(tm) =	ssettm $0x1  }
0x92: {  	s4 =	sld [smem:$0x3FFB];
	_ =	sdelay $0x3  }
0x93: {  	_ =	strace s4  }
0x94: {  	s4 =	sld [smem:$0x3FFC];
	_ =	sdelay $0x3  }
0x95: {  	_ =	strace s4  }
0x96: {  	s4 =	sld [smem:$0x3FFD];
	_ =	sdelay $0x3  }
0x97: {  	_ =	strace s4  }
0x98: {  	_ =	strace $0x8FFFFFFF  }
0x99: {  	s19 =	sld [smem:$0x3FDB];
	_ =	sdelay $0x1  }
0x9a: {  	s5 =	simm.s32 $_scs_section_size  }
0x9b: {  	s6 =	simm.s32 $_size__tile_overlayer_lowered;
	s7 =	simm.s32 $_tile_overlayer_lowered  }
0x9c: {  	s22 =	simm.s32 $0x1BFF;
	s21 =	sshll.u32 s7, $0x1;
	s4 =	sadd.s32 s5, s19  }
0x9d: {  	s8 =	simm.s32 $0x0;
	s20 =	sshll.u32 s6, $0x1;
	s6 =	sadd.s32 s21, s4  }
0x9e: {  	[timem:s8], [sflag:s22] =	dma.local [hbm:s6], s20  }
0x9f: {  	_ =	swait.ge [sflag:s22], s20  }
0xa0: {  	s5 =	ssub.s32 $0x0, s20;
	[sflag:s22] =	ssyncset.done $0x0  }
0xa1: {  	[sflag:s22] =	ssyncadd.s32 s5;
	_ =	sdelay $0x1  }
0xa2: {  	s23 =	simm.s32 $0x1B8B  }
0xa3: {  	_ =	swait.ge [sflag:s23], $0x1  }
0xa4: {  	[sflag:s23] =	ssyncset.done $0x0  }
0xa5: {  	s25 =	simm.s32 $0x1B8E;
	s24 =	sld [smem:$0x3FFE];
	[sflag:s23] =	ssyncadd.s32 $0xFFFFFFFF  }
0xa6: {  	s26 =	simm.s32 $execute0_lowered;
	[smem:$0x3FD2] =	sst s25  }
0xa7: {  	s6 =	sshll.u32 s26, $0x1;
	_ =	strace $0x80000049;
	[dreg:$0x1] =	wrdreg $0xFFFFFFFF  }
0xa8: {  	s28 =	simm.s32 $_size_execute0_lowered;
	s4 =	sadd.s32 s4, s6;
	[dreg:$0x0] =	wrdreg $0x0  }
0xa9: {  	s6 =	sshll.u32 s28, $0x1;
	[dreg:$0x2] =	wrdreg s4  }
0xaa: {  	[dreg:$0x3] =	wrdreg s6  }
0xab: {  	[dreg:$0x4] =	wrdreg $0xC0  }
0xac: {  	_ =	task [dreg:s8], $0x5FFFF  }
0xad: {  	[dreg:$0x1] =	wrdreg $0xFFFFFFFF  }
0xae: {  	[dreg:$0x0] =	wrdreg $0x60  }
0xaf: {  	[dreg:$0x2] =	wrdreg s24  }
0xb0: {  	[dreg:$0x3] =	wrdreg s18  }
0xb1: {  	[dreg:$0x4] =	wrdreg s2  }
0xb2: {  	[dreg:$0x5] =	wrdreg $0x14F00  }
0xb3: {  	[dreg:$0x6] =	wrdreg $0x9  }
0xb4: {  	_ =	task.clear_ibuf [dreg:s8], $0x7FFFF;
	_ =	strace $0x90000049  }
0xb5: {  	s29 =	simm.s32 $0x9;
	_ =	strace $0x8000004B  }
0xb6: {  	_ =	swait.ge [sflag:s29], $0x1  }
0xb7: {  	[sflag:s29] =	ssyncadd.s32 $0xFFFFFFFF  }
0xb8: {  	_ =	strace $0x9000004B  }
0xb9: {  	_ =	sfence  }
0xba: {  	s30 =	sld [smem:$0x0];
	_ =	sdelay $0x2  }
0xbb: {  	s31 =	sshll.u32 s1, $0xD;
	s1 =	sshrl.u32 s1, $0x2  }
0xbc: {  	s3 =	sand.u32 $0x4000, s31;
	s1 =	sadd.s32 s1, s30  }
0xbd: {  	s0 =	sor.u32 s3, s0;
	s1 =	sshll.u32 s1, $0x11  }
0xbe: {  	s0 =	sor.u32 s1, s0  }
0xbf: {  	s0 =	sadd.s32 $0x8F2B, s0  }
0xc0: {  	[sflag:s0] =	ssyncadd.remote.s32 $0x1  }
0xc1: {  	_ =	sfence.sel $0xFFFF  }
0xc2: {  	[dreg:$0x0] =	wrdreg $0xFFFFFFFF;
	(pc) =	sbr.abs _section_cstart, $3  }
0xc3: {  	[dreg:$0x1] =	wrdreg $0xFFFFFFFF  }
0xc4: {  	_ =	task.clear_ibuf [dreg:s8], $0x2FFFF;
	_ =	strace $0x9FFFFFFF  }
0xc5: {  	(tm) =	ssettm $0x7FFFFFFF  }
tec
execute0_lowered:
.L_overlay_start_1:
0x0: {  	(tag) =	ssettag $0x1  }
0x1: {  	s8 =	rddreg [dreg:$0x0]  }
0x2: {  	s2 =	rddreg [dreg:$0x1]  }
0x3: {  	s3 =	rddreg [dreg:$0x2]  }
0x4: {  	s4 =	rddreg [dreg:$0x3]  }
0x5: {  	s0 =	rddreg [dreg:$0x4]  }
0x6: {  	s1 =	stileid.u32;
	s6 =	srdreg.scid;
	s5 =	simm.s32 $0x0  }
0x7: {  	s15 =	simm.s32 $0x50;
	s16 =	simm.s32 $0xA0;
	s17 =	simm.s32 $0xF0  }
0x8: {  	s18 =	simm.s32 $0x1;
	s9 =	smul.u32 $0xA000, s1;
	s10 =	sand.u32 $0x1, s6  }
0x9: {  	[smem:$0x7FF] =	sst s5;
	s6 =	sadd.s32 $0xAC00, s8;
	s7 =	sadd.s32 $0xE00, s8  }
0xa: {  	s31 =	sshll.u32 s1, $0x6;
	s11 =	smul.u32 $0xA0000, s10;
	_ =	strace $0x8000004A  }
0xb: {  	s12 =	ssub.s32 $0x2, s10;
	s30 =	sshll.u32 s10, $0x4;
	s13 =	sshrl.u32 s9, $0x3  }
0xc: {  	s14 =	sshrl.u32 s12, $0x1;
	s29 =	sadd.s32 s9, s4;
	s10 =	sor.u32 s1, s30  }
0xd: {  	s11 =	sadd.s32 s9, s11;
	s13 =	sadd.s32 s13, s8;
	s12 =	ssub.s32 s12, s14  }
0xe: {  	s9 =	sor.u32 $0x1C02, s31;
	s10 =	smul.u32 $0x2710, s10;
	s11 =	sshrl.u32 s11, $0x3  }
0xf: {  	s14 =	simm.s32 $0x2;
	s12 =	smax.u32 s12, $0x1;
	s11 =	sadd.s32 s11, s8  }
0x10: {  	s8 =	sadd.s32 $0x1EC00, s13;
	s13 =	sshrl.u32 s29, $0x3;
	s11 =	sadd.s32 $0x32C00, s11  }
.LBB2_1:
0x11: {  	[spmem:s13], [sflag:s9] =	dma.local [hbm:s8], $0x1400  }
0x12: {  	_ =	swait.ge [sflag:s14], $0x1400  }
0x13: {  	[sflag:s14] =	ssyncset.done $0x0  }
0x14: {  	[sflag:s14] =	ssyncadd.s32 $0xFFFFEC00  }
0x15: {  	s19 =	simm.s32 $0x0;
	[bflag:$0x0] =	sbarrier.arrive $0xFFFF  }
.LBB2_2:
0x16: {  	s20 =	smul.u32 $0x50, s19;
	_ =	sdelay $0x1  }
0x17: {  	s20 =	sadd.s32 s10, s20  }
0x18: {  	s21 =	sshrl.u32 s20, $0x3  }
0x19: {  	s20 =	simm.s32 $0x0;
	s22 =	sadd.s32 s7, s21  }
0x1a: {  	[tilespmem:s20], [sflag:$0x2] =	stream.linear.gather [hbm4b:s22+s20], $0x50, $0x38;
	[tilespmem:$0xB4F0] =	vst v63  }
0x1b: {  	_ =	swait.ge [sflag:s14], $0x50  }
0x1c: {  	[sflag:s14] =	ssyncset.done $0x0  }
0x1d: {  	s31 =	sadd.s32 s2, s21;
	[sflag:s14] =	ssyncadd.s32 $0xFFFFFFB0  }
0x1e: {  	[tilespmem:s15], [sflag:$0x2] =	stream.linear.gather [hbm4b:s31+s20], $0x50, $0x38;
	[tilespmem:$0xB4F0] =	vst v63  }
0x1f: {  	_ =	swait.ge [sflag:s14], $0x50  }
0x20: {  	[sflag:s14] =	ssyncset.done $0x0  }
0x21: {  	s21 =	sadd.s32 s3, s21;
	[sflag:s14] =	ssyncadd.s32 $0xFFFFFFB0  }
0x22: {  	[tilespmem:s16], [sflag:$0x2] =	stream.linear.gather [hbm4b:s21+s20], $0x50, $0x38;
	[tilespmem:$0xB4F0] =	vst v63  }
0x23: {  	_ =	swait.ge [sflag:s14], $0x50  }
0x24: {  	[sflag:s14] =	ssyncset.done $0x0  }
0x25: {  	[sflag:s14] =	ssyncadd.s32 $0xFFFFFFB0  }
0x26: {  	[tilespmem:s17], [sflag:$0x1] =	stream.indirect.gather [hbm4b:s6+s15], $0x40, s20, s15, $0xb8;
	[tilespmem:$0xB4F0] =	vst v63  }
0x27: {  	_ =	swait.ge [sflag:s18], $0x1400  }
0x28: {  	[sflag:s18] =	ssyncset.done $0x0  }
0x29: {  	s21 =	simm.s32 $0x2F0;
	[sflag:s18] =	ssyncadd.s32 $0xFFFFEC00  }
.LBB2_3:
0x2a: {  	s22 =	sshra.s32 s20, $0x2  }
0x2b: {  	v0 =	vld [tilespmem:s22+$0xA0];
	_ =	sdelay $0x1  }
0x2c: {  	v1 =	vld [tilespmem:s21+$0xFFFFFE00];
	_ =	sdelay $0x1  }
0x2d: {  	v47 =	vld [tilespmem:s21+$0xFFFFFE10]  }
0x2e: {  	v2 =	vbroadcast v0, $0x0  }
0x2f: {  	v48 =	vld [tilespmem:s21+$0xFFFFFE20]  }
0x30: {  	v1 =	vmul.f32 v2, v1  }
0x31: {  	v49 =	vld [tilespmem:s21+$0xFFFFFE30]  }
0x32: {  	[tilespmem:s21+$0xFFFFFE00] =	vst v1;
	v1 =	vmul.f32 v47, v2  }
0x33: {  	v50 =	vld [tilespmem:s21+$0xFFFFFE40]  }
0x34: {  	[tilespmem:s21+$0xFFFFFE10] =	vst v1;
	v1 =	vmul.f32 v48, v2  }
0x35: {  	v52 =	vld [tilespmem:s21+$0xFFFFFE50]  }
0x36: {  	v51 =	vbroadcast v0, $0x1;
	[tilespmem:s21+$0xFFFFFE20] =	vst v1;
	v1 =	vmul.f32 v49, v2  }
0x37: {  	v53 =	vld [tilespmem:s21+$0xFFFFFE60]  }
0x38: {  	[tilespmem:s21+$0xFFFFFE30] =	vst v1;
	v1 =	vmul.f32 v50, v51  }
0x39: {  	v54 =	vld [tilespmem:s21+$0xFFFFFE70]  }
0x3a: {  	[tilespmem:s21+$0xFFFFFE40] =	vst v1;
	v1 =	vmul.f32 v52, v51  }
0x3b: {  	v55 =	vld [tilespmem:s21+$0xFFFFFE80]  }
0x3c: {  	[tilespmem:s21+$0xFFFFFE50] =	vst v1;
	v1 =	vmul.f32 v53, v51  }
0x3d: {  	v57 =	vld [tilespmem:s21+$0xFFFFFE90]  }
0x3e: {  	v56 =	vbroadcast v0, $0x2;
	[tilespmem:s21+$0xFFFFFE60] =	vst v1;
	v1 =	vmul.f32 v54, v51  }
0x3f: {  	v58 =	vld [tilespmem:s21+$0xFFFFFEA0]  }
0x40: {  	[tilespmem:s21+$0xFFFFFE70] =	vst v1;
	v1 =	vmul.f32 v55, v56  }
0x41: {  	v59 =	vld [tilespmem:s21+$0xFFFFFEB0]  }
0x42: {  	[tilespmem:s21+$0xFFFFFE80] =	vst v1;
	v1 =	vmul.f32 v57, v56  }
0x43: {  	v60 =	vld [tilespmem:s21+$0xFFFFFEC0]  }
0x44: {  	[tilespmem:s21+$0xFFFFFE90] =	vst v1;
	v1 =	vmul.f32 v58, v56  }
0x45: {  	v62 =	vld [tilespmem:s21+$0xFFFFFED0]  }
0x46: {  	v61 =	vbroadcast v0, $0x3;
	[tilespmem:s21+$0xFFFFFEA0] =	vst v1;
	v1 =	vmul.f32 v59, v56  }
0x47: {  	v63 =	vld [tilespmem:s21+$0xFFFFFEE0]  }
0x48: {  	[tilespmem:s21+$0xFFFFFEB0] =	vst v1;
	v1 =	vmul.f32 v60, v61  }
0x49: {  	v4 =	vld [tilespmem:s21+$0xFFFFFEF0]  }
0x4a: {  	[tilespmem:s21+$0xFFFFFEC0] =	vst v1;
	v1 =	vmul.f32 v62, v61  }
0x4b: {  	v5 =	vld [tilespmem:s21+$0xFFFFFF00]  }
0x4c: {  	[tilespmem:s21+$0xFFFFFED0] =	vst v1;
	v1 =	vmul.f32 v63, v61  }
0x4d: {  	v7 =	vld [tilespmem:s21+$0xFFFFFF10]  }
0x4e: {  	v6 =	vbroadcast v0, $0x4;
	[tilespmem:s21+$0xFFFFFEE0] =	vst v1;
	v1 =	vmul.f32 v4, v61  }
0x4f: {  	v8 =	vld [tilespmem:s21+$0xFFFFFF20]  }
0x50: {  	[tilespmem:s21+$0xFFFFFEF0] =	vst v1;
	v1 =	vmul.f32 v5, v6  }
0x51: {  	v9 =	vld [tilespmem:s21+$0xFFFFFF30]  }
0x52: {  	[tilespmem:s21+$0xFFFFFF00] =	vst v1;
	v1 =	vmul.f32 v7, v6  }
0x53: {  	v10 =	vld [tilespmem:s21+$0xFFFFFF40]  }
0x54: {  	[tilespmem:s21+$0xFFFFFF10] =	vst v1;
	v1 =	vmul.f32 v8, v6  }
0x55: {  	v12 =	vld [tilespmem:s21+$0xFFFFFF50]  }
0x56: {  	v11 =	vbroadcast v0, $0x5;
	[tilespmem:s21+$0xFFFFFF20] =	vst v1;
	v1 =	vmul.f32 v9, v6  }
0x57: {  	v13 =	vld [tilespmem:s21+$0xFFFFFF60]  }
0x58: {  	[tilespmem:s21+$0xFFFFFF30] =	vst v1;
	v1 =	vmul.f32 v10, v11  }
0x59: {  	v14 =	vld [tilespmem:s21+$0xFFFFFF70]  }
0x5a: {  	[tilespmem:s21+$0xFFFFFF40] =	vst v1;
	v1 =	vmul.f32 v12, v11  }
0x5b: {  	v15 =	vld [tilespmem:s21+$0xFFFFFF80]  }
0x5c: {  	[tilespmem:s21+$0xFFFFFF50] =	vst v1;
	v1 =	vmul.f32 v13, v11  }
0x5d: {  	v17 =	vld [tilespmem:s21+$0xFFFFFF90]  }
0x5e: {  	v16 =	vbroadcast v0, $0x6;
	[tilespmem:s21+$0xFFFFFF60] =	vst v1;
	v1 =	vmul.f32 v14, v11  }
0x5f: {  	v18 =	vld [tilespmem:s21+$0xFFFFFFA0]  }
0x60: {  	[tilespmem:s21+$0xFFFFFF70] =	vst v1;
	v1 =	vmul.f32 v15, v16  }
0x61: {  	v19 =	vld [tilespmem:s21+$0xFFFFFFB0]  }
0x62: {  	[tilespmem:s21+$0xFFFFFF80] =	vst v1;
	v1 =	vmul.f32 v17, v16  }
0x63: {  	v20 =	vld [tilespmem:s21+$0xFFFFFFC0]  }
0x64: {  	[tilespmem:s21+$0xFFFFFF90] =	vst v1;
	v1 =	vmul.f32 v18, v16  }
0x65: {  	v22 =	vld [tilespmem:s21+$0xFFFFFFD0]  }
0x66: {  	v21 =	vbroadcast v0, $0x7;
	[tilespmem:s21+$0xFFFFFFA0] =	vst v1;
	v1 =	vmul.f32 v19, v16  }
0x67: {  	v23 =	vld [tilespmem:s21+$0xFFFFFFE0]  }
0x68: {  	[tilespmem:s21+$0xFFFFFFB0] =	vst v1;
	v1 =	vmul.f32 v20, v21  }
0x69: {  	v24 =	vld [tilespmem:s21+$0xFFFFFFF0]  }
0x6a: {  	[tilespmem:s21+$0xFFFFFFC0] =	vst v1;
	v1 =	vmul.f32 v22, v21  }
0x6b: {  	v25 =	vld [tilespmem:s21+$0x0]  }
0x6c: {  	[tilespmem:s21+$0xFFFFFFD0] =	vst v1;
	v1 =	vmul.f32 v23, v21  }
0x6d: {  	v27 =	vld [tilespmem:s21+$0x10]  }
0x6e: {  	v26 =	vbroadcast v0, $0x8;
	[tilespmem:s21+$0xFFFFFFE0] =	vst v1;
	v1 =	vmul.f32 v24, v21  }
0x6f: {  	v28 =	vld [tilespmem:s21+$0x20]  }
0x70: {  	[tilespmem:s21+$0xFFFFFFF0] =	vst v1;
	v1 =	vmul.f32 v25, v26  }
0x71: {  	v29 =	vld [tilespmem:s21+$0x30]  }
0x72: {  	[tilespmem:s21+$0x0] =	vst v1;
	v1 =	vmul.f32 v27, v26  }
0x73: {  	v30 =	vld [tilespmem:s21+$0x40]  }
0x74: {  	[tilespmem:s21+$0x10] =	vst v1;
	v1 =	vmul.f32 v28, v26  }
0x75: {  	v32 =	vld [tilespmem:s21+$0x50]  }
0x76: {  	v31 =	vbroadcast v0, $0x9;
	[tilespmem:s21+$0x20] =	vst v1;
	v1 =	vmul.f32 v29, v26  }
0x77: {  	v33 =	vld [tilespmem:s21+$0x60]  }
0x78: {  	[tilespmem:s21+$0x30] =	vst v1;
	v1 =	vmul.f32 v30, v31  }
0x79: {  	v34 =	vld [tilespmem:s21+$0x70]  }
0x7a: {  	[tilespmem:s21+$0x40] =	vst v1;
	v1 =	vmul.f32 v32, v31  }
0x7b: {  	v35 =	vld [tilespmem:s21+$0x80]  }
0x7c: {  	[tilespmem:s21+$0x50] =	vst v1;
	v1 =	vmul.f32 v33, v31  }
0x7d: {  	v37 =	vld [tilespmem:s21+$0x90]  }
0x7e: {  	v36 =	vbroadcast v0, $0xA;
	[tilespmem:s21+$0x60] =	vst v1;
	v1 =	vmul.f32 v34, v31  }
0x7f: {  	v38 =	vld [tilespmem:s21+$0xA0]  }
0x80: {  	[tilespmem:s21+$0x70] =	vst v1;
	v1 =	vmul.f32 v35, v36  }
0x81: {  	v39 =	vld [tilespmem:s21+$0xB0]  }
0x82: {  	[tilespmem:s21+$0x80] =	vst v1;
	v1 =	vmul.f32 v37, v36  }
0x83: {  	v40 =	vld [tilespmem:s21+$0xC0]  }
0x84: {  	[tilespmem:s21+$0x90] =	vst v1;
	v1 =	vmul.f32 v38, v36  }
0x85: {  	v42 =	vld [tilespmem:s21+$0xD0]  }
0x86: {  	v41 =	vbroadcast v0, $0xB;
	[tilespmem:s21+$0xA0] =	vst v1;
	v1 =	vmul.f32 v39, v36  }
0x87: {  	v43 =	vld [tilespmem:s21+$0xE0]  }
0x88: {  	[tilespmem:s21+$0xB0] =	vst v1;
	v1 =	vmul.f32 v40, v41  }
0x89: {  	v44 =	vld [tilespmem:s21+$0xF0]  }
0x8a: {  	[tilespmem:s21+$0xC0] =	vst v1;
	v1 =	vmul.f32 v42, v41  }
0x8b: {  	v45 =	vld [tilespmem:s21+$0x100]  }
0x8c: {  	[tilespmem:s21+$0xD0] =	vst v1;
	v1 =	vmul.f32 v43, v41  }
0x8d: {  	v47 =	vld [tilespmem:s21+$0x110]  }
0x8e: {  	v46 =	vbroadcast v0, $0xC;
	[tilespmem:s21+$0xE0] =	vst v1;
	v1 =	vmul.f32 v44, v41  }
0x8f: {  	v48 =	vld [tilespmem:s21+$0x120]  }
0x90: {  	[tilespmem:s21+$0xF0] =	vst v1;
	v1 =	vmul.f32 v45, v46  }
0x91: {  	v49 =	vld [tilespmem:s21+$0x130]  }
0x92: {  	[tilespmem:s21+$0x100] =	vst v1;
	v1 =	vmul.f32 v47, v46  }
0x93: {  	v50 =	vld [tilespmem:s21+$0x140]  }
0x94: {  	[tilespmem:s21+$0x110] =	vst v1;
	v1 =	vmul.f32 v48, v46  }
0x95: {  	v52 =	vld [tilespmem:s21+$0x150]  }
0x96: {  	v51 =	vbroadcast v0, $0xD;
	[tilespmem:s21+$0x120] =	vst v1;
	v1 =	vmul.f32 v49, v46  }
0x97: {  	v53 =	vld [tilespmem:s21+$0x160]  }
0x98: {  	[tilespmem:s21+$0x130] =	vst v1;
	v1 =	vmul.f32 v50, v51  }
0x99: {  	v54 =	vld [tilespmem:s21+$0x170]  }
0x9a: {  	[tilespmem:s21+$0x140] =	vst v1;
	v1 =	vmul.f32 v52, v51  }
0x9b: {  	v55 =	vld [tilespmem:s21+$0x180]  }
0x9c: {  	[tilespmem:s21+$0x150] =	vst v1;
	v1 =	vmul.f32 v53, v51  }
0x9d: {  	v57 =	vld [tilespmem:s21+$0x190]  }
0x9e: {  	v56 =	vbroadcast v0, $0xE;
	[tilespmem:s21+$0x160] =	vst v1;
	v1 =	vmul.f32 v54, v51  }
0x9f: {  	v58 =	vld [tilespmem:s21+$0x1A0]  }
0xa0: {  	[tilespmem:s21+$0x170] =	vst v1;
	v1 =	vmul.f32 v55, v56  }
0xa1: {  	v59 =	vld [tilespmem:s21+$0x1B0]  }
0xa2: {  	[tilespmem:s21+$0x180] =	vst v1;
	v1 =	vmul.f32 v57, v56  }
0xa3: {  	v60 =	vld [tilespmem:s21+$0x1C0]  }
0xa4: {  	[tilespmem:s21+$0x190] =	vst v1;
	v1 =	vmul.f32 v58, v56  }
0xa5: {  	v61 =	vld [tilespmem:s21+$0x1D0]  }
0xa6: {  	v0 =	vbroadcast v0, $0xF;
	[tilespmem:s21+$0x1A0] =	vst v1;
	v1 =	vmul.f32 v59, v56  }
0xa7: {  	v62 =	vld [tilespmem:s21+$0x1E0]  }
0xa8: {  	v63 =	vld [tilespmem:s21+$0x1F0];
	[tilespmem:s21+$0x1B0] =	vst v1;
	v1 =	vmul.f32 v60, v0;
	_ =	sdelay $0x1  }
0xa9: {  	p0 =	sne.s32 s20, $0x100;
	[tilespmem:s21+$0x1C0] =	vst v1;
	v1 =	vmul.f32 v61, v0  }
.Ltmp0:
0xaa: {  	_ = 	snop;
	(pc) =	sbr.rel @p0 .LBB2_3-.Ltmp0, $4  }
0xab: {  	[tilespmem:s21+$0x1D0] =	vst v1;
	v1 =	vmul.f32 v62, v0  }
0xac: {  	v0 =	vmul.f32 v63, v0  }
0xad: {  	[tilespmem:s21+$0x1E0] =	vst v1  }
0xae: {  	s20 =	sadd.s32 $0x40, s20;
	[tilespmem:s21+$0x1F0] =	vst v0;
	s21 =	sadd.s32 $0x400, s21  }
0xaf: {  	s19 =	sadd.s32 $0x1, s19  }
0xb0: {  	p0 =	sne.s32 s19, $0x7D  }
.Ltmp1:
0xb1: {  	_ = 	snop;
	(pc) =	sbr.rel @p0 .LBB2_2-.Ltmp1, $4  }
0xb2: {  	[spmem:s4] =	stream.indirect.scatter.add.f32 [tilespmem:s17], [sflag:$0x2], $0x40, s15, s15, $0xb8;
	[tilespmem:$0xB4F0] =	vst v63  }
0xb3: {  	_ =	swait.ge [sflag:s14], $0x1400  }
0xb4: {  	[sflag:s14] =	ssyncset.done $0x0  }
0xb5: {  	[sflag:s14] =	ssyncadd.s32 $0xFFFFEC00  }
0xb6: {  	s5 =	sadd.s32 $0x1, s5  }
0xb7: {  	p0 =	sne.s32 s5, s12  }
.Ltmp2:
0xb8: {  	[bflag:$0x0] =	sbarrier.arrive $0xFFFF;
	(pc) =	sbr.rel @p0 .LBB2_1-.Ltmp2, $4  }
0xb9: {  	[hbm:s11], [sflag:s9] =	dma.local [spmem:s13], $0x1400  }
0xba: {  	_ =	swait.ge [sflag:s14], $0x1400  }
0xbb: {  	[sflag:s14] =	ssyncset.done $0x0  }
0xbc: {  	[sflag:s14] =	ssyncadd.s32 $0xFFFFEC00  }
0xbd: {  	_ =	sfence.sel $0x180000  }
0xbe: {  	[bflag:$0x0] =	sbarrier.arrive $0xFFFF  }
0xbf: {  	p0 =	sne.s32 s1, $0x0;
	_ =	strace $0x9000004A  }
0xc0: {  	s0 =	sadd.s32 @!p0 $0x100000, s0;
	[bflag:$0x2] =	sbarrier.arrive $0xFFFF  }
0xc1: {  	[sflag:s0] =	ssyncadd.tile.s32 @!p0 $0x1;
	_ =	shalt  }
.Lfunc_end2:
_tile_overlayer_lowered:
.L_overlay_start_2:
0xc2: {  	(tag) =	ssettag $0x2  }
0xc3: {  	s0 =	rddreg [dreg:$0x0];
	s2 =	stileid.u32  }
0xc4: {  	s1 =	rddreg [dreg:$0x1];
	p0 =	sne.s32 s2, $0x0  }
0xc5: {  	s3 =	rddreg [dreg:$0x2];
	[bflag:$0x3] =	sbarrier.arrive $0xFFFF;
	s2 =	simm.s32 @!p0 $0x1C02  }
0xc6: {  	[timem:s3], [sflag:s2] =	dma.local @!p0 [hbm:s0], s1  }
0xc7: {  	s0 =	simm.s32 @!p0 $0x2  }
0xc8: {  	_ =	swait.ge @!p0 [sflag:s0], s1  }
0xc9: {  	s1 =	ssub.s32 @!p0 $0x0, s1;
	[sflag:s0] =	ssyncset.done @!p0 $0x0  }
0xca: {  	[sflag:s0] =	ssyncadd.s32 @!p0 s1  }
0xcb: {  	[bflag:$0x3] =	sbarrier.arrive $0xFFFF  }
0xcc: {  	_ =	shalt  }

// kernel: kernel.7.cloned.1.call-start
scs
__scs_entry_jumppad:
0x0: {  	(pc) =	sbr.rel $0x88, $3  }
0x1: {  	(tag) =	ssettag $0x0;
	lr =	simm.s32 $0x1  }
0x2: {  	[smem:$0x3F9A] =	sst lr;
	_ =	strace $0xD0000000  }
0x3: {  	_ = 	snop  }
0x4: {  	_ = 	snop  }
0x5: {  	_ = 	snop  }
0x6: {  	_ = 	snop  }
0x7: {  	_ = 	snop  }
__scs_overlays_trampoline_lowered:
0x8: {  	[smem:$0x3FA9] =	sst s0  }
0x9: {  	[smem:$0x3FAA] =	sst s1  }
0xa: {  	[smem:$0x3FAB] =	sst s2  }
0xb: {  	[smem:$0x3FAC] =	sst s3  }
0xc: {  	[smem:$0x3FAD] =	sst s4  }
0xd: {  	[smem:$0x3FAE] =	sst s5  }
0xe: {  	[smem:$0x3FAF] =	sst s6  }
0xf: {  	[smem:$0x3FB0] =	sst s7  }
0x10: {  	[smem:$0x3FB1] =	sst s8  }
0x11: {  	[smem:$0x3FB2] =	sst s9;
	s0 =	simm.s32 @!p0 $0x0  }
0x12: {  	s1 =	sld [smem:$0x3F98];
	s0 =	simm.s32 @p0 $0x1  }
0x13: {  	[smem:$0x3FB3] =	sst s0;
	s0 =	simm.s32 @!p1 $0x0  }
0x14: {  	s2 =	sld [smem:$0x3F97];
	s0 =	simm.s32 @p1 $0x1  }
0x15: {  	[smem:$0x3FB4] =	sst s0;
	s0 =	simm.s32 @!p2 $0x0  }
0x16: {  	s3 =	sld [smem:$0x3FDB];
	s0 =	simm.s32 @p2 $0x1  }
0x17: {  	s4 =	simm.s32 $0x1BF5;
	[smem:$0x3FB6] =	sst s0  }
0x18: {  	s0 =	sld [smem:$0x3F99];
	_ =	swait.ge [sflag:s4], $0x0  }
0x19: {  	s7 =	sld [smem:$0x3F9A]  }
0x1a: {  	s8 =	sadd.s32 $0xFFFFE003, lr  }
0x1b: {  	s9 =	sadd.s32 $0xFFFFFEF7, lr;
	s5 =	simm.s32 $0xFFFFFFFF;
	p2 =	slt.u32 s8, $0xFFFFF086  }
0x1c: {  	p1 =	slt.u32 s9, $0xF7A;
	s5 =	simm.s32 @!p2 $0x0  }
0x1d: {  	s5 =	simm.s32 @p1 $0x1;
	p0 =	seq.s32 s7, s2  }
0x1e: {  	s7 =	smul.u32 @!p0 $0xF7A, s2;
	p2 =	seq.s32 @!p0 s5, $0x0  }
0x1f: {  	s9 =	smul.u32 $0xF7A, s1;
	s8 =	simm.s32 @!p0 $0x1BF5;
	p2 =	por !p2, p0  }
0x20: {  	[sflag:s8] =	ssyncset.s32 @!p0 $0xFFFFF086;
	s6 =	sadd.s32 @!p0 s3, s7;
	s7 =	simm.s32 @!p0 $0x108  }
0x21: {  	s3 =	sadd.s32 s3, s9;
	s6 =	sadd.s32 @!p0 $0x88, s6;
	s7 =	simm.s32 @p2 $0x1082  }
0x22: {  	[simem:s7], [sflag:s8] =	dma.local @!p0 [hbm:s6], $0xF7A  }
0x23: {  	s9 =	sor.u32 $0xD0000000, s2;
	s6 =	simm.s32 $0x108;
	_ =	swait.ge @!p0 [sflag:s8], $0x0  }
0x24: {  	s3 =	sadd.s32 $0x88, s3;
	s6 =	simm.s32 @!p1 $0x1082;
	[sflag:s4] =	ssyncset.s32 $0xFFFFF086  }
0x25: {  	[simem:s6], [sflag:s4] =	dma.local [hbm:s3], $0xF7A  }
0x26: {  	[smem:$0x3F9A] =	sst s1;
	(tag) =	ssettag s2;
	_ =	strace s9  }
0x27: {  	s1 =	sld [smem:$0x3FAA]  }
0x28: {  	s2 =	sld [smem:$0x3FAB]  }
0x29: {  	s4 =	sld [smem:$0x3FAD]  }
0x2a: {  	p0 =	seq.s32 s5, $0x0;
	s5 =	sld [smem:$0x3FAE]  }
0x2b: {  	s6 =	sld [smem:$0x3FAF]  }
0x2c: {  	s7 =	sld [smem:$0x3FB0]  }
0x2d: {  	s3 =	simm.s32 $0x108;
	s8 =	sld [smem:$0x3FB1]  }
0x2e: {  	s3 =	simm.s32 @!p0 $0x1082;
	s9 =	sld [smem:$0x3FB2]  }
0x2f: {  	lr =	sadd.s32 s0, s3;
	s0 =	sld [smem:$0x3FA9]  }
0x30: {  	s3 =	sld [smem:$0x3FAC]  }
0x31: {  	[smem:$0x3FB5] =	sst s10  }
0x32: {  	s10 =	sld [smem:$0x3FB3];
	_ =	sdelay $0x3  }
0x33: {  	p0 =	seq.s32 s10, $0x1;
	s10 =	sld [smem:$0x3FB5];
	_ =	sdelay $0x3  }
0x34: {  	[smem:$0x3FB5] =	sst s10  }
0x35: {  	s10 =	sld [smem:$0x3FB4];
	_ =	sdelay $0x3  }
0x36: {  	p1 =	seq.s32 s10, $0x1;
	s10 =	sld [smem:$0x3FB5];
	_ =	sdelay $0x3  }
0x37: {  	[smem:$0x3FB5] =	sst s10  }
0x38: {  	s10 =	sld [smem:$0x3FB6]  }
0x39: {  	_ = 	snop;
	(pc) =	sbr.ind lr, $3  }
0x3a: {  	_ = 	snop  }
0x3b: {  	_ = 	snop  }
0x3c: {  	p2 =	seq.s32 s10, $0x1;
	s10 =	sld [smem:$0x3FB5]  }
0x3d: {  	_ =	shalt  }
0x3e: {  	_ =	shalt  }
0x3f: {  	_ =	shalt  }
0x40: {  	_ =	shalt  }
0x41: {  	_ =	shalt  }
0x42: {  	_ =	shalt  }
0x43: {  	_ =	shalt  }
0x44: {  	_ =	shalt  }
0x45: {  	_ =	shalt  }
0x46: {  	_ =	shalt  }
0x47: {  	_ =	shalt  }
0x48: {  	_ =	shalt  }
0x49: {  	_ =	shalt  }
0x4a: {  	_ =	shalt  }
0x4b: {  	_ =	shalt  }
0x4c: {  	_ =	shalt  }
0x4d: {  	_ =	shalt  }
0x4e: {  	_ =	shalt  }
0x4f: {  	_ =	shalt  }
0x50: {  	_ =	shalt  }
0x51: {  	_ =	shalt  }
0x52: {  	_ =	shalt  }
0x53: {  	_ =	shalt  }
0x54: {  	_ =	shalt  }
0x55: {  	_ =	shalt  }
0x56: {  	_ =	shalt  }
0x57: {  	_ =	shalt  }
0x58: {  	_ =	shalt  }
0x59: {  	_ =	shalt  }
0x5a: {  	_ =	shalt  }
0x5b: {  	_ =	shalt  }
0x5c: {  	_ =	shalt  }
0x5d: {  	_ =	shalt  }
0x5e: {  	_ =	shalt  }
0x5f: {  	_ =	shalt  }
0x60: {  	_ =	shalt  }
0x61: {  	_ =	shalt  }
0x62: {  	_ =	shalt  }
0x63: {  	_ =	shalt  }
0x64: {  	_ =	shalt  }
0x65: {  	_ =	shalt  }
0x66: {  	_ =	shalt  }
0x67: {  	_ =	shalt  }
0x68: {  	_ =	shalt  }
0x69: {  	_ =	shalt  }
0x6a: {  	_ =	shalt  }
0x6b: {  	_ =	shalt  }
0x6c: {  	_ =	shalt  }
0x6d: {  	_ =	shalt  }
0x6e: {  	_ =	shalt  }
0x6f: {  	_ =	shalt  }
0x70: {  	_ =	shalt  }
0x71: {  	_ =	shalt  }
0x72: {  	_ =	shalt  }
0x73: {  	_ =	shalt  }
0x74: {  	_ =	shalt  }
0x75: {  	_ =	shalt  }
0x76: {  	_ =	shalt  }
0x77: {  	_ =	shalt  }
0x78: {  	_ =	shalt  }
0x79: {  	_ =	shalt  }
0x7a: {  	_ =	shalt  }
0x7b: {  	_ =	shalt  }
0x7c: {  	_ =	shalt  }
0x7d: {  	_ =	shalt  }
0x7e: {  	_ =	shalt  }
0x7f: {  	_ =	shalt  }
0x80: {  	_ =	shalt  }
0x81: {  	_ =	shalt  }
0x82: {  	_ =	shalt  }
0x83: {  	_ =	shalt  }
0x84: {  	_ =	shalt  }
0x85: {  	_ =	shalt  }
0x86: {  	_ =	shalt  }
0x87: {  	_ =	shalt  }
.Lfunc_end0:
.L_simem_size_0:
called_computation_lowered:
.L_overlay_start_0:
0x88: {  	s2 =	sld [smem:$0x3FD9]  }
0x89: {  	s3 =	sld [smem:$0x3FFE];
	_ =	sdelay $0x1  }
0x8a: {  	s1 =	srdreg.scid  }
0x8b: {  	s0 =	sand.u32 $0x1, s1  }
0x8c: {  	s17 =	sshll.u32 s0, $0xA;
	s2 =	sadd.s32 s3, s2  }
0x8d: {  	s2 =	sadd.s32 s2, s17  }
0x8e: {  	[smem:$0x3FC1] =	sst s2  }
0x8f: {  	_ = 	snop  }
0x90: {  	s2 =	sld [smem:$0x3FC7]  }
0x91: {  	s18 =	sld [smem:$0x3FD0];
	(tm) =	ssettm $0x1  }
0x92: {  	s4 =	sld [smem:$0x3FFB];
	_ =	sdelay $0x3  }
0x93: {  	_ =	strace s4  }
0x94: {  	s4 =	sld [smem:$0x3FFC];
	_ =	sdelay $0x3  }
0x95: {  	_ =	strace s4  }
0x96: {  	s4 =	sld [smem:$0x3FFD];
	_ =	sdelay $0x3  }
0x97: {  	_ =	strace s4  }
0x98: {  	_ =	strace $0x8FFFFFFF  }
0x99: {  	s19 =	sld [smem:$0x3FDB];
	_ =	sdelay $0x1  }
0x9a: {  	s5 =	simm.s32 $_scs_section_size  }
0x9b: {  	s6 =	simm.s32 $_size__tile_overlayer_lowered;
	s7 =	simm.s32 $_tile_overlayer_lowered  }
0x9c: {  	s22 =	simm.s32 $0x1BFF;
	s21 =	sshll.u32 s7, $0x1;
	s4 =	sadd.s32 s5, s19  }
0x9d: {  	s8 =	simm.s32 $0x0;
	s20 =	sshll.u32 s6, $0x1;
	s6 =	sadd.s32 s21, s4  }
0x9e: {  	[timem:s8], [sflag:s22] =	dma.local [hbm:s6], s20  }
0x9f: {  	_ =	swait.ge [sflag:s22], s20  }
0xa0: {  	s5 =	ssub.s32 $0x0, s20;
	[sflag:s22] =	ssyncset.done $0x0  }
0xa1: {  	[sflag:s22] =	ssyncadd.s32 s5;
	_ =	sdelay $0x1  }
0xa2: {  	s23 =	simm.s32 $0x1B8B  }
0xa3: {  	_ =	swait.ge [sflag:s23], $0x1  }
0xa4: {  	[sflag:s23] =	ssyncset.done $0x0  }
0xa5: {  	s25 =	simm.s32 $0x1B8E;
	s24 =	sld [smem:$0x3FFE];
	[sflag:s23] =	ssyncadd.s32 $0xFFFFFFFF  }
0xa6: {  	s26 =	simm.s32 $execute0_lowered;
	[smem:$0x3FD2] =	sst s25  }
0xa7: {  	s6 =	sshll.u32 s26, $0x1;
	_ =	strace $0x80000046;
	[dreg:$0x1] =	wrdreg $0xFFFFFFFF  }
0xa8: {  	s28 =	simm.s32 $_size_execute0_lowered;
	s4 =	sadd.s32 s4, s6;
	[dreg:$0x0] =	wrdreg $0x0  }
0xa9: {  	s6 =	sshll.u32 s28, $0x1;
	[dreg:$0x2] =	wrdreg s4  }
0xaa: {  	[dreg:$0x3] =	wrdreg s6  }
0xab: {  	[dreg:$0x4] =	wrdreg $0xC0  }
0xac: {  	_ =	task [dreg:s8], $0x5FFFF  }
0xad: {  	[dreg:$0x1] =	wrdreg $0xFFFFFFFF  }
0xae: {  	[dreg:$0x0] =	wrdreg $0x60  }
0xaf: {  	[dreg:$0x2] =	wrdreg s24  }
0xb0: {  	[dreg:$0x3] =	wrdreg s18  }
0xb1: {  	[dreg:$0x4] =	wrdreg s2  }
0xb2: {  	[dreg:$0x5] =	wrdreg $0x28F00  }
0xb3: {  	[dreg:$0x6] =	wrdreg $0x9  }
0xb4: {  	_ =	task.clear_ibuf [dreg:s8], $0x7FFFF;
	_ =	strace $0x90000046  }
0xb5: {  	s29 =	simm.s32 $0x9;
	_ =	strace $0x80000048  }
0xb6: {  	_ =	swait.ge [sflag:s29], $0x1  }
0xb7: {  	[sflag:s29] =	ssyncadd.s32 $0xFFFFFFFF  }
0xb8: {  	_ =	strace $0x90000048  }
0xb9: {  	_ =	sfence  }
0xba: {  	s30 =	sld [smem:$0x0];
	_ =	sdelay $0x2  }
0xbb: {  	s31 =	sshll.u32 s1, $0xD;
	s1 =	sshrl.u32 s1, $0x2  }
0xbc: {  	s3 =	sand.u32 $0x4000, s31;
	s1 =	sadd.s32 s1, s30  }
0xbd: {  	s0 =	sor.u32 s3, s0;
	s1 =	sshll.u32 s1, $0x11  }
0xbe: {  	s0 =	sor.u32 s1, s0  }
0xbf: {  	s0 =	sadd.s32 $0x8F2B, s0  }
0xc0: {  	[sflag:s0] =	ssyncadd.remote.s32 $0x1  }
0xc1: {  	_ =	sfence.sel $0xFFFF  }
0xc2: {  	[dreg:$0x0] =	wrdreg $0xFFFFFFFF;
	(pc) =	sbr.abs _section_cstart, $3  }
0xc3: {  	[dreg:$0x1] =	wrdreg $0xFFFFFFFF  }
0xc4: {  	_ =	task.clear_ibuf [dreg:s8], $0x2FFFF;
	_ =	strace $0x9FFFFFFF  }
0xc5: {  	(tm) =	ssettm $0x7FFFFFFF  }
tec
execute0_lowered:
.L_overlay_start_1:
0x0: {  	(tag) =	ssettag $0x1  }
0x1: {  	s8 =	rddreg [dreg:$0x0]  }
0x2: {  	s2 =	rddreg [dreg:$0x1]  }
0x3: {  	s3 =	rddreg [dreg:$0x2]  }
0x4: {  	s4 =	rddreg [dreg:$0x3]  }
0x5: {  	s0 =	rddreg [dreg:$0x4]  }
0x6: {  	s1 =	stileid.u32;
	s6 =	srdreg.scid;
	s5 =	simm.s32 $0x0  }
0x7: {  	s15 =	simm.s32 $0x50;
	s16 =	simm.s32 $0xA0;
	s17 =	simm.s32 $0xF0  }
0x8: {  	s18 =	simm.s32 $0x1;
	s9 =	smul.u32 $0x14000, s1;
	s10 =	sand.u32 $0x1, s6  }
0x9: {  	[smem:$0x7FF] =	sst s5;
	s6 =	sadd.s32 $0xAC00, s8;
	s7 =	sadd.s32 $0xE00, s8  }
0xa: {  	s31 =	sshll.u32 s1, $0x6;
	s11 =	smul.u32 $0x140000, s10;
	_ =	strace $0x80000047  }
0xb: {  	s12 =	ssub.s32 $0x2, s10;
	s30 =	sshll.u32 s10, $0x4;
	s13 =	sshrl.u32 s9, $0x3  }
0xc: {  	s14 =	sshrl.u32 s12, $0x1;
	s29 =	sadd.s32 s9, s4;
	s10 =	sor.u32 s1, s30  }
0xd: {  	s11 =	sadd.s32 s9, s11;
	s13 =	sadd.s32 s13, s8;
	s12 =	ssub.s32 s12, s14  }
0xe: {  	s9 =	sor.u32 $0x1C02, s31;
	s10 =	smul.u32 $0x2710, s10;
	s11 =	sshrl.u32 s11, $0x3  }
0xf: {  	s14 =	simm.s32 $0x2;
	s12 =	smax.u32 s12, $0x1;
	s11 =	sadd.s32 s11, s8  }
0x10: {  	s8 =	sadd.s32 $0x32C00, s13;
	s13 =	sshrl.u32 s29, $0x3;
	s11 =	sadd.s32 $0x5AC00, s11  }
.LBB2_1:
0x11: {  	[spmem:s13], [sflag:s9] =	dma.local [hbm:s8], $0x2800  }
0x12: {  	_ =	swait.ge [sflag:s14], $0x2800  }
0x13: {  	[sflag:s14] =	ssyncset.done $0x0  }
0x14: {  	[sflag:s14] =	ssyncadd.s32 $0xFFFFD800  }
0x15: {  	s19 =	simm.s32 $0x0;
	[bflag:$0x0] =	sbarrier.arrive $0xFFFF  }
.LBB2_2:
0x16: {  	s20 =	smul.u32 $0x50, s19;
	_ =	sdelay $0x1  }
0x17: {  	s20 =	sadd.s32 s10, s20  }
0x18: {  	s21 =	sshrl.u32 s20, $0x3  }
0x19: {  	s20 =	simm.s32 $0x0;
	s22 =	sadd.s32 s7, s21  }
0x1a: {  	[tilespmem:s20], [sflag:$0x2] =	stream.linear.gather [hbm4b:s22+s20], $0x50, $0x38;
	[tilespmem:$0x168F0] =	vst v63  }
0x1b: {  	_ =	swait.ge [sflag:s14], $0x50  }
0x1c: {  	[sflag:s14] =	ssyncset.done $0x0  }
0x1d: {  	s31 =	sadd.s32 s2, s21;
	[sflag:s14] =	ssyncadd.s32 $0xFFFFFFB0  }
0x1e: {  	[tilespmem:s15], [sflag:$0x2] =	stream.linear.gather [hbm4b:s31+s20], $0x50, $0x38;
	[tilespmem:$0x168F0] =	vst v63  }
0x1f: {  	_ =	swait.ge [sflag:s14], $0x50  }
0x20: {  	[sflag:s14] =	ssyncset.done $0x0  }
0x21: {  	s21 =	sadd.s32 s3, s21;
	[sflag:s14] =	ssyncadd.s32 $0xFFFFFFB0  }
0x22: {  	[tilespmem:s16], [sflag:$0x2] =	stream.linear.gather [hbm4b:s21+s20], $0x50, $0x38;
	[tilespmem:$0x168F0] =	vst v63  }
0x23: {  	_ =	swait.ge [sflag:s14], $0x50  }
0x24: {  	[sflag:s14] =	ssyncset.done $0x0  }
0x25: {  	[sflag:s14] =	ssyncadd.s32 $0xFFFFFFB0  }
0x26: {  	[tilespmem:s17], [sflag:$0x1] =	stream.indirect.gather [hbm4b:s6+s15], $0x80, s20, s15, $0xb8;
	[tilespmem:$0x168F0] =	vst v63  }
0x27: {  	_ =	swait.ge [sflag:s18], $0x2800  }
0x28: {  	[sflag:s18] =	ssyncset.done $0x0  }
0x29: {  	[sflag:s18] =	ssyncadd.s32 $0xFFFFD800  }
.LBB2_3:
0x2a: {  	s21 =	sshll.u32 s20, $0x4  }
0x2b: {  	s21 =	sand.u32 $0x3FFFFFF0, s21  }
0x2c: {  	s31 =	sshll.u32 s20, $0xB;
	v0 =	vld [tilespmem:s21+$0xA0]  }
0x2d: {  	s21 =	sand.u32 $0x3FFFF800, s31  }
0x2e: {  	v1 =	vld [tilespmem:s21+$0xF0]  }
0x2f: {  	v2 =	vld [tilespmem:s21+$0x100]  }
0x30: {  	v3 =	vld [tilespmem:s21+$0x110]  }
0x31: {  	v5 =	vld [tilespmem:s21+$0x120];
	v4 =	vbroadcast v0, $0x0  }
0x32: {  	v6 =	vld [tilespmem:s21+$0x130]  }
0x33: {  	v7 =	vld [tilespmem:s21+$0x140];
	v1 =	vmul.f32 v4, v1  }
0x34: {  	v8 =	vld [tilespmem:s21+$0x150];
	v2 =	vmul.f32 v2, v4  }
0x35: {  	v14 =	vld [tilespmem:s21+$0x160];
	v13 =	vmul.f32 v3, v4;
	[tilespmem:s21+$0xF0] =	vst v1  }
0x36: {  	v16 =	vld [tilespmem:s21+$0x170];
	v15 =	vmul.f32 v5, v4;
	[tilespmem:s21+$0x100] =	vst v2  }
0x37: {  	v18 =	vld [tilespmem:s21+$0x180];
	v17 =	vmul.f32 v6, v4;
	[tilespmem:s21+$0x110] =	vst v13  }
0x38: {  	v20 =	vld [tilespmem:s21+$0x190];
	v19 =	vmul.f32 v7, v4;
	[tilespmem:s21+$0x120] =	vst v15  }
0x39: {  	v9 =	vld [tilespmem:s21+$0x1A0];
	v22 =	vbroadcast v0, $0x1;
	v21 =	vmul.f32 v8, v4;
	[tilespmem:s21+$0x130] =	vst v17  }
0x3a: {  	v24 =	vld [tilespmem:s21+$0x1B0];
	v23 =	vmul.f32 v14, v4;
	[tilespmem:s21+$0x140] =	vst v19  }
0x3b: {  	v26 =	vld [tilespmem:s21+$0x1C0];
	v25 =	vmul.f32 v16, v22;
	[tilespmem:s21+$0x150] =	vst v21  }
0x3c: {  	v28 =	vld [tilespmem:s21+$0x1D0];
	v27 =	vmul.f32 v18, v22;
	[tilespmem:s21+$0x160] =	vst v23  }
0x3d: {  	v30 =	vld [tilespmem:s21+$0x1E0];
	v29 =	vmul.f32 v20, v22;
	[tilespmem:s21+$0x170] =	vst v25  }
0x3e: {  	v32 =	vld [tilespmem:s21+$0x1F0];
	v31 =	vmul.f32 v9, v22;
	[tilespmem:s21+$0x180] =	vst v27  }
0x3f: {  	v34 =	vld [tilespmem:s21+$0x200];
	v33 =	vmul.f32 v24, v22;
	[tilespmem:s21+$0x190] =	vst v29  }
0x40: {  	v36 =	vld [tilespmem:s21+$0x210];
	v35 =	vmul.f32 v26, v22;
	[tilespmem:s21+$0x1A0] =	vst v31  }
0x41: {  	v39 =	vld [tilespmem:s21+$0x220];
	v38 =	vbroadcast v0, $0x2;
	v37 =	vmul.f32 v28, v22;
	[tilespmem:s21+$0x1B0] =	vst v33  }
0x42: {  	v41 =	vld [tilespmem:s21+$0x230];
	v40 =	vmul.f32 v30, v22;
	[tilespmem:s21+$0x1C0] =	vst v35  }
0x43: {  	v43 =	vld [tilespmem:s21+$0x240];
	v42 =	vmul.f32 v32, v38;
	[tilespmem:s21+$0x1D0] =	vst v37  }
0x44: {  	v45 =	vld [tilespmem:s21+$0x250];
	v44 =	vmul.f32 v34, v38;
	[tilespmem:s21+$0x1E0] =	vst v40  }
0x45: {  	v47 =	vld [tilespmem:s21+$0x260];
	v46 =	vmul.f32 v36, v38;
	[tilespmem:s21+$0x1F0] =	vst v42  }
0x46: {  	v49 =	vld [tilespmem:s21+$0x270];
	v48 =	vmul.f32 v39, v38;
	[tilespmem:s21+$0x200] =	vst v44  }
0x47: {  	v51 =	vld [tilespmem:s21+$0x280];
	v50 =	vmul.f32 v41, v38;
	[tilespmem:s21+$0x210] =	vst v46  }
0x48: {  	v53 =	vld [tilespmem:s21+$0x290];
	v52 =	vmul.f32 v43, v38;
	[tilespmem:s21+$0x220] =	vst v48  }
0x49: {  	v12 =	vld [tilespmem:s21+$0x2E0];
	v55 =	vbroadcast v0, $0x3;
	v54 =	vmul.f32 v45, v38;
	[tilespmem:s21+$0x230] =	vst v50  }
0x4a: {  	v56 =	vld [tilespmem:s21+$0x2A0];
	v57 =	vmul.f32 v47, v38;
	[tilespmem:s21+$0x240] =	vst v52  }
0x4b: {  	v58 =	vld [tilespmem:s21+$0x2B0];
	v59 =	vmul.f32 v49, v55;
	[tilespmem:s21+$0x250] =	vst v54  }
0x4c: {  	v60 =	vld [tilespmem:s21+$0x2C0];
	v61 =	vmul.f32 v51, v55;
	[tilespmem:s21+$0x260] =	vst v57  }
0x4d: {  	v62 =	vld [tilespmem:s21+$0x2D0];
	v63 =	vmul.f32 v53, v55;
	[tilespmem:s21+$0x270] =	vst v59  }
0x4e: {  	v14 =	vld [tilespmem:s21+$0x2F0];
	v22 =	vmul.f32 v12, v55;
	[tilespmem:s21+$0x280] =	vst v61  }
0x4f: {  	v16 =	vld [tilespmem:s21+$0x300];
	v13 =	vmul.f32 v56, v55;
	[tilespmem:s21+$0x290] =	vst v63  }
0x50: {  	v18 =	vld [tilespmem:s21+$0x310];
	v15 =	vmul.f32 v58, v55;
	[tilespmem:s21+$0x2E0] =	vst v22  }
0x51: {  	v20 =	vbroadcast v0, $0x4;
	v38 =	vld [tilespmem:s21+$0x3A0];
	v17 =	vmul.f32 v60, v55;
	[tilespmem:s21+$0x2A0] =	vst v13  }
0x52: {  	v19 =	vmul.f32 v62, v55;
	v21 =	vld [tilespmem:s21+$0x320];
	[tilespmem:s21+$0x2B0] =	vst v15  }
0x53: {  	v23 =	vld [tilespmem:s21+$0x330];
	[tilespmem:s21+$0x2C0] =	vst v17;
	v24 =	vmul.f32 v14, v20  }
0x54: {  	v25 =	vld [tilespmem:s21+$0x340];
	v37 =	vbroadcast v0, $0x5;
	[tilespmem:s21+$0x2D0] =	vst v19;
	v26 =	vmul.f32 v16, v20  }
0x55: {  	v27 =	vld [tilespmem:s21+$0x350];
	v28 =	vmul.f32 v18, v20;
	[tilespmem:s21+$0x2F0] =	vst v24  }
0x56: {  	v29 =	vld [tilespmem:s21+$0x360];
	v47 =	vmul.f32 v38, v37;
	[tilespmem:s21+$0x300] =	vst v26  }
0x57: {  	v31 =	vld [tilespmem:s21+$0x370];
	v30 =	vmul.f32 v21, v20;
	[tilespmem:s21+$0x310] =	vst v28  }
0x58: {  	v33 =	vld [tilespmem:s21+$0x380];
	v32 =	vmul.f32 v23, v20;
	[tilespmem:s21+$0x3A0] =	vst v47  }
0x59: {  	v35 =	vld [tilespmem:s21+$0x390];
	v34 =	vmul.f32 v25, v20;
	[tilespmem:s21+$0x320] =	vst v30  }
0x5a: {  	v40 =	vld [tilespmem:s21+$0x3B0];
	v36 =	vmul.f32 v27, v20;
	[tilespmem:s21+$0x330] =	vst v32  }
0x5b: {  	v42 =	vld [tilespmem:s21+$0x3C0];
	v39 =	vmul.f32 v29, v20;
	[tilespmem:s21+$0x340] =	vst v34  }
0x5c: {  	v44 =	vld [tilespmem:s21+$0x3D0];
	v41 =	vmul.f32 v31, v37;
	[tilespmem:s21+$0x350] =	vst v36  }
0x5d: {  	v46 =	vld [tilespmem:s21+$0x3E0];
	v43 =	vmul.f32 v33, v37;
	[tilespmem:s21+$0x360] =	vst v39  }
0x5e: {  	v48 =	vld [tilespmem:s21+$0x3F0];
	v45 =	vmul.f32 v35, v37;
	[tilespmem:s21+$0x370] =	vst v41  }
0x5f: {  	v50 =	vld [tilespmem:s21+$0x400];
	v49 =	vmul.f32 v40, v37;
	[tilespmem:s21+$0x380] =	vst v43  }
0x60: {  	v52 =	vld [tilespmem:s21+$0x410];
	v51 =	vmul.f32 v42, v37;
	[tilespmem:s21+$0x390] =	vst v45  }
0x61: {  	v54 =	vbroadcast v0, $0x6;
	v55 =	vld [tilespmem:s21+$0x420];
	v53 =	vmul.f32 v44, v37;
	[tilespmem:s21+$0x3B0] =	vst v49  }
0x62: {  	v57 =	vld [tilespmem:s21+$0x430];
	v56 =	vmul.f32 v46, v37;
	[tilespmem:s21+$0x3C0] =	vst v51  }
0x63: {  	v59 =	vld [tilespmem:s21+$0x440];
	v58 =	vmul.f32 v48, v54;
	[tilespmem:s21+$0x3D0] =	vst v53  }
0x64: {  	v61 =	vld [tilespmem:s21+$0x450];
	v60 =	vmul.f32 v50, v54;
	[tilespmem:s21+$0x3E0] =	vst v56  }
0x65: {  	v63 =	vld [tilespmem:s21+$0x460];
	v62 =	vmul.f32 v52, v54;
	[tilespmem:s21+$0x3F0] =	vst v58  }
0x66: {  	v22 =	vld [tilespmem:s21+$0x4B0];
	v12 =	vmul.f32 v55, v54;
	[tilespmem:s21+$0x400] =	vst v60  }
0x67: {  	v13 =	vld [tilespmem:s21+$0x470];
	v14 =	vmul.f32 v57, v54;
	[tilespmem:s21+$0x410] =	vst v62  }
0x68: {  	v15 =	vld [tilespmem:s21+$0x480];
	v16 =	vmul.f32 v59, v54;
	[tilespmem:s21+$0x420] =	vst v12  }
0x69: {  	v17 =	vld [tilespmem:s21+$0x490];
	v19 =	vbroadcast v0, $0x7;
	v18 =	vmul.f32 v61, v54;
	[tilespmem:s21+$0x430] =	vst v14  }
0x6a: {  	v20 =	vld [tilespmem:s21+$0x4A0];
	v21 =	vmul.f32 v63, v54;
	[tilespmem:s21+$0x440] =	vst v16  }
0x6b: {  	v24 =	vld [tilespmem:s21+$0x4C0];
	v31 =	vmul.f32 v22, v19;
	[tilespmem:s21+$0x450] =	vst v18  }
0x6c: {  	v26 =	vld [tilespmem:s21+$0x4D0];
	v23 =	vmul.f32 v13, v19;
	[tilespmem:s21+$0x460] =	vst v21  }
0x6d: {  	v28 =	vld [tilespmem:s21+$0x4E0];
	v25 =	vmul.f32 v15, v19;
	[tilespmem:s21+$0x4B0] =	vst v31  }
0x6e: {  	v37 =	vld [tilespmem:s21+$0x520];
	v27 =	vmul.f32 v17, v19;
	[tilespmem:s21+$0x470] =	vst v23  }
0x6f: {  	v47 =	vld [tilespmem:s21+$0x570];
	[tilespmem:s21+$0x480] =	vst v25;
	v29 =	vmul.f32 v20, v19  }
0x70: {  	v54 =	vld [tilespmem:s21+$0x5A0];
	[tilespmem:s21+$0x490] =	vst v27;
	v33 =	vmul.f32 v24, v19  }
0x71: {  	v30 =	vld [tilespmem:s21+$0x4F0];
	v36 =	vbroadcast v0, $0x8;
	v35 =	vmul.f32 v26, v19;
	[tilespmem:s21+$0x4A0] =	vst v29  }
0x72: {  	v32 =	vld [tilespmem:s21+$0x500];
	v53 =	vbroadcast v0, $0x9;
	v38 =	vmul.f32 v28, v19;
	[tilespmem:s21+$0x4C0] =	vst v33  }
0x73: {  	v34 =	vld [tilespmem:s21+$0x510];
	v46 =	vmul.f32 v37, v36;
	[tilespmem:s21+$0x4D0] =	vst v35  }
0x74: {  	v39 =	vld [tilespmem:s21+$0x530];
	v57 =	vmul.f32 v47, v53;
	[tilespmem:s21+$0x4E0] =	vst v38  }
0x75: {  	v41 =	vld [tilespmem:s21+$0x540];
	v63 =	vmul.f32 v54, v53;
	[tilespmem:s21+$0x520] =	vst v46  }
0x76: {  	v43 =	vld [tilespmem:s21+$0x550];
	v40 =	vmul.f32 v30, v36;
	[tilespmem:s21+$0x570] =	vst v57  }
0x77: {  	v45 =	vld [tilespmem:s21+$0x560];
	v42 =	vmul.f32 v32, v36;
	[tilespmem:s21+$0x5A0] =	vst v63  }
0x78: {  	v49 =	vld [tilespmem:s21+$0x580];
	v44 =	vmul.f32 v34, v36;
	[tilespmem:s21+$0x4F0] =	vst v40  }
0x79: {  	v51 =	vld [tilespmem:s21+$0x590];
	v48 =	vmul.f32 v39, v36;
	[tilespmem:s21+$0x500] =	vst v42  }
0x7a: {  	v56 =	vld [tilespmem:s21+$0x5B0];
	v50 =	vmul.f32 v41, v36;
	[tilespmem:s21+$0x510] =	vst v44  }
0x7b: {  	v58 =	vld [tilespmem:s21+$0x5C0];
	v52 =	vmul.f32 v43, v36;
	[tilespmem:s21+$0x530] =	vst v48  }
0x7c: {  	v60 =	vld [tilespmem:s21+$0x5D0];
	v55 =	vmul.f32 v45, v36;
	[tilespmem:s21+$0x540] =	vst v50  }
0x7d: {  	v62 =	vld [tilespmem:s21+$0x5E0];
	v59 =	vmul.f32 v49, v53;
	[tilespmem:s21+$0x550] =	vst v52  }
0x7e: {  	v12 =	vld [tilespmem:s21+$0x5F0];
	v61 =	vmul.f32 v51, v53;
	[tilespmem:s21+$0x560] =	vst v55  }
0x7f: {  	v14 =	vld [tilespmem:s21+$0x600];
	v13 =	vmul.f32 v56, v53;
	[tilespmem:s21+$0x580] =	vst v59  }
0x80: {  	v16 =	vld [tilespmem:s21+$0x610];
	v15 =	vmul.f32 v58, v53;
	[tilespmem:s21+$0x590] =	vst v61  }
0x81: {  	v18 =	vbroadcast v0, $0xA;
	v21 =	vld [tilespmem:s21+$0x630];
	v17 =	vmul.f32 v60, v53;
	[tilespmem:s21+$0x5B0] =	vst v13  }
0x82: {  	v23 =	vld [tilespmem:s21+$0x640];
	v20 =	vmul.f32 v62, v53;
	[tilespmem:s21+$0x5C0] =	vst v15  }
0x83: {  	v25 =	vld [tilespmem:s21+$0x650];
	v22 =	vmul.f32 v12, v18;
	[tilespmem:s21+$0x5D0] =	vst v17  }
0x84: {  	v27 =	vld [tilespmem:s21+$0x660];
	v24 =	vmul.f32 v14, v18;
	[tilespmem:s21+$0x5E0] =	vst v20  }
0x85: {  	v31 =	vld [tilespmem:s21+$0x680];
	v26 =	vmul.f32 v16, v18;
	[tilespmem:s21+$0x5F0] =	vst v22  }
0x86: {  	v19 =	vld [tilespmem:s21+$0x620];
	v30 =	vmul.f32 v21, v18;
	[tilespmem:s21+$0x600] =	vst v24  }
0x87: {  	v29 =	vld [tilespmem:s21+$0x670];
	[tilespmem:s21+$0x610] =	vst v26;
	v32 =	vmul.f32 v23, v18  }
0x88: {  	v33 =	vld [tilespmem:s21+$0x690];
	v35 =	vbroadcast v0, $0xB;
	[tilespmem:s21+$0x630] =	vst v30;
	v34 =	vmul.f32 v25, v18  }
0x89: {  	v36 =	vld [tilespmem:s21+$0x6A0];
	v37 =	vmul.f32 v27, v18;
	[tilespmem:s21+$0x640] =	vst v32  }
0x8a: {  	v38 =	vld [tilespmem:s21+$0x6B0];
	v41 =	vmul.f32 v31, v35;
	[tilespmem:s21+$0x650] =	vst v34  }
0x8b: {  	v46 =	vld [tilespmem:s21+$0x6F0];
	v28 =	vmul.f32 v19, v18;
	[tilespmem:s21+$0x660] =	vst v37  }
0x8c: {  	v53 =	vld [tilespmem:s21+$0x720];
	[tilespmem:s21+$0x680] =	vst v41;
	v39 =	vmul.f32 v29, v35  }
0x8d: {  	v57 =	vld [tilespmem:s21+$0x740];
	[tilespmem:s21+$0x620] =	vst v28;
	v43 =	vmul.f32 v33, v35  }
0x8e: {  	v63 =	vld [tilespmem:s21+$0x770];
	v52 =	vbroadcast v0, $0xC;
	v45 =	vmul.f32 v36, v35;
	[tilespmem:s21+$0x670] =	vst v39  }
0x8f: {  	v40 =	vld [tilespmem:s21+$0x6C0];
	v47 =	vmul.f32 v38, v35;
	[tilespmem:s21+$0x690] =	vst v43  }
0x90: {  	v42 =	vld [tilespmem:s21+$0x6D0];
	v56 =	vmul.f32 v46, v52;
	[tilespmem:s21+$0x6A0] =	vst v45  }
0x91: {  	v44 =	vld [tilespmem:s21+$0x6E0];
	v17 =	vbroadcast v0, $0xD;
	v62 =	vmul.f32 v53, v52;
	[tilespmem:s21+$0x6B0] =	vst v47  }
0x92: {  	v48 =	vld [tilespmem:s21+$0x700];
	v14 =	vmul.f32 v57, v52;
	[tilespmem:s21+$0x6F0] =	vst v56  }
0x93: {  	v50 =	vld [tilespmem:s21+$0x710];
	v21 =	vmul.f32 v63, v17;
	[tilespmem:s21+$0x720] =	vst v62  }
0x94: {  	v55 =	vld [tilespmem:s21+$0x730];
	v49 =	vmul.f32 v40, v35;
	[tilespmem:s21+$0x740] =	vst v14  }
0x95: {  	v59 =	vld [tilespmem:s21+$0x750];
	v51 =	vmul.f32 v42, v35;
	[tilespmem:s21+$0x770] =	vst v21  }
0x96: {  	v61 =	vld [tilespmem:s21+$0x760];
	v54 =	vmul.f32 v44, v35;
	[tilespmem:s21+$0x6C0] =	vst v49  }
0x97: {  	v13 =	vld [tilespmem:s21+$0x780];
	v58 =	vmul.f32 v48, v52;
	[tilespmem:s21+$0x6D0] =	vst v51  }
0x98: {  	v15 =	vld [tilespmem:s21+$0x790];
	v60 =	vmul.f32 v50, v52;
	[tilespmem:s21+$0x6E0] =	vst v54  }
0x99: {  	v20 =	vld [tilespmem:s21+$0x7B0];
	v12 =	vmul.f32 v55, v52;
	[tilespmem:s21+$0x700] =	vst v58  }
0x9a: {  	v22 =	vld [tilespmem:s21+$0x7C0];
	v16 =	vmul.f32 v59, v52;
	[tilespmem:s21+$0x710] =	vst v60  }
0x9b: {  	v24 =	vld [tilespmem:s21+$0x7D0];
	v19 =	vmul.f32 v61, v52;
	[tilespmem:s21+$0x730] =	vst v12  }
0x9c: {  	v26 =	vld [tilespmem:s21+$0x7E0];
	v23 =	vmul.f32 v13, v17;
	[tilespmem:s21+$0x750] =	vst v16  }
0x9d: {  	v30 =	vld [tilespmem:s21+$0x800];
	v25 =	vmul.f32 v15, v17;
	[tilespmem:s21+$0x760] =	vst v19  }
0x9e: {  	v18 =	vld [tilespmem:s21+$0x7A0];
	v29 =	vmul.f32 v20, v17;
	[tilespmem:s21+$0x780] =	vst v23  }
0x9f: {  	v32 =	vld [tilespmem:s21+$0x810];
	v31 =	vmul.f32 v22, v17;
	[tilespmem:s21+$0x790] =	vst v25  }
0xa0: {  	v34 =	vbroadcast v0, $0xE;
	v37 =	vld [tilespmem:s21+$0x830];
	v33 =	vmul.f32 v24, v17;
	[tilespmem:s21+$0x7B0] =	vst v29  }
0xa1: {  	v41 =	vld [tilespmem:s21+$0x850];
	v36 =	vmul.f32 v26, v17;
	[tilespmem:s21+$0x7C0] =	vst v31  }
0xa2: {  	v28 =	vld [tilespmem:s21+$0x7F0];
	v40 =	vmul.f32 v30, v34;
	[tilespmem:s21+$0x7D0] =	vst v33  }
0xa3: {  	v53 =	vld [tilespmem:s21+$0x8B0];
	v27 =	vmul.f32 v18, v17;
	[tilespmem:s21+$0x7E0] =	vst v36  }
0xa4: {  	v57 =	vld [tilespmem:s21+$0x8D0];
	v42 =	vmul.f32 v32, v34;
	[tilespmem:s21+$0x800] =	vst v40  }
0xa5: {  	v35 =	vld [tilespmem:s21+$0x820];
	v46 =	vmul.f32 v37, v34;
	[tilespmem:s21+$0x7A0] =	vst v27  }
0xa6: {  	v0 =	vbroadcast v0, $0xF;
	v39 =	vld [tilespmem:s21+$0x840];
	v50 =	vmul.f32 v41, v34;
	[tilespmem:s21+$0x810] =	vst v42  }
0xa7: {  	v43 =	vld [tilespmem:s21+$0x860];
	v38 =	vmul.f32 v28, v34;
	[tilespmem:s21+$0x830] =	vst v46  }
0xa8: {  	v45 =	vld [tilespmem:s21+$0x870];
	v61 =	vmul.f32 v53, v0;
	[tilespmem:s21+$0x850] =	vst v50  }
0xa9: {  	v47 =	vld [tilespmem:s21+$0x880];
	v63 =	vmul.f32 v57, v0;
	[tilespmem:s21+$0x7F0] =	vst v38  }
0xaa: {  	v55 =	vld [tilespmem:s21+$0x8C0];
	v44 =	vmul.f32 v35, v34;
	[tilespmem:s21+$0x8B0] =	vst v61  }
0xab: {  	v49 =	vld [tilespmem:s21+$0x890];
	v48 =	vmul.f32 v39, v34;
	[tilespmem:s21+$0x8D0] =	vst v63  }
0xac: {  	v51 =	vld [tilespmem:s21+$0x8A0];
	v52 =	vmul.f32 v43, v34;
	[tilespmem:s21+$0x820] =	vst v44  }
0xad: {  	v59 =	vld [tilespmem:s21+$0x8E0];
	v54 =	vmul.f32 v45, v0;
	[tilespmem:s21+$0x840] =	vst v48  }
0xae: {  	v56 =	vmul.f32 v47, v0;
	[tilespmem:s21+$0x860] =	vst v52  }
0xaf: {  	p0 =	sne.s32 s20, $0x4;
	v62 =	vmul.f32 v55, v0;
	[tilespmem:s21+$0x870] =	vst v54  }
.Ltmp0:
0xb0: {  	v58 =	vmul.f32 v49, v0;
	[tilespmem:s21+$0x880] =	vst v56;
	(pc) =	sbr.rel @p0 .LBB2_3-.Ltmp0, $4  }
0xb1: {  	v60 =	vmul.f32 v51, v0;
	[tilespmem:s21+$0x8C0] =	vst v62  }
0xb2: {  	v0 =	vmul.f32 v59, v0;
	[tilespmem:s21+$0x890] =	vst v58  }
0xb3: {  	[tilespmem:s21+$0x8A0] =	vst v60  }
0xb4: {  	s20 =	sadd.s32 $0x1, s20;
	[tilespmem:s21+$0x8E0] =	vst v0  }
0xb5: {  	s19 =	sadd.s32 $0x1, s19  }
0xb6: {  	p0 =	sne.s32 s19, $0x7D  }
.Ltmp1:
0xb7: {  	_ = 	snop;
	(pc) =	sbr.rel @p0 .LBB2_2-.Ltmp1, $4  }
0xb8: {  	[spmem:s4] =	stream.indirect.scatter.add.f32 [tilespmem:s17], [sflag:$0x2], $0x80, s15, s15, $0xb8;
	[tilespmem:$0x168F0] =	vst v63  }
0xb9: {  	_ =	swait.ge [sflag:s14], $0x2800  }
0xba: {  	[sflag:s14] =	ssyncset.done $0x0  }
0xbb: {  	[sflag:s14] =	ssyncadd.s32 $0xFFFFD800  }
0xbc: {  	s5 =	sadd.s32 $0x1, s5  }
0xbd: {  	p0 =	sne.s32 s5, s12  }
.Ltmp2:
0xbe: {  	[bflag:$0x0] =	sbarrier.arrive $0xFFFF;
	(pc) =	sbr.rel @p0 .LBB2_1-.Ltmp2, $4  }
0xbf: {  	[hbm:s11], [sflag:s9] =	dma.local [spmem:s13], $0x2800  }
0xc0: {  	_ =	swait.ge [sflag:s14], $0x2800  }
0xc1: {  	[sflag:s14] =	ssyncset.done $0x0  }
0xc2: {  	[sflag:s14] =	ssyncadd.s32 $0xFFFFD800  }
0xc3: {  	_ =	sfence.sel $0x180000  }
0xc4: {  	[bflag:$0x0] =	sbarrier.arrive $0xFFFF  }
0xc5: {  	p0 =	sne.s32 s1, $0x0;
	_ =	strace $0x90000047  }
0xc6: {  	s0 =	sadd.s32 @!p0 $0x100000, s0;
	[bflag:$0x2] =	sbarrier.arrive $0xFFFF  }
0xc7: {  	[sflag:s0] =	ssyncadd.tile.s32 @!p0 $0x1;
	_ =	shalt  }
.Lfunc_end2:
_tile_overlayer_lowered:
.L_overlay_start_2:
0xc8: {  	(tag) =	ssettag $0x2  }
0xc9: {  	s0 =	rddreg [dreg:$0x0];
	s2 =	stileid.u32  }
0xca: {  	s1 =	rddreg [dreg:$0x1];
	p0 =	sne.s32 s2, $0x0  }
0xcb: {  	s3 =	rddreg [dreg:$0x2];
	[bflag:$0x3] =	sbarrier.arrive $0xFFFF;
	s2 =	simm.s32 @!p0 $0x1C02  }
0xcc: {  	[timem:s3], [sflag:s2] =	dma.local @!p0 [hbm:s0], s1  }
0xcd: {  	s0 =	simm.s32 @!p0 $0x2  }
0xce: {  	_ =	swait.ge @!p0 [sflag:s0], s1  }
0xcf: {  	s1 =	ssub.s32 @!p0 $0x0, s1;
	[sflag:s0] =	ssyncset.done @!p0 $0x0  }
0xd0: {  	[sflag:s0] =	ssyncadd.s32 @!p0 s1  }
0xd1: {  	[bflag:$0x3] =	sbarrier.arrive $0xFFFF  }
0xd2: {  	_ =	shalt  }

</sc_bundles>
